<compile_context>
chip_gen: v7x
topology: tpu7x:2x2x1
jax: 0.10.2.dev20260603
libtpu: 0.0.44.dev20260713+nightly
codegen_flags: <defaults>
</compile_context>

<pallas_src>
import functools

import jax
import jax.numpy as jnp
from jax import lax
from jax.experimental import pallas as pl
from jax.experimental.pallas import tpu as pltpu
from jax.experimental.pallas import tpu_sc as plsc

SEQ_LEN = 200
CHUNK = 128
NBUF = 10
AHEAD = 8


def _sc_kernel_body(n_chunks, nc, idx_hbm, pos2_hbm, table_hbm, out_hbm,
                    idx_v, pos2_sh, buf, gsem, ssem):
    wid = lax.axis_index("s") * nc + lax.axis_index("c")

    pltpu.sync_copy(idx_hbm.at[pl.ds(wid * n_chunks, n_chunks)], idx_v)

    @pl.when(lax.axis_index("s") == 0)
    def _():
        pltpu.sync_copy(pos2_hbm, pos2_sh)

    plsc.subcore_barrier()

    base = wid * (n_chunks * CHUNK)

    def gather(c, slot):
        return pltpu.make_async_copy(
            table_hbm.at[idx_v.at[c]], buf.at[slot], gsem.at[slot])

    def store(c, slot):
        return pltpu.make_async_copy(
            buf.at[slot], out_hbm.at[pl.ds(base + c * CHUNK, CHUNK)],
            ssem.at[slot])

    def pos_init(c, slot):
        phi = lax.rem(c * CHUNK, SEQ_LEN)
        pltpu.sync_copy(pos2_sh.at[pl.ds(phi, CHUNK)], buf.at[slot])

    for b in range(AHEAD):
        pos_init(b, b)
        gather(b, b).start(add=True)

    @pl.loop(0, n_chunks // NBUF)
    def _grp(g):
        for b in range(NBUF):
            c = g * NBUF + b
            sf = (b + AHEAD) % NBUF

            @pl.when(c + AHEAD < n_chunks)
            def _():
                @pl.when(c + AHEAD >= NBUF)
                def _():
                    store(0, sf).wait()
                pos_init(c + AHEAD, sf)
                gather(c + AHEAD, sf).start(add=True)

            gather(c, b).wait()
            store(c, b).start()

    for b in range(NBUF):
        store(0, b).wait()


def kernel(inputs, table, pos):
    B, L = inputs.shape
    V, D = table.shape
    total = B * L
    mesh = plsc.VectorSubcoreMesh(
        core_axis_name="c", subcore_axis_name="s",
        num_cores=2, num_subcores=16)
    n_workers = mesh.num_cores * mesh.num_subcores
    rows_per_w = total // n_workers
    n_chunks = rows_per_w // CHUNK
    assert rows_per_w * n_workers == total
    assert n_chunks * CHUNK == rows_per_w
    assert n_chunks % NBUF == 0 and AHEAD < NBUF
    assert rows_per_w % L == 0

    idx = inputs.reshape(total // CHUNK, CHUNK).astype(jnp.int32)
    pos2 = jnp.concatenate([pos, pos], axis=0)

    k = pl.kernel(
        functools.partial(_sc_kernel_body, n_chunks, mesh.num_cores),
        out_type=jax.ShapeDtypeStruct((total, D), jnp.float32),
        mesh=mesh,
        scratch_types=[
            pltpu.VMEM((n_chunks, CHUNK), jnp.int32),
            pltpu.VMEM_SHARED((2 * L, D), jnp.float32),
            pltpu.VMEM((NBUF, CHUNK, D), jnp.float32),
            pltpu.SemaphoreType.DMA((NBUF,)),
            pltpu.SemaphoreType.DMA((NBUF,)),
        ],
        compiler_params=pltpu.CompilerParams(use_tc_tiling_on_sc=False),
    )
    out = k(idx, pos2, table)
    return out.reshape(B, L, D)

# --- scband reference (transcript-rebuilt; emitter-appended) ---
"""Pipeline reference for scband-positional-embedding-8005819039876 (READ-ONLY COPY).

The authoritative reference and input builder live on the scoring server;
editing this copy changes nothing except your own understanding.
"""

import jax, jax.numpy as jnp
import numpy as np

SEQ_LEN = 200
VOCAB = 1000000
EMBED_DIM = 32
BATCH = 4096

def pos_enc_matrix(L, d, n=10000):
    assert d % 2 == 0
    d2 = d // 2
    P = np.zeros((L, d), dtype=np.float64)
    k = np.arange(L).reshape(-1, 1)
    i = np.arange(d2).reshape(1, -1)
    denom = np.power(n, -i / d2)
    args = k * denom
    P[:, ::2] = np.sin(args)
    P[:, 1::2] = np.cos(args)
    return P.astype(np.float32)

def setup_inputs(seed: int = 0) -> dict:
    key = jax.random.key(seed)
    k1, k2 = jax.random.split(key)
    inputs = jax.random.randint(k1, (BATCH, SEQ_LEN), 0, VOCAB, dtype=jnp.int64 if jax.config.read('jax_enable_x64') else jnp.int32)
    table = jax.random.normal(k2, (VOCAB, EMBED_DIM), dtype=jnp.float32) * 0.02
    pos = jnp.asarray(pos_enc_matrix(SEQ_LEN, EMBED_DIM))
    return {"inputs": inputs, "table": table, "pos": pos}

def reference(inputs, table, pos):
    # token embedding lookup (gather) + fixed sinusoidal positional encoding
    embedded_tokens = jnp.take(table, inputs, axis=0)  # [B, L, D]
    return embedded_tokens + pos[None, :, :]

if __name__ == "__main__":
    import jax
    _d = setup_inputs()
    print(jax.jit(kernel)(*tuple(_d.values())))

</pallas_src>

<mosaic_0001>
#map = affine_map<(d0, d1) -> (0, 0)>
module attributes {stable_mosaic.version = 14 : i64} {
  func.func @_sc_kernel_body(%arg0: i32, %arg1: i32, %arg2: memref<6400x128xi32, #tpu.memory_space<hbm>>, %arg3: memref<400x32xf32, #tpu.memory_space<hbm>>, %arg4: memref<1000000x32xf32, #tpu.memory_space<hbm>>, %arg5: memref<819200x32xf32, #tpu.memory_space<hbm>>, %arg6: memref<200x128xi32, #tpu.memory_space<vmem>>, %arg7: memref<400x32xf32, #tpu.memory_space<vmem_shared>>, %arg8: memref<10x128x32xf32, #tpu.memory_space<vmem>>, %arg9: memref<10x!tpu.dma_semaphore, #tpu.memory_space<semaphore_mem>>, %arg10: memref<10x!tpu.dma_semaphore, #tpu.memory_space<semaphore_mem>>) attributes {dimension_semantics = [#tpu.dimension_semantics<core_parallel>, #tpu.dimension_semantics<subcore_parallel>], iteration_bounds = array<i64: 2, 16>, scalar_prefetch = 0 : i64, scratch_operands = 5 : i64, tpu.core_type = #tpu.core_type<sc_vector_subcore>, window_params = [{transform_indices = #map}, {transform_indices = #map}, {transform_indices = #map}, {transform_indices = #map}]} {
    %mul3A = arith.constant 2 : i32
    %mul3A_0 = arith.muli %arg1, %mul3A : i32
    %add3A = arith.addi %mul3A_0, %arg0 : i32
    %mul3A_1 = arith.constant 200 : i32
    %mul3A_2 = arith.muli %add3A, %mul3A_1 : i32
    "tpu.region"() ({
      %run_scoped3A_339 = tpu.sem_alloc : memref<!tpu.dma_semaphore, #tpu.memory_space<semaphore_mem>>
      %dma_start3A_340 = arith.constant 0 : i32
      %dma_start3A_341 = tpu.memref_slice %arg2[%mul3A_2, %dma_start3A_340] : memref<6400x128xi32, #tpu.memory_space<hbm>> -> memref<200x128xi32, #tpu.memory_space<hbm>>
      %dma_start3A_342 = arith.constant 0 : i32
      %dma_start3A_343 = tpu.memref_slice %arg2[%mul3A_2, %dma_start3A_342] : memref<6400x128xi32, #tpu.memory_space<hbm>> -> memref<200x128xi32, #tpu.memory_space<hbm>>
      tpu.enqueue_dma source(%dma_start3A_343 : memref<200x128xi32, #tpu.memory_space<hbm>>) target(%arg6 : memref<200x128xi32, #tpu.memory_space<vmem>>) target_semaphore(%run_scoped3A_339 : memref<!tpu.dma_semaphore, #tpu.memory_space<semaphore_mem>>)
      %dma_wait3A_344 = arith.constant 0 : i32
      %dma_wait3A_345 = tpu.memref_slice %arg2[%mul3A_2, %dma_wait3A_344] : memref<6400x128xi32, #tpu.memory_space<hbm>> -> memref<200x128xi32, #tpu.memory_space<hbm>>
      %dma_wait3A_346 = arith.constant 0 : i32
      %dma_wait3A_347 = tpu.memref_slice %arg2[%mul3A_2, %dma_wait3A_346] : memref<6400x128xi32, #tpu.memory_space<hbm>> -> memref<200x128xi32, #tpu.memory_space<hbm>>
      tpu.wait_dma2 semaphore(%run_scoped3A_339 : memref<!tpu.dma_semaphore, #tpu.memory_space<semaphore_mem>>) src(%dma_wait3A_347 : memref<200x128xi32, #tpu.memory_space<hbm>>) dst(%arg6 : memref<200x128xi32, #tpu.memory_space<vmem>>)
      tpu.yield
    }) : () -> ()
    %eq3A = arith.constant 0 : i32
    %eq3A_3 = arith.cmpi eq, %arg1, %eq3A : i32
    %convert_element_type3A = arith.extui %eq3A_3 : i1 to i32
    %cond3A = arith.constant 0 : i32
    %cond3A_4 = arith.cmpi ne, %convert_element_type3A, %cond3A : i32
    scf.if %cond3A_4 {
      "tpu.region"() ({
        %run_scoped3A_339 = tpu.sem_alloc : memref<!tpu.dma_semaphore, #tpu.memory_space<semaphore_mem>>
        tpu.enqueue_dma source(%arg3 : memref<400x32xf32, #tpu.memory_space<hbm>>) target(%arg7 : memref<400x32xf32, #tpu.memory_space<vmem_shared>>) target_semaphore(%run_scoped3A_339 : memref<!tpu.dma_semaphore, #tpu.memory_space<semaphore_mem>>)
        tpu.wait_dma2 semaphore(%run_scoped3A_339 : memref<!tpu.dma_semaphore, #tpu.memory_space<semaphore_mem>>) src(%arg3 : memref<400x32xf32, #tpu.memory_space<hbm>>) dst(%arg7 : memref<400x32xf32, #tpu.memory_space<vmem_shared>>)
        tpu.yield
      }) : () -> ()
    } else {
    }
    %barrier3A = arith.constant 0 : index
    tpu.barrier barrier_id(%barrier3A)
    %mul3A_5 = arith.constant 25600 : i32
    %mul3A_6 = arith.muli %add3A, %mul3A_5 : i32
    %rem3A = arith.constant 0 : i32
    %rem3A_7 = arith.constant 200 : i32
    %rem3A_8 = arith.remsi %rem3A, %rem3A_7 : i32
    %run_scoped3A = arith.constant 0 : i32
    "tpu.region"() ({
      %run_scoped3A_339 = tpu.sem_alloc : memref<!tpu.dma_semaphore, #tpu.memory_space<semaphore_mem>>
      %dma_start3A_340 = arith.constant 0 : i32
      %dma_start3A_341 = arith.constant 0 : i32
      %dma_start3A_342 = tpu.memref_slice %arg8[%run_scoped3A, %dma_start3A_340, %dma_start3A_341] : memref<10x128x32xf32, #tpu.memory_space<vmem>> -> memref<1x128x32xf32, #tpu.memory_space<vmem>>
      %dma_start3A_343 = tpu.memref_squeeze %dma_start3A_342 : memref<1x128x32xf32, #tpu.memory_space<vmem>> -> memref<128x32xf32, #tpu.memory_space<vmem>>
      %dma_start3A_344 = arith.constant 0 : i32
      %dma_start3A_345 = tpu.memref_slice %arg7[%rem3A_8, %dma_start3A_344] : memref<400x32xf32, #tpu.memory_space<vmem_shared>> -> memref<128x32xf32, #tpu.memory_space<vmem_shared>>
      %dma_start3A_346 = arith.constant 0 : i32
      %dma_start3A_347 = arith.constant 0 : i32
      %dma_start3A_348 = tpu.memref_slice %arg8[%run_scoped3A, %dma_start3A_346, %dma_start3A_347] : memref<10x128x32xf32, #tpu.memory_space<vmem>> -> memref<1x128x32xf32, #tpu.memory_space<vmem>>
      %dma_start3A_349 = tpu.memref_squeeze %dma_start3A_348 : memref<1x128x32xf32, #tpu.memory_space<vmem>> -> memref<128x32xf32, #tpu.memory_space<vmem>>
      %dma_start3A_350 = arith.constant 0 : i32
      %dma_start3A_351 = tpu.memref_slice %arg7[%rem3A_8, %dma_start3A_350] : memref<400x32xf32, #tpu.memory_space<vmem_shared>> -> memref<128x32xf32, #tpu.memory_space<vmem_shared>>
      tpu.enqueue_dma source(%dma_start3A_351 : memref<128x32xf32, #tpu.memory_space<vmem_shared>>) target(%dma_start3A_349 : memref<128x32xf32, #tpu.memory_space<vmem>>) target_semaphore(%run_scoped3A_339 : memref<!tpu.dma_semaphore, #tpu.memory_space<semaphore_mem>>)
      %dma_wait3A_352 = arith.constant 0 : i32
      %dma_wait3A_353 = arith.constant 0 : i32
      %dma_wait3A_354 = tpu.memref_slice %arg8[%run_scoped3A, %dma_wait3A_352, %dma_wait3A_353] : memref<10x128x32xf32, #tpu.memory_space<vmem>> -> memref<1x128x32xf32, #tpu.memory_space<vmem>>
      %dma_wait3A_355 = tpu.memref_squeeze %dma_wait3A_354 : memref<1x128x32xf32, #tpu.memory_space<vmem>> -> memref<128x32xf32, #tpu.memory_space<vmem>>
      %dma_wait3A_356 = arith.constant 0 : i32
      %dma_wait3A_357 = tpu.memref_slice %arg7[%rem3A_8, %dma_wait3A_356] : memref<400x32xf32, #tpu.memory_space<vmem_shared>> -> memref<128x32xf32, #tpu.memory_space<vmem_shared>>
      %dma_wait3A_358 = arith.constant 0 : i32
      %dma_wait3A_359 = arith.constant 0 : i32
      %dma_wait3A_360 = tpu.memref_slice %arg8[%run_scoped3A, %dma_wait3A_358, %dma_wait3A_359] : memref<10x128x32xf32, #tpu.memory_space<vmem>> -> memref<1x128x32xf32, #tpu.memory_space<vmem>>
      %dma_wait3A_361 = tpu.memref_squeeze %dma_wait3A_360 : memref<1x128x32xf32, #tpu.memory_space<vmem>> -> memref<128x32xf32, #tpu.memory_space<vmem>>
      %dma_wait3A_362 = arith.constant 0 : i32
      %dma_wait3A_363 = tpu.memref_slice %arg7[%rem3A_8, %dma_wait3A_362] : memref<400x32xf32, #tpu.memory_space<vmem_shared>> -> memref<128x32xf32, #tpu.memory_space<vmem_shared>>
      tpu.wait_dma2 semaphore(%run_scoped3A_339 : memref<!tpu.dma_semaphore, #tpu.memory_space<semaphore_mem>>) src(%dma_wait3A_363 : memref<128x32xf32, #tpu.memory_space<vmem_shared>>) dst(%dma_wait3A_361 : memref<128x32xf32, #tpu.memory_space<vmem>>)
      tpu.yield
    }) : () -> ()
    %dma_start3A = arith.constant 0 : i32
    %dma_start3A_9 = arith.constant 0 : i32
    %dma_start3A_10 = arith.constant 0 : i32
    %dma_start3A_11 = arith.constant 0 : i32
    %dma_start3A_12 = arith.constant 0 : i32
    %dma_start3A_13 = tpu.memref_slice %arg8[%dma_start3A_9, %dma_start3A_11, %dma_start3A_12] : memref<10x128x32xf32, #tpu.memory_space<vmem>> -> memref<1x128x32xf32, #tpu.memory_space<vmem>>
    %dma_start3A_14 = tpu.memref_squeeze %dma_start3A_13 : memref<1x128x32xf32, #tpu.memory_space<vmem>> -> memref<128x32xf32, #tpu.memory_space<vmem>>
    %dma_start3A_15 = arith.constant 0 : i32
    %dma_start3A_16 = tpu.memref_slice %arg6[%dma_start3A, %dma_start3A_15] : memref<200x128xi32, #tpu.memory_space<vmem>> -> memref<1x128xi32, #tpu.memory_space<vmem>>
    %dma_start3A_17 = tpu.memref_squeeze %dma_start3A_16 : memref<1x128xi32, #tpu.memory_space<vmem>> -> memref<128xi32, #tpu.memory_space<vmem>>
    %dma_start3A_18 = arith.constant 0 : i32
    %dma_start3A_19 = arith.constant 0 : i32
    %dma_start3A_20 = tpu.memref_slice %arg4[%dma_start3A_18, %dma_start3A_19] : memref<1000000x32xf32, #tpu.memory_space<hbm>> -> memref<1000000x32xf32, #tpu.memory_space<hbm>>
    %dma_start3A_21 = tpu.memref_slice %arg9[%dma_start3A_10] : memref<10x!tpu.dma_semaphore, #tpu.memory_space<semaphore_mem>> -> memref<1x!tpu.dma_semaphore, #tpu.memory_space<semaphore_mem>>
    %dma_start3A_22 = tpu.memref_squeeze %dma_start3A_21 : memref<1x!tpu.dma_semaphore, #tpu.memory_space<semaphore_mem>> -> memref<!tpu.dma_semaphore, #tpu.memory_space<semaphore_mem>>
    tpu.enqueue_indirect_dma source(%dma_start3A_20 : memref<1000000x32xf32, #tpu.memory_space<hbm>>) target(%dma_start3A_14 : memref<128x32xf32, #tpu.memory_space<vmem>>) offsets(%dma_start3A_17 : memref<128xi32, #tpu.memory_space<vmem>>) semaphore(%dma_start3A_22 : memref<!tpu.dma_semaphore, #tpu.memory_space<semaphore_mem>>) {add = true}
    %rem3A_23 = arith.constant 128 : i32
    %rem3A_24 = arith.constant 200 : i32
    %rem3A_25 = arith.remsi %rem3A_23, %rem3A_24 : i32
    %run_scoped3A_26 = arith.constant 1 : i32
    "tpu.region"() ({
      %run_scoped3A_339 = tpu.sem_alloc : memref<!tpu.dma_semaphore, #tpu.memory_space<semaphore_mem>>
      %dma_start3A_340 = arith.constant 0 : i32
      %dma_start3A_341 = arith.constant 0 : i32
      %dma_start3A_342 = tpu.memref_slice %arg8[%run_scoped3A_26, %dma_start3A_340, %dma_start3A_341] : memref<10x128x32xf32, #tpu.memory_space<vmem>> -> memref<1x128x32xf32, #tpu.memory_space<vmem>>
      %dma_start3A_343 = tpu.memref_squeeze %dma_start3A_342 : memref<1x128x32xf32, #tpu.memory_space<vmem>> -> memref<128x32xf32, #tpu.memory_space<vmem>>
      %dma_start3A_344 = arith.constant 0 : i32
      %dma_start3A_345 = tpu.memref_slice %arg7[%rem3A_25, %dma_start3A_344] : memref<400x32xf32, #tpu.memory_space<vmem_shared>> -> memref<128x32xf32, #tpu.memory_space<vmem_shared>>
      %dma_start3A_346 = arith.constant 0 : i32
      %dma_start3A_347 = arith.constant 0 : i32
      %dma_start3A_348 = tpu.memref_slice %arg8[%run_scoped3A_26, %dma_start3A_346, %dma_start3A_347] : memref<10x128x32xf32, #tpu.memory_space<vmem>> -> memref<1x128x32xf32, #tpu.memory_space<vmem>>
      %dma_start3A_349 = tpu.memref_squeeze %dma_start3A_348 : memref<1x128x32xf32, #tpu.memory_space<vmem>> -> memref<128x32xf32, #tpu.memory_space<vmem>>
      %dma_start3A_350 = arith.constant 0 : i32
      %dma_start3A_351 = tpu.memref_slice %arg7[%rem3A_25, %dma_start3A_350] : memref<400x32xf32, #tpu.memory_space<vmem_shared>> -> memref<128x32xf32, #tpu.memory_space<vmem_shared>>
      tpu.enqueue_dma source(%dma_start3A_351 : memref<128x32xf32, #tpu.memory_space<vmem_shared>>) target(%dma_start3A_349 : memref<128x32xf32, #tpu.memory_space<vmem>>) target_semaphore(%run_scoped3A_339 : memref<!tpu.dma_semaphore, #tpu.memory_space<semaphore_mem>>)
      %dma_wait3A_352 = arith.constant 0 : i32
      %dma_wait3A_353 = arith.constant 0 : i32
      %dma_wait3A_354 = tpu.memref_slice %arg8[%run_scoped3A_26, %dma_wait3A_352, %dma_wait3A_353] : memref<10x128x32xf32, #tpu.memory_space<vmem>> -> memref<1x128x32xf32, #tpu.memory_space<vmem>>
      %dma_wait3A_355 = tpu.memref_squeeze %dma_wait3A_354 : memref<1x128x32xf32, #tpu.memory_space<vmem>> -> memref<128x32xf32, #tpu.memory_space<vmem>>
      %dma_wait3A_356 = arith.constant 0 : i32
      %dma_wait3A_357 = tpu.memref_slice %arg7[%rem3A_25, %dma_wait3A_356] : memref<400x32xf32, #tpu.memory_space<vmem_shared>> -> memref<128x32xf32, #tpu.memory_space<vmem_shared>>
      %dma_wait3A_358 = arith.constant 0 : i32
      %dma_wait3A_359 = arith.constant 0 : i32
      %dma_wait3A_360 = tpu.memref_slice %arg8[%run_scoped3A_26, %dma_wait3A_358, %dma_wait3A_359] : memref<10x128x32xf32, #tpu.memory_space<vmem>> -> memref<1x128x32xf32, #tpu.memory_space<vmem>>
      %dma_wait3A_361 = tpu.memref_squeeze %dma_wait3A_360 : memref<1x128x32xf32, #tpu.memory_space<vmem>> -> memref<128x32xf32, #tpu.memory_space<vmem>>
      %dma_wait3A_362 = arith.constant 0 : i32
      %dma_wait3A_363 = tpu.memref_slice %arg7[%rem3A_25, %dma_wait3A_362] : memref<400x32xf32, #tpu.memory_space<vmem_shared>> -> memref<128x32xf32, #tpu.memory_space<vmem_shared>>
      tpu.wait_dma2 semaphore(%run_scoped3A_339 : memref<!tpu.dma_semaphore, #tpu.memory_space<semaphore_mem>>) src(%dma_wait3A_363 : memref<128x32xf32, #tpu.memory_space<vmem_shared>>) dst(%dma_wait3A_361 : memref<128x32xf32, #tpu.memory_space<vmem>>)
      tpu.yield
    }) : () -> ()
    %dma_start3A_27 = arith.constant 1 : i32
    %dma_start3A_28 = arith.constant 1 : i32
    %dma_start3A_29 = arith.constant 1 : i32
    %dma_start3A_30 = arith.constant 0 : i32
    %dma_start3A_31 = arith.constant 0 : i32
    %dma_start3A_32 = tpu.memref_slice %arg8[%dma_start3A_28, %dma_start3A_30, %dma_start3A_31] : memref<10x128x32xf32, #tpu.memory_space<vmem>> -> memref<1x128x32xf32, #tpu.memory_space<vmem>>
    %dma_start3A_33 = tpu.memref_squeeze %dma_start3A_32 : memref<1x128x32xf32, #tpu.memory_space<vmem>> -> memref<128x32xf32, #tpu.memory_space<vmem>>
    %dma_start3A_34 = arith.constant 0 : i32
    %dma_start3A_35 = tpu.memref_slice %arg6[%dma_start3A_27, %dma_start3A_34] : memref<200x128xi32, #tpu.memory_space<vmem>> -> memref<1x128xi32, #tpu.memory_space<vmem>>
    %dma_start3A_36 = tpu.memref_squeeze %dma_start3A_35 : memref<1x128xi32, #tpu.memory_space<vmem>> -> memref<128xi32, #tpu.memory_space<vmem>>
    %dma_start3A_37 = arith.constant 0 : i32
    %dma_start3A_38 = arith.constant 0 : i32
    %dma_start3A_39 = tpu.memref_slice %arg4[%dma_start3A_37, %dma_start3A_38] : memref<1000000x32xf32, #tpu.memory_space<hbm>> -> memref<1000000x32xf32, #tpu.memory_space<hbm>>
    %dma_start3A_40 = tpu.memref_slice %arg9[%dma_start3A_29] : memref<10x!tpu.dma_semaphore, #tpu.memory_space<semaphore_mem>> -> memref<1x!tpu.dma_semaphore, #tpu.memory_space<semaphore_mem>>
    %dma_start3A_41 = tpu.memref_squeeze %dma_start3A_40 : memref<1x!tpu.dma_semaphore, #tpu.memory_space<semaphore_mem>> -> memref<!tpu.dma_semaphore, #tpu.memory_space<semaphore_mem>>
    tpu.enqueue_indirect_dma source(%dma_start3A_39 : memref<1000000x32xf32, #tpu.memory_space<hbm>>) target(%dma_start3A_33 : memref<128x32xf32, #tpu.memory_space<vmem>>) offsets(%dma_start3A_36 : memref<128xi32, #tpu.memory_space<vmem>>) semaphore(%dma_start3A_41 : memref<!tpu.dma_semaphore, #tpu.memory_space<semaphore_mem>>) {add = true}
    %rem3A_42 = arith.constant 256 : i32
    %rem3A_43 = arith.constant 200 : i32
    %rem3A_44 = arith.remsi %rem3A_42, %rem3A_43 : i32
    %run_scoped3A_45 = arith.constant 2 : i32
    "tpu.region"() ({
      %run_scoped3A_339 = tpu.sem_alloc : memref<!tpu.dma_semaphore, #tpu.memory_space<semaphore_mem>>
      %dma_start3A_340 = arith.constant 0 : i32
      %dma_start3A_341 = arith.constant 0 : i32
      %dma_start3A_342 = tpu.memref_slice %arg8[%run_scoped3A_45, %dma_start3A_340, %dma_start3A_341] : memref<10x128x32xf32, #tpu.memory_space<vmem>> -> memref<1x128x32xf32, #tpu.memory_space<vmem>>
      %dma_start3A_343 = tpu.memref_squeeze %dma_start3A_342 : memref<1x128x32xf32, #tpu.memory_space<vmem>> -> memref<128x32xf32, #tpu.memory_space<vmem>>
      %dma_start3A_344 = arith.constant 0 : i32
      %dma_start3A_345 = tpu.memref_slice %arg7[%rem3A_44, %dma_start3A_344] : memref<400x32xf32, #tpu.memory_space<vmem_shared>> -> memref<128x32xf32, #tpu.memory_space<vmem_shared>>
      %dma_start3A_346 = arith.constant 0 : i32
      %dma_start3A_347 = arith.constant 0 : i32
      %dma_start3A_348 = tpu.memref_slice %arg8[%run_scoped3A_45, %dma_start3A_346, %dma_start3A_347] : memref<10x128x32xf32, #tpu.memory_space<vmem>> -> memref<1x128x32xf32, #tpu.memory_space<vmem>>
      %dma_start3A_349 = tpu.memref_squeeze %dma_start3A_348 : memref<1x128x32xf32, #tpu.memory_space<vmem>> -> memref<128x32xf32, #tpu.memory_space<vmem>>
      %dma_start3A_350 = arith.constant 0 : i32
      %dma_start3A_351 = tpu.memref_slice %arg7[%rem3A_44, %dma_start3A_350] : memref<400x32xf32, #tpu.memory_space<vmem_shared>> -> memref<128x32xf32, #tpu.memory_space<vmem_shared>>
      tpu.enqueue_dma source(%dma_start3A_351 : memref<128x32xf32, #tpu.memory_space<vmem_shared>>) target(%dma_start3A_349 : memref<128x32xf32, #tpu.memory_space<vmem>>) target_semaphore(%run_scoped3A_339 : memref<!tpu.dma_semaphore, #tpu.memory_space<semaphore_mem>>)
      %dma_wait3A_352 = arith.constant 0 : i32
      %dma_wait3A_353 = arith.constant 0 : i32
      %dma_wait3A_354 = tpu.memref_slice %arg8[%run_scoped3A_45, %dma_wait3A_352, %dma_wait3A_353] : memref<10x128x32xf32, #tpu.memory_space<vmem>> -> memref<1x128x32xf32, #tpu.memory_space<vmem>>
      %dma_wait3A_355 = tpu.memref_squeeze %dma_wait3A_354 : memref<1x128x32xf32, #tpu.memory_space<vmem>> -> memref<128x32xf32, #tpu.memory_space<vmem>>
      %dma_wait3A_356 = arith.constant 0 : i32
      %dma_wait3A_357 = tpu.memref_slice %arg7[%rem3A_44, %dma_wait3A_356] : memref<400x32xf32, #tpu.memory_space<vmem_shared>> -> memref<128x32xf32, #tpu.memory_space<vmem_shared>>
      %dma_wait3A_358 = arith.constant 0 : i32
      %dma_wait3A_359 = arith.constant 0 : i32
      %dma_wait3A_360 = tpu.memref_slice %arg8[%run_scoped3A_45, %dma_wait3A_358, %dma_wait3A_359] : memref<10x128x32xf32, #tpu.memory_space<vmem>> -> memref<1x128x32xf32, #tpu.memory_space<vmem>>
      %dma_wait3A_361 = tpu.memref_squeeze %dma_wait3A_360 : memref<1x128x32xf32, #tpu.memory_space<vmem>> -> memref<128x32xf32, #tpu.memory_space<vmem>>
      %dma_wait3A_362 = arith.constant 0 : i32
      %dma_wait3A_363 = tpu.memref_slice %arg7[%rem3A_44, %dma_wait3A_362] : memref<400x32xf32, #tpu.memory_space<vmem_shared>> -> memref<128x32xf32, #tpu.memory_space<vmem_shared>>
      tpu.wait_dma2 semaphore(%run_scoped3A_339 : memref<!tpu.dma_semaphore, #tpu.memory_space<semaphore_mem>>) src(%dma_wait3A_363 : memref<128x32xf32, #tpu.memory_space<vmem_shared>>) dst(%dma_wait3A_361 : memref<128x32xf32, #tpu.memory_space<vmem>>)
      tpu.yield
    }) : () -> ()
    %dma_start3A_46 = arith.constant 2 : i32
    %dma_start3A_47 = arith.constant 2 : i32
    %dma_start3A_48 = arith.constant 2 : i32
    %dma_start3A_49 = arith.constant 0 : i32
    %dma_start3A_50 = arith.constant 0 : i32
    %dma_start3A_51 = tpu.memref_slice %arg8[%dma_start3A_47, %dma_start3A_49, %dma_start3A_50] : memref<10x128x32xf32, #tpu.memory_space<vmem>> -> memref<1x128x32xf32, #tpu.memory_space<vmem>>
    %dma_start3A_52 = tpu.memref_squeeze %dma_start3A_51 : memref<1x128x32xf32, #tpu.memory_space<vmem>> -> memref<128x32xf32, #tpu.memory_space<vmem>>
    %dma_start3A_53 = arith.constant 0 : i32
    %dma_start3A_54 = tpu.memref_slice %arg6[%dma_start3A_46, %dma_start3A_53] : memref<200x128xi32, #tpu.memory_space<vmem>> -> memref<1x128xi32, #tpu.memory_space<vmem>>
    %dma_start3A_55 = tpu.memref_squeeze %dma_start3A_54 : memref<1x128xi32, #tpu.memory_space<vmem>> -> memref<128xi32, #tpu.memory_space<vmem>>
    %dma_start3A_56 = arith.constant 0 : i32
    %dma_start3A_57 = arith.constant 0 : i32
    %dma_start3A_58 = tpu.memref_slice %arg4[%dma_start3A_56, %dma_start3A_57] : memref<1000000x32xf32, #tpu.memory_space<hbm>> -> memref<1000000x32xf32, #tpu.memory_space<hbm>>
    %dma_start3A_59 = tpu.memref_slice %arg9[%dma_start3A_48] : memref<10x!tpu.dma_semaphore, #tpu.memory_space<semaphore_mem>> -> memref<1x!tpu.dma_semaphore, #tpu.memory_space<semaphore_mem>>
    %dma_start3A_60 = tpu.memref_squeeze %dma_start3A_59 : memref<1x!tpu.dma_semaphore, #tpu.memory_space<semaphore_mem>> -> memref<!tpu.dma_semaphore, #tpu.memory_space<semaphore_mem>>
    tpu.enqueue_indirect_dma source(%dma_start3A_58 : memref<1000000x32xf32, #tpu.memory_space<hbm>>) target(%dma_start3A_52 : memref<128x32xf32, #tpu.memory_space<vmem>>) offsets(%dma_start3A_55 : memref<128xi32, #tpu.memory_space<vmem>>) semaphore(%dma_start3A_60 : memref<!tpu.dma_semaphore, #tpu.memory_space<semaphore_mem>>) {add = true}
    %rem3A_61 = arith.constant 384 : i32
    %rem3A_62 = arith.constant 200 : i32
    %rem3A_63 = arith.remsi %rem3A_61, %rem3A_62 : i32
    %run_scoped3A_64 = arith.constant 3 : i32
    "tpu.region"() ({
      %run_scoped3A_339 = tpu.sem_alloc : memref<!tpu.dma_semaphore, #tpu.memory_space<semaphore_mem>>
      %dma_start3A_340 = arith.constant 0 : i32
      %dma_start3A_341 = arith.constant 0 : i32
      %dma_start3A_342 = tpu.memref_slice %arg8[%run_scoped3A_64, %dma_start3A_340, %dma_start3A_341] : memref<10x128x32xf32, #tpu.memory_space<vmem>> -> memref<1x128x32xf32, #tpu.memory_space<vmem>>
      %dma_start3A_343 = tpu.memref_squeeze %dma_start3A_342 : memref<1x128x32xf32, #tpu.memory_space<vmem>> -> memref<128x32xf32, #tpu.memory_space<vmem>>
      %dma_start3A_344 = arith.constant 0 : i32
      %dma_start3A_345 = tpu.memref_slice %arg7[%rem3A_63, %dma_start3A_344] : memref<400x32xf32, #tpu.memory_space<vmem_shared>> -> memref<128x32xf32, #tpu.memory_space<vmem_shared>>
      %dma_start3A_346 = arith.constant 0 : i32
      %dma_start3A_347 = arith.constant 0 : i32
      %dma_start3A_348 = tpu.memref_slice %arg8[%run_scoped3A_64, %dma_start3A_346, %dma_start3A_347] : memref<10x128x32xf32, #tpu.memory_space<vmem>> -> memref<1x128x32xf32, #tpu.memory_space<vmem>>
      %dma_start3A_349 = tpu.memref_squeeze %dma_start3A_348 : memref<1x128x32xf32, #tpu.memory_space<vmem>> -> memref<128x32xf32, #tpu.memory_space<vmem>>
      %dma_start3A_350 = arith.constant 0 : i32
      %dma_start3A_351 = tpu.memref_slice %arg7[%rem3A_63, %dma_start3A_350] : memref<400x32xf32, #tpu.memory_space<vmem_shared>> -> memref<128x32xf32, #tpu.memory_space<vmem_shared>>
      tpu.enqueue_dma source(%dma_start3A_351 : memref<128x32xf32, #tpu.memory_space<vmem_shared>>) target(%dma_start3A_349 : memref<128x32xf32, #tpu.memory_space<vmem>>) target_semaphore(%run_scoped3A_339 : memref<!tpu.dma_semaphore, #tpu.memory_space<semaphore_mem>>)
      %dma_wait3A_352 = arith.constant 0 : i32
      %dma_wait3A_353 = arith.constant 0 : i32
      %dma_wait3A_354 = tpu.memref_slice %arg8[%run_scoped3A_64, %dma_wait3A_352, %dma_wait3A_353] : memref<10x128x32xf32, #tpu.memory_space<vmem>> -> memref<1x128x32xf32, #tpu.memory_space<vmem>>
      %dma_wait3A_355 = tpu.memref_squeeze %dma_wait3A_354 : memref<1x128x32xf32, #tpu.memory_space<vmem>> -> memref<128x32xf32, #tpu.memory_space<vmem>>
      %dma_wait3A_356 = arith.constant 0 : i32
      %dma_wait3A_357 = tpu.memref_slice %arg7[%rem3A_63, %dma_wait3A_356] : memref<400x32xf32, #tpu.memory_space<vmem_shared>> -> memref<128x32xf32, #tpu.memory_space<vmem_shared>>
      %dma_wait3A_358 = arith.constant 0 : i32
      %dma_wait3A_359 = arith.constant 0 : i32
      %dma_wait3A_360 = tpu.memref_slice %arg8[%run_scoped3A_64, %dma_wait3A_358, %dma_wait3A_359] : memref<10x128x32xf32, #tpu.memory_space<vmem>> -> memref<1x128x32xf32, #tpu.memory_space<vmem>>
      %dma_wait3A_361 = tpu.memref_squeeze %dma_wait3A_360 : memref<1x128x32xf32, #tpu.memory_space<vmem>> -> memref<128x32xf32, #tpu.memory_space<vmem>>
      %dma_wait3A_362 = arith.constant 0 : i32
      %dma_wait3A_363 = tpu.memref_slice %arg7[%rem3A_63, %dma_wait3A_362] : memref<400x32xf32, #tpu.memory_space<vmem_shared>> -> memref<128x32xf32, #tpu.memory_space<vmem_shared>>
      tpu.wait_dma2 semaphore(%run_scoped3A_339 : memref<!tpu.dma_semaphore, #tpu.memory_space<semaphore_mem>>) src(%dma_wait3A_363 : memref<128x32xf32, #tpu.memory_space<vmem_shared>>) dst(%dma_wait3A_361 : memref<128x32xf32, #tpu.memory_space<vmem>>)
      tpu.yield
    }) : () -> ()
    %dma_start3A_65 = arith.constant 3 : i32
    %dma_start3A_66 = arith.constant 3 : i32
    %dma_start3A_67 = arith.constant 3 : i32
    %dma_start3A_68 = arith.constant 0 : i32
    %dma_start3A_69 = arith.constant 0 : i32
    %dma_start3A_70 = tpu.memref_slice %arg8[%dma_start3A_66, %dma_start3A_68, %dma_start3A_69] : memref<10x128x32xf32, #tpu.memory_space<vmem>> -> memref<1x128x32xf32, #tpu.memory_space<vmem>>
    %dma_start3A_71 = tpu.memref_squeeze %dma_start3A_70 : memref<1x128x32xf32, #tpu.memory_space<vmem>> -> memref<128x32xf32, #tpu.memory_space<vmem>>
    %dma_start3A_72 = arith.constant 0 : i32
    %dma_start3A_73 = tpu.memref_slice %arg6[%dma_start3A_65, %dma_start3A_72] : memref<200x128xi32, #tpu.memory_space<vmem>> -> memref<1x128xi32, #tpu.memory_space<vmem>>
    %dma_start3A_74 = tpu.memref_squeeze %dma_start3A_73 : memref<1x128xi32, #tpu.memory_space<vmem>> -> memref<128xi32, #tpu.memory_space<vmem>>
    %dma_start3A_75 = arith.constant 0 : i32
    %dma_start3A_76 = arith.constant 0 : i32
    %dma_start3A_77 = tpu.memref_slice %arg4[%dma_start3A_75, %dma_start3A_76] : memref<1000000x32xf32, #tpu.memory_space<hbm>> -> memref<1000000x32xf32, #tpu.memory_space<hbm>>
    %dma_start3A_78 = tpu.memref_slice %arg9[%dma_start3A_67] : memref<10x!tpu.dma_semaphore, #tpu.memory_space<semaphore_mem>> -> memref<1x!tpu.dma_semaphore, #tpu.memory_space<semaphore_mem>>
    %dma_start3A_79 = tpu.memref_squeeze %dma_start3A_78 : memref<1x!tpu.dma_semaphore, #tpu.memory_space<semaphore_mem>> -> memref<!tpu.dma_semaphore, #tpu.memory_space<semaphore_mem>>
    tpu.enqueue_indirect_dma source(%dma_start3A_77 : memref<1000000x32xf32, #tpu.memory_space<hbm>>) target(%dma_start3A_71 : memref<128x32xf32, #tpu.memory_space<vmem>>) offsets(%dma_start3A_74 : memref<128xi32, #tpu.memory_space<vmem>>) semaphore(%dma_start3A_79 : memref<!tpu.dma_semaphore, #tpu.memory_space<semaphore_mem>>) {add = true}
    %rem3A_80 = arith.constant 512 : i32
    %rem3A_81 = arith.constant 200 : i32
    %rem3A_82 = arith.remsi %rem3A_80, %rem3A_81 : i32
    %run_scoped3A_83 = arith.constant 4 : i32
    "tpu.region"() ({
      %run_scoped3A_339 = tpu.sem_alloc : memref<!tpu.dma_semaphore, #tpu.memory_space<semaphore_mem>>
      %dma_start3A_340 = arith.constant 0 : i32
      %dma_start3A_341 = arith.constant 0 : i32
      %dma_start3A_342 = tpu.memref_slice %arg8[%run_scoped3A_83, %dma_start3A_340, %dma_start3A_341] : memref<10x128x32xf32, #tpu.memory_space<vmem>> -> memref<1x128x32xf32, #tpu.memory_space<vmem>>
      %dma_start3A_343 = tpu.memref_squeeze %dma_start3A_342 : memref<1x128x32xf32, #tpu.memory_space<vmem>> -> memref<128x32xf32, #tpu.memory_space<vmem>>
      %dma_start3A_344 = arith.constant 0 : i32
      %dma_start3A_345 = tpu.memref_slice %arg7[%rem3A_82, %dma_start3A_344] : memref<400x32xf32, #tpu.memory_space<vmem_shared>> -> memref<128x32xf32, #tpu.memory_space<vmem_shared>>
      %dma_start3A_346 = arith.constant 0 : i32
      %dma_start3A_347 = arith.constant 0 : i32
      %dma_start3A_348 = tpu.memref_slice %arg8[%run_scoped3A_83, %dma_start3A_346, %dma_start3A_347] : memref<10x128x32xf32, #tpu.memory_space<vmem>> -> memref<1x128x32xf32, #tpu.memory_space<vmem>>
      %dma_start3A_349 = tpu.memref_squeeze %dma_start3A_348 : memref<1x128x32xf32, #tpu.memory_space<vmem>> -> memref<128x32xf32, #tpu.memory_space<vmem>>
      %dma_start3A_350 = arith.constant 0 : i32
      %dma_start3A_351 = tpu.memref_slice %arg7[%rem3A_82, %dma_start3A_350] : memref<400x32xf32, #tpu.memory_space<vmem_shared>> -> memref<128x32xf32, #tpu.memory_space<vmem_shared>>
      tpu.enqueue_dma source(%dma_start3A_351 : memref<128x32xf32, #tpu.memory_space<vmem_shared>>) target(%dma_start3A_349 : memref<128x32xf32, #tpu.memory_space<vmem>>) target_semaphore(%run_scoped3A_339 : memref<!tpu.dma_semaphore, #tpu.memory_space<semaphore_mem>>)
      %dma_wait3A_352 = arith.constant 0 : i32
      %dma_wait3A_353 = arith.constant 0 : i32
      %dma_wait3A_354 = tpu.memref_slice %arg8[%run_scoped3A_83, %dma_wait3A_352, %dma_wait3A_353] : memref<10x128x32xf32, #tpu.memory_space<vmem>> -> memref<1x128x32xf32, #tpu.memory_space<vmem>>
      %dma_wait3A_355 = tpu.memref_squeeze %dma_wait3A_354 : memref<1x128x32xf32, #tpu.memory_space<vmem>> -> memref<128x32xf32, #tpu.memory_space<vmem>>
      %dma_wait3A_356 = arith.constant 0 : i32
      %dma_wait3A_357 = tpu.memref_slice %arg7[%rem3A_82, %dma_wait3A_356] : memref<400x32xf32, #tpu.memory_space<vmem_shared>> -> memref<128x32xf32, #tpu.memory_space<vmem_shared>>
      %dma_wait3A_358 = arith.constant 0 : i32
      %dma_wait3A_359 = arith.constant 0 : i32
      %dma_wait3A_360 = tpu.memref_slice %arg8[%run_scoped3A_83, %dma_wait3A_358, %dma_wait3A_359] : memref<10x128x32xf32, #tpu.memory_space<vmem>> -> memref<1x128x32xf32, #tpu.memory_space<vmem>>
      %dma_wait3A_361 = tpu.memref_squeeze %dma_wait3A_360 : memref<1x128x32xf32, #tpu.memory_space<vmem>> -> memref<128x32xf32, #tpu.memory_space<vmem>>
      %dma_wait3A_362 = arith.constant 0 : i32
      %dma_wait3A_363 = tpu.memref_slice %arg7[%rem3A_82, %dma_wait3A_362] : memref<400x32xf32, #tpu.memory_space<vmem_shared>> -> memref<128x32xf32, #tpu.memory_space<vmem_shared>>
      tpu.wait_dma2 semaphore(%run_scoped3A_339 : memref<!tpu.dma_semaphore, #tpu.memory_space<semaphore_mem>>) src(%dma_wait3A_363 : memref<128x32xf32, #tpu.memory_space<vmem_shared>>) dst(%dma_wait3A_361 : memref<128x32xf32, #tpu.memory_space<vmem>>)
      tpu.yield
    }) : () -> ()
    %dma_start3A_84 = arith.constant 4 : i32
    %dma_start3A_85 = arith.constant 4 : i32
    %dma_start3A_86 = arith.constant 4 : i32
    %dma_start3A_87 = arith.constant 0 : i32
    %dma_start3A_88 = arith.constant 0 : i32
    %dma_start3A_89 = tpu.memref_slice %arg8[%dma_start3A_85, %dma_start3A_87, %dma_start3A_88] : memref<10x128x32xf32, #tpu.memory_space<vmem>> -> memref<1x128x32xf32, #tpu.memory_space<vmem>>
    %dma_start3A_90 = tpu.memref_squeeze %dma_start3A_89 : memref<1x128x32xf32, #tpu.memory_space<vmem>> -> memref<128x32xf32, #tpu.memory_space<vmem>>
    %dma_start3A_91 = arith.constant 0 : i32
    %dma_start3A_92 = tpu.memref_slice %arg6[%dma_start3A_84, %dma_start3A_91] : memref<200x128xi32, #tpu.memory_space<vmem>> -> memref<1x128xi32, #tpu.memory_space<vmem>>
    %dma_start3A_93 = tpu.memref_squeeze %dma_start3A_92 : memref<1x128xi32, #tpu.memory_space<vmem>> -> memref<128xi32, #tpu.memory_space<vmem>>
    %dma_start3A_94 = arith.constant 0 : i32
    %dma_start3A_95 = arith.constant 0 : i32
    %dma_start3A_96 = tpu.memref_slice %arg4[%dma_start3A_94, %dma_start3A_95] : memref<1000000x32xf32, #tpu.memory_space<hbm>> -> memref<1000000x32xf32, #tpu.memory_space<hbm>>
    %dma_start3A_97 = tpu.memref_slice %arg9[%dma_start3A_86] : memref<10x!tpu.dma_semaphore, #tpu.memory_space<semaphore_mem>> -> memref<1x!tpu.dma_semaphore, #tpu.memory_space<semaphore_mem>>
    %dma_start3A_98 = tpu.memref_squeeze %dma_start3A_97 : memref<1x!tpu.dma_semaphore, #tpu.memory_space<semaphore_mem>> -> memref<!tpu.dma_semaphore, #tpu.memory_space<semaphore_mem>>
    tpu.enqueue_indirect_dma source(%dma_start3A_96 : memref<1000000x32xf32, #tpu.memory_space<hbm>>) target(%dma_start3A_90 : memref<128x32xf32, #tpu.memory_space<vmem>>) offsets(%dma_start3A_93 : memref<128xi32, #tpu.memory_space<vmem>>) semaphore(%dma_start3A_98 : memref<!tpu.dma_semaphore, #tpu.memory_space<semaphore_mem>>) {add = true}
    %rem3A_99 = arith.constant 640 : i32
    %rem3A_100 = arith.constant 200 : i32
    %rem3A_101 = arith.remsi %rem3A_99, %rem3A_100 : i32
    %run_scoped3A_102 = arith.constant 5 : i32
    "tpu.region"() ({
      %run_scoped3A_339 = tpu.sem_alloc : memref<!tpu.dma_semaphore, #tpu.memory_space<semaphore_mem>>
      %dma_start3A_340 = arith.constant 0 : i32
      %dma_start3A_341 = arith.constant 0 : i32
      %dma_start3A_342 = tpu.memref_slice %arg8[%run_scoped3A_102, %dma_start3A_340, %dma_start3A_341] : memref<10x128x32xf32, #tpu.memory_space<vmem>> -> memref<1x128x32xf32, #tpu.memory_space<vmem>>
      %dma_start3A_343 = tpu.memref_squeeze %dma_start3A_342 : memref<1x128x32xf32, #tpu.memory_space<vmem>> -> memref<128x32xf32, #tpu.memory_space<vmem>>
      %dma_start3A_344 = arith.constant 0 : i32
      %dma_start3A_345 = tpu.memref_slice %arg7[%rem3A_101, %dma_start3A_344] : memref<400x32xf32, #tpu.memory_space<vmem_shared>> -> memref<128x32xf32, #tpu.memory_space<vmem_shared>>
      %dma_start3A_346 = arith.constant 0 : i32
      %dma_start3A_347 = arith.constant 0 : i32
      %dma_start3A_348 = tpu.memref_slice %arg8[%run_scoped3A_102, %dma_start3A_346, %dma_start3A_347] : memref<10x128x32xf32, #tpu.memory_space<vmem>> -> memref<1x128x32xf32, #tpu.memory_space<vmem>>
      %dma_start3A_349 = tpu.memref_squeeze %dma_start3A_348 : memref<1x128x32xf32, #tpu.memory_space<vmem>> -> memref<128x32xf32, #tpu.memory_space<vmem>>
      %dma_start3A_350 = arith.constant 0 : i32
      %dma_start3A_351 = tpu.memref_slice %arg7[%rem3A_101, %dma_start3A_350] : memref<400x32xf32, #tpu.memory_space<vmem_shared>> -> memref<128x32xf32, #tpu.memory_space<vmem_shared>>
      tpu.enqueue_dma source(%dma_start3A_351 : memref<128x32xf32, #tpu.memory_space<vmem_shared>>) target(%dma_start3A_349 : memref<128x32xf32, #tpu.memory_space<vmem>>) target_semaphore(%run_scoped3A_339 : memref<!tpu.dma_semaphore, #tpu.memory_space<semaphore_mem>>)
      %dma_wait3A_352 = arith.constant 0 : i32
      %dma_wait3A_353 = arith.constant 0 : i32
      %dma_wait3A_354 = tpu.memref_slice %arg8[%run_scoped3A_102, %dma_wait3A_352, %dma_wait3A_353] : memref<10x128x32xf32, #tpu.memory_space<vmem>> -> memref<1x128x32xf32, #tpu.memory_space<vmem>>
      %dma_wait3A_355 = tpu.memref_squeeze %dma_wait3A_354 : memref<1x128x32xf32, #tpu.memory_space<vmem>> -> memref<128x32xf32, #tpu.memory_space<vmem>>
      %dma_wait3A_356 = arith.constant 0 : i32
      %dma_wait3A_357 = tpu.memref_slice %arg7[%rem3A_101, %dma_wait3A_356] : memref<400x32xf32, #tpu.memory_space<vmem_shared>> -> memref<128x32xf32, #tpu.memory_space<vmem_shared>>
      %dma_wait3A_358 = arith.constant 0 : i32
      %dma_wait3A_359 = arith.constant 0 : i32
      %dma_wait3A_360 = tpu.memref_slice %arg8[%run_scoped3A_102, %dma_wait3A_358, %dma_wait3A_359] : memref<10x128x32xf32, #tpu.memory_space<vmem>> -> memref<1x128x32xf32, #tpu.memory_space<vmem>>
      %dma_wait3A_361 = tpu.memref_squeeze %dma_wait3A_360 : memref<1x128x32xf32, #tpu.memory_space<vmem>> -> memref<128x32xf32, #tpu.memory_space<vmem>>
      %dma_wait3A_362 = arith.constant 0 : i32
      %dma_wait3A_363 = tpu.memref_slice %arg7[%rem3A_101, %dma_wait3A_362] : memref<400x32xf32, #tpu.memory_space<vmem_shared>> -> memref<128x32xf32, #tpu.memory_space<vmem_shared>>
      tpu.wait_dma2 semaphore(%run_scoped3A_339 : memref<!tpu.dma_semaphore, #tpu.memory_space<semaphore_mem>>) src(%dma_wait3A_363 : memref<128x32xf32, #tpu.memory_space<vmem_shared>>) dst(%dma_wait3A_361 : memref<128x32xf32, #tpu.memory_space<vmem>>)
      tpu.yield
    }) : () -> ()
    %dma_start3A_103 = arith.constant 5 : i32
    %dma_start3A_104 = arith.constant 5 : i32
    %dma_start3A_105 = arith.constant 5 : i32
    %dma_start3A_106 = arith.constant 0 : i32
    %dma_start3A_107 = arith.constant 0 : i32
    %dma_start3A_108 = tpu.memref_slice %arg8[%dma_start3A_104, %dma_start3A_106, %dma_start3A_107] : memref<10x128x32xf32, #tpu.memory_space<vmem>> -> memref<1x128x32xf32, #tpu.memory_space<vmem>>
    %dma_start3A_109 = tpu.memref_squeeze %dma_start3A_108 : memref<1x128x32xf32, #tpu.memory_space<vmem>> -> memref<128x32xf32, #tpu.memory_space<vmem>>
    %dma_start3A_110 = arith.constant 0 : i32
    %dma_start3A_111 = tpu.memref_slice %arg6[%dma_start3A_103, %dma_start3A_110] : memref<200x128xi32, #tpu.memory_space<vmem>> -> memref<1x128xi32, #tpu.memory_space<vmem>>
    %dma_start3A_112 = tpu.memref_squeeze %dma_start3A_111 : memref<1x128xi32, #tpu.memory_space<vmem>> -> memref<128xi32, #tpu.memory_space<vmem>>
    %dma_start3A_113 = arith.constant 0 : i32
    %dma_start3A_114 = arith.constant 0 : i32
    %dma_start3A_115 = tpu.memref_slice %arg4[%dma_start3A_113, %dma_start3A_114] : memref<1000000x32xf32, #tpu.memory_space<hbm>> -> memref<1000000x32xf32, #tpu.memory_space<hbm>>
    %dma_start3A_116 = tpu.memref_slice %arg9[%dma_start3A_105] : memref<10x!tpu.dma_semaphore, #tpu.memory_space<semaphore_mem>> -> memref<1x!tpu.dma_semaphore, #tpu.memory_space<semaphore_mem>>
    %dma_start3A_117 = tpu.memref_squeeze %dma_start3A_116 : memref<1x!tpu.dma_semaphore, #tpu.memory_space<semaphore_mem>> -> memref<!tpu.dma_semaphore, #tpu.memory_space<semaphore_mem>>
    tpu.enqueue_indirect_dma source(%dma_start3A_115 : memref<1000000x32xf32, #tpu.memory_space<hbm>>) target(%dma_start3A_109 : memref<128x32xf32, #tpu.memory_space<vmem>>) offsets(%dma_start3A_112 : memref<128xi32, #tpu.memory_space<vmem>>) semaphore(%dma_start3A_117 : memref<!tpu.dma_semaphore, #tpu.memory_space<semaphore_mem>>) {add = true}
    %rem3A_118 = arith.constant 768 : i32
    %rem3A_119 = arith.constant 200 : i32
    %rem3A_120 = arith.remsi %rem3A_118, %rem3A_119 : i32
    %run_scoped3A_121 = arith.constant 6 : i32
    "tpu.region"() ({
      %run_scoped3A_339 = tpu.sem_alloc : memref<!tpu.dma_semaphore, #tpu.memory_space<semaphore_mem>>
      %dma_start3A_340 = arith.constant 0 : i32
      %dma_start3A_341 = arith.constant 0 : i32
      %dma_start3A_342 = tpu.memref_slice %arg8[%run_scoped3A_121, %dma_start3A_340, %dma_start3A_341] : memref<10x128x32xf32, #tpu.memory_space<vmem>> -> memref<1x128x32xf32, #tpu.memory_space<vmem>>
      %dma_start3A_343 = tpu.memref_squeeze %dma_start3A_342 : memref<1x128x32xf32, #tpu.memory_space<vmem>> -> memref<128x32xf32, #tpu.memory_space<vmem>>
      %dma_start3A_344 = arith.constant 0 : i32
      %dma_start3A_345 = tpu.memref_slice %arg7[%rem3A_120, %dma_start3A_344] : memref<400x32xf32, #tpu.memory_space<vmem_shared>> -> memref<128x32xf32, #tpu.memory_space<vmem_shared>>
      %dma_start3A_346 = arith.constant 0 : i32
      %dma_start3A_347 = arith.constant 0 : i32
      %dma_start3A_348 = tpu.memref_slice %arg8[%run_scoped3A_121, %dma_start3A_346, %dma_start3A_347] : memref<10x128x32xf32, #tpu.memory_space<vmem>> -> memref<1x128x32xf32, #tpu.memory_space<vmem>>
      %dma_start3A_349 = tpu.memref_squeeze %dma_start3A_348 : memref<1x128x32xf32, #tpu.memory_space<vmem>> -> memref<128x32xf32, #tpu.memory_space<vmem>>
      %dma_start3A_350 = arith.constant 0 : i32
      %dma_start3A_351 = tpu.memref_slice %arg7[%rem3A_120, %dma_start3A_350] : memref<400x32xf32, #tpu.memory_space<vmem_shared>> -> memref<128x32xf32, #tpu.memory_space<vmem_shared>>
      tpu.enqueue_dma source(%dma_start3A_351 : memref<128x32xf32, #tpu.memory_space<vmem_shared>>) target(%dma_start3A_349 : memref<128x32xf32, #tpu.memory_space<vmem>>) target_semaphore(%run_scoped3A_339 : memref<!tpu.dma_semaphore, #tpu.memory_space<semaphore_mem>>)
      %dma_wait3A_352 = arith.constant 0 : i32
      %dma_wait3A_353 = arith.constant 0 : i32
      %dma_wait3A_354 = tpu.memref_slice %arg8[%run_scoped3A_121, %dma_wait3A_352, %dma_wait3A_353] : memref<10x128x32xf32, #tpu.memory_space<vmem>> -> memref<1x128x32xf32, #tpu.memory_space<vmem>>
      %dma_wait3A_355 = tpu.memref_squeeze %dma_wait3A_354 : memref<1x128x32xf32, #tpu.memory_space<vmem>> -> memref<128x32xf32, #tpu.memory_space<vmem>>
      %dma_wait3A_356 = arith.constant 0 : i32
      %dma_wait3A_357 = tpu.memref_slice %arg7[%rem3A_120, %dma_wait3A_356] : memref<400x32xf32, #tpu.memory_space<vmem_shared>> -> memref<128x32xf32, #tpu.memory_space<vmem_shared>>
      %dma_wait3A_358 = arith.constant 0 : i32
      %dma_wait3A_359 = arith.constant 0 : i32
      %dma_wait3A_360 = tpu.memref_slice %arg8[%run_scoped3A_121, %dma_wait3A_358, %dma_wait3A_359] : memref<10x128x32xf32, #tpu.memory_space<vmem>> -> memref<1x128x32xf32, #tpu.memory_space<vmem>>
      %dma_wait3A_361 = tpu.memref_squeeze %dma_wait3A_360 : memref<1x128x32xf32, #tpu.memory_space<vmem>> -> memref<128x32xf32, #tpu.memory_space<vmem>>
      %dma_wait3A_362 = arith.constant 0 : i32
      %dma_wait3A_363 = tpu.memref_slice %arg7[%rem3A_120, %dma_wait3A_362] : memref<400x32xf32, #tpu.memory_space<vmem_shared>> -> memref<128x32xf32, #tpu.memory_space<vmem_shared>>
      tpu.wait_dma2 semaphore(%run_scoped3A_339 : memref<!tpu.dma_semaphore, #tpu.memory_space<semaphore_mem>>) src(%dma_wait3A_363 : memref<128x32xf32, #tpu.memory_space<vmem_shared>>) dst(%dma_wait3A_361 : memref<128x32xf32, #tpu.memory_space<vmem>>)
      tpu.yield
    }) : () -> ()
    %dma_start3A_122 = arith.constant 6 : i32
    %dma_start3A_123 = arith.constant 6 : i32
    %dma_start3A_124 = arith.constant 6 : i32
    %dma_start3A_125 = arith.constant 0 : i32
    %dma_start3A_126 = arith.constant 0 : i32
    %dma_start3A_127 = tpu.memref_slice %arg8[%dma_start3A_123, %dma_start3A_125, %dma_start3A_126] : memref<10x128x32xf32, #tpu.memory_space<vmem>> -> memref<1x128x32xf32, #tpu.memory_space<vmem>>
    %dma_start3A_128 = tpu.memref_squeeze %dma_start3A_127 : memref<1x128x32xf32, #tpu.memory_space<vmem>> -> memref<128x32xf32, #tpu.memory_space<vmem>>
    %dma_start3A_129 = arith.constant 0 : i32
    %dma_start3A_130 = tpu.memref_slice %arg6[%dma_start3A_122, %dma_start3A_129] : memref<200x128xi32, #tpu.memory_space<vmem>> -> memref<1x128xi32, #tpu.memory_space<vmem>>
    %dma_start3A_131 = tpu.memref_squeeze %dma_start3A_130 : memref<1x128xi32, #tpu.memory_space<vmem>> -> memref<128xi32, #tpu.memory_space<vmem>>
    %dma_start3A_132 = arith.constant 0 : i32
    %dma_start3A_133 = arith.constant 0 : i32
    %dma_start3A_134 = tpu.memref_slice %arg4[%dma_start3A_132, %dma_start3A_133] : memref<1000000x32xf32, #tpu.memory_space<hbm>> -> memref<1000000x32xf32, #tpu.memory_space<hbm>>
    %dma_start3A_135 = tpu.memref_slice %arg9[%dma_start3A_124] : memref<10x!tpu.dma_semaphore, #tpu.memory_space<semaphore_mem>> -> memref<1x!tpu.dma_semaphore, #tpu.memory_space<semaphore_mem>>
    %dma_start3A_136 = tpu.memref_squeeze %dma_start3A_135 : memref<1x!tpu.dma_semaphore, #tpu.memory_space<semaphore_mem>> -> memref<!tpu.dma_semaphore, #tpu.memory_space<semaphore_mem>>
    tpu.enqueue_indirect_dma source(%dma_start3A_134 : memref<1000000x32xf32, #tpu.memory_space<hbm>>) target(%dma_start3A_128 : memref<128x32xf32, #tpu.memory_space<vmem>>) offsets(%dma_start3A_131 : memref<128xi32, #tpu.memory_space<vmem>>) semaphore(%dma_start3A_136 : memref<!tpu.dma_semaphore, #tpu.memory_space<semaphore_mem>>) {add = true}
    %rem3A_137 = arith.constant 896 : i32
    %rem3A_138 = arith.constant 200 : i32
    %rem3A_139 = arith.remsi %rem3A_137, %rem3A_138 : i32
    %run_scoped3A_140 = arith.constant 7 : i32
    "tpu.region"() ({
      %run_scoped3A_339 = tpu.sem_alloc : memref<!tpu.dma_semaphore, #tpu.memory_space<semaphore_mem>>
      %dma_start3A_340 = arith.constant 0 : i32
      %dma_start3A_341 = arith.constant 0 : i32
      %dma_start3A_342 = tpu.memref_slice %arg8[%run_scoped3A_140, %dma_start3A_340, %dma_start3A_341] : memref<10x128x32xf32, #tpu.memory_space<vmem>> -> memref<1x128x32xf32, #tpu.memory_space<vmem>>
      %dma_start3A_343 = tpu.memref_squeeze %dma_start3A_342 : memref<1x128x32xf32, #tpu.memory_space<vmem>> -> memref<128x32xf32, #tpu.memory_space<vmem>>
      %dma_start3A_344 = arith.constant 0 : i32
      %dma_start3A_345 = tpu.memref_slice %arg7[%rem3A_139, %dma_start3A_344] : memref<400x32xf32, #tpu.memory_space<vmem_shared>> -> memref<128x32xf32, #tpu.memory_space<vmem_shared>>
      %dma_start3A_346 = arith.constant 0 : i32
      %dma_start3A_347 = arith.constant 0 : i32
      %dma_start3A_348 = tpu.memref_slice %arg8[%run_scoped3A_140, %dma_start3A_346, %dma_start3A_347] : memref<10x128x32xf32, #tpu.memory_space<vmem>> -> memref<1x128x32xf32, #tpu.memory_space<vmem>>
      %dma_start3A_349 = tpu.memref_squeeze %dma_start3A_348 : memref<1x128x32xf32, #tpu.memory_space<vmem>> -> memref<128x32xf32, #tpu.memory_space<vmem>>
      %dma_start3A_350 = arith.constant 0 : i32
      %dma_start3A_351 = tpu.memref_slice %arg7[%rem3A_139, %dma_start3A_350] : memref<400x32xf32, #tpu.memory_space<vmem_shared>> -> memref<128x32xf32, #tpu.memory_space<vmem_shared>>
      tpu.enqueue_dma source(%dma_start3A_351 : memref<128x32xf32, #tpu.memory_space<vmem_shared>>) target(%dma_start3A_349 : memref<128x32xf32, #tpu.memory_space<vmem>>) target_semaphore(%run_scoped3A_339 : memref<!tpu.dma_semaphore, #tpu.memory_space<semaphore_mem>>)
      %dma_wait3A_352 = arith.constant 0 : i32
      %dma_wait3A_353 = arith.constant 0 : i32
      %dma_wait3A_354 = tpu.memref_slice %arg8[%run_scoped3A_140, %dma_wait3A_352, %dma_wait3A_353] : memref<10x128x32xf32, #tpu.memory_space<vmem>> -> memref<1x128x32xf32, #tpu.memory_space<vmem>>
      %dma_wait3A_355 = tpu.memref_squeeze %dma_wait3A_354 : memref<1x128x32xf32, #tpu.memory_space<vmem>> -> memref<128x32xf32, #tpu.memory_space<vmem>>
      %dma_wait3A_356 = arith.constant 0 : i32
      %dma_wait3A_357 = tpu.memref_slice %arg7[%rem3A_139, %dma_wait3A_356] : memref<400x32xf32, #tpu.memory_space<vmem_shared>> -> memref<128x32xf32, #tpu.memory_space<vmem_shared>>
      %dma_wait3A_358 = arith.constant 0 : i32
      %dma_wait3A_359 = arith.constant 0 : i32
      %dma_wait3A_360 = tpu.memref_slice %arg8[%run_scoped3A_140, %dma_wait3A_358, %dma_wait3A_359] : memref<10x128x32xf32, #tpu.memory_space<vmem>> -> memref<1x128x32xf32, #tpu.memory_space<vmem>>
      %dma_wait3A_361 = tpu.memref_squeeze %dma_wait3A_360 : memref<1x128x32xf32, #tpu.memory_space<vmem>> -> memref<128x32xf32, #tpu.memory_space<vmem>>
      %dma_wait3A_362 = arith.constant 0 : i32
      %dma_wait3A_363 = tpu.memref_slice %arg7[%rem3A_139, %dma_wait3A_362] : memref<400x32xf32, #tpu.memory_space<vmem_shared>> -> memref<128x32xf32, #tpu.memory_space<vmem_shared>>
      tpu.wait_dma2 semaphore(%run_scoped3A_339 : memref<!tpu.dma_semaphore, #tpu.memory_space<semaphore_mem>>) src(%dma_wait3A_363 : memref<128x32xf32, #tpu.memory_space<vmem_shared>>) dst(%dma_wait3A_361 : memref<128x32xf32, #tpu.memory_space<vmem>>)
      tpu.yield
    }) : () -> ()
    %dma_start3A_141 = arith.constant 7 : i32
    %dma_start3A_142 = arith.constant 7 : i32
    %dma_start3A_143 = arith.constant 7 : i32
    %dma_start3A_144 = arith.constant 0 : i32
    %dma_start3A_145 = arith.constant 0 : i32
    %dma_start3A_146 = tpu.memref_slice %arg8[%dma_start3A_142, %dma_start3A_144, %dma_start3A_145] : memref<10x128x32xf32, #tpu.memory_space<vmem>> -> memref<1x128x32xf32, #tpu.memory_space<vmem>>
    %dma_start3A_147 = tpu.memref_squeeze %dma_start3A_146 : memref<1x128x32xf32, #tpu.memory_space<vmem>> -> memref<128x32xf32, #tpu.memory_space<vmem>>
    %dma_start3A_148 = arith.constant 0 : i32
    %dma_start3A_149 = tpu.memref_slice %arg6[%dma_start3A_141, %dma_start3A_148] : memref<200x128xi32, #tpu.memory_space<vmem>> -> memref<1x128xi32, #tpu.memory_space<vmem>>
    %dma_start3A_150 = tpu.memref_squeeze %dma_start3A_149 : memref<1x128xi32, #tpu.memory_space<vmem>> -> memref<128xi32, #tpu.memory_space<vmem>>
    %dma_start3A_151 = arith.constant 0 : i32
    %dma_start3A_152 = arith.constant 0 : i32
    %dma_start3A_153 = tpu.memref_slice %arg4[%dma_start3A_151, %dma_start3A_152] : memref<1000000x32xf32, #tpu.memory_space<hbm>> -> memref<1000000x32xf32, #tpu.memory_space<hbm>>
    %dma_start3A_154 = tpu.memref_slice %arg9[%dma_start3A_143] : memref<10x!tpu.dma_semaphore, #tpu.memory_space<semaphore_mem>> -> memref<1x!tpu.dma_semaphore, #tpu.memory_space<semaphore_mem>>
    %dma_start3A_155 = tpu.memref_squeeze %dma_start3A_154 : memref<1x!tpu.dma_semaphore, #tpu.memory_space<semaphore_mem>> -> memref<!tpu.dma_semaphore, #tpu.memory_space<semaphore_mem>>
    tpu.enqueue_indirect_dma source(%dma_start3A_153 : memref<1000000x32xf32, #tpu.memory_space<hbm>>) target(%dma_start3A_147 : memref<128x32xf32, #tpu.memory_space<vmem>>) offsets(%dma_start3A_150 : memref<128xi32, #tpu.memory_space<vmem>>) semaphore(%dma_start3A_155 : memref<!tpu.dma_semaphore, #tpu.memory_space<semaphore_mem>>) {add = true}
    %scan3A = arith.constant 0 : i32
    %scan3A_156 = arith.constant 20 : i32
    %scan3A_157 = arith.addi %scan3A, %scan3A_156 : i32
    %scan3A_158 = arith.constant 1 : i32
    scf.for %scan3A_339 = %scan3A to %scan3A_157 step %scan3A_158  : i32 {
      %mul3A_340 = arith.constant 1 : i32
      %mul3A_341 = arith.muli %scan3A_339, %mul3A_340 : i32
      %add3A_342 = arith.constant 0 : i32
      %add3A_343 = arith.addi %add3A_342, %mul3A_341 : i32
      %mul3A_344 = arith.constant 10 : i32
      %mul3A_345 = arith.muli %add3A_343, %mul3A_344 : i32
      %add3A_346 = arith.constant 0 : i32
      %add3A_347 = arith.addi %mul3A_345, %add3A_346 : i32
      %add3A_348 = arith.constant 8 : i32
      %add3A_349 = arith.addi %add3A_347, %add3A_348 : i32
      %lt3A = arith.constant 200 : i32
      %lt3A_350 = arith.cmpi slt, %add3A_349, %lt3A : i32
      %convert_element_type3A_351 = arith.extui %lt3A_350 : i1 to i32
      %cond3A_352 = arith.constant 0 : i32
      %cond3A_353 = arith.cmpi ne, %convert_element_type3A_351, %cond3A_352 : i32
      scf.if %cond3A_353 {
        %add3A_783 = arith.constant 8 : i32
        %add3A_784 = arith.addi %add3A_347, %add3A_783 : i32
        %ge3A = arith.constant 10 : i32
        %ge3A_785 = arith.cmpi sge, %add3A_784, %ge3A : i32
        %convert_element_type3A_786 = arith.extui %ge3A_785 : i1 to i32
        %cond3A_787 = arith.constant 0 : i32
        %cond3A_788 = arith.cmpi ne, %convert_element_type3A_786, %cond3A_787 : i32
        scf.if %cond3A_788 {
          %add3A_812 = arith.constant 0 : i32
          %add3A_813 = arith.addi %mul3A_6, %add3A_812 : i32
          %dma_wait3A_814 = arith.constant 8 : i32
          %dma_wait3A_815 = arith.constant 8 : i32
          %dma_wait3A_816 = arith.constant 0 : i32
          %dma_wait3A_817 = arith.constant 0 : i32
          %dma_wait3A_818 = tpu.memref_slice %arg8[%dma_wait3A_814, %dma_wait3A_816, %dma_wait3A_817] : memref<10x128x32xf32, #tpu.memory_space<vmem>> -> memref<1x128x32xf32, #tpu.memory_space<vmem>>
          %dma_wait3A_819 = tpu.memref_squeeze %dma_wait3A_818 : memref<1x128x32xf32, #tpu.memory_space<vmem>> -> memref<128x32xf32, #tpu.memory_space<vmem>>
          %dma_wait3A_820 = arith.constant 0 : i32
          %dma_wait3A_821 = tpu.memref_slice %arg5[%add3A_813, %dma_wait3A_820] : memref<819200x32xf32, #tpu.memory_space<hbm>> -> memref<128x32xf32, #tpu.memory_space<hbm>>
          %dma_wait3A_822 = tpu.memref_slice %arg10[%dma_wait3A_815] : memref<10x!tpu.dma_semaphore, #tpu.memory_space<semaphore_mem>> -> memref<1x!tpu.dma_semaphore, #tpu.memory_space<semaphore_mem>>
          %dma_wait3A_823 = tpu.memref_squeeze %dma_wait3A_822 : memref<1x!tpu.dma_semaphore, #tpu.memory_space<semaphore_mem>> -> memref<!tpu.dma_semaphore, #tpu.memory_space<semaphore_mem>>
          %dma_wait3A_824 = arith.constant 0 : i32
          %dma_wait3A_825 = tpu.memref_slice %arg5[%add3A_813, %dma_wait3A_824] : memref<819200x32xf32, #tpu.memory_space<hbm>> -> memref<128x32xf32, #tpu.memory_space<hbm>>
          %dma_wait3A_826 = arith.constant 0 : i32
          %dma_wait3A_827 = arith.constant 0 : i32
          %dma_wait3A_828 = tpu.memref_slice %arg8[%dma_wait3A_814, %dma_wait3A_826, %dma_wait3A_827] : memref<10x128x32xf32, #tpu.memory_space<vmem>> -> memref<1x128x32xf32, #tpu.memory_space<vmem>>
          %dma_wait3A_829 = tpu.memref_squeeze %dma_wait3A_828 : memref<1x128x32xf32, #tpu.memory_space<vmem>> -> memref<128x32xf32, #tpu.memory_space<vmem>>
          tpu.wait_dma2 semaphore(%dma_wait3A_823 : memref<!tpu.dma_semaphore, #tpu.memory_space<semaphore_mem>>) src(%dma_wait3A_829 : memref<128x32xf32, #tpu.memory_space<vmem>>) dst(%dma_wait3A_825 : memref<128x32xf32, #tpu.memory_space<hbm>>)
        } else {
        }
        %add3A_789 = arith.constant 8 : i32
        %add3A_790 = arith.addi %add3A_347, %add3A_789 : i32
        %mul3A_791 = arith.constant 128 : i32
        %mul3A_792 = arith.muli %add3A_790, %mul3A_791 : i32
        %rem3A_793 = arith.constant 200 : i32
        %rem3A_794 = arith.remsi %mul3A_792, %rem3A_793 : i32
        %run_scoped3A_795 = arith.constant 8 : i32
        "tpu.region"() ({
          %run_scoped3A_812 = tpu.sem_alloc : memref<!tpu.dma_semaphore, #tpu.memory_space<semaphore_mem>>
          %dma_start3A_813 = arith.constant 0 : i32
          %dma_start3A_814 = arith.constant 0 : i32
          %dma_start3A_815 = tpu.memref_slice %arg8[%run_scoped3A_795, %dma_start3A_813, %dma_start3A_814] : memref<10x128x32xf32, #tpu.memory_space<vmem>> -> memref<1x128x32xf32, #tpu.memory_space<vmem>>
          %dma_start3A_816 = tpu.memref_squeeze %dma_start3A_815 : memref<1x128x32xf32, #tpu.memory_space<vmem>> -> memref<128x32xf32, #tpu.memory_space<vmem>>
          %dma_start3A_817 = arith.constant 0 : i32
          %dma_start3A_818 = tpu.memref_slice %arg7[%rem3A_794, %dma_start3A_817] : memref<400x32xf32, #tpu.memory_space<vmem_shared>> -> memref<128x32xf32, #tpu.memory_space<vmem_shared>>
          %dma_start3A_819 = arith.constant 0 : i32
          %dma_start3A_820 = arith.constant 0 : i32
          %dma_start3A_821 = tpu.memref_slice %arg8[%run_scoped3A_795, %dma_start3A_819, %dma_start3A_820] : memref<10x128x32xf32, #tpu.memory_space<vmem>> -> memref<1x128x32xf32, #tpu.memory_space<vmem>>
          %dma_start3A_822 = tpu.memref_squeeze %dma_start3A_821 : memref<1x128x32xf32, #tpu.memory_space<vmem>> -> memref<128x32xf32, #tpu.memory_space<vmem>>
          %dma_start3A_823 = arith.constant 0 : i32
          %dma_start3A_824 = tpu.memref_slice %arg7[%rem3A_794, %dma_start3A_823] : memref<400x32xf32, #tpu.memory_space<vmem_shared>> -> memref<128x32xf32, #tpu.memory_space<vmem_shared>>
          tpu.enqueue_dma source(%dma_start3A_824 : memref<128x32xf32, #tpu.memory_space<vmem_shared>>) target(%dma_start3A_822 : memref<128x32xf32, #tpu.memory_space<vmem>>) target_semaphore(%run_scoped3A_812 : memref<!tpu.dma_semaphore, #tpu.memory_space<semaphore_mem>>)
          %dma_wait3A_825 = arith.constant 0 : i32
          %dma_wait3A_826 = arith.constant 0 : i32
          %dma_wait3A_827 = tpu.memref_slice %arg8[%run_scoped3A_795, %dma_wait3A_825, %dma_wait3A_826] : memref<10x128x32xf32, #tpu.memory_space<vmem>> -> memref<1x128x32xf32, #tpu.memory_space<vmem>>
          %dma_wait3A_828 = tpu.memref_squeeze %dma_wait3A_827 : memref<1x128x32xf32, #tpu.memory_space<vmem>> -> memref<128x32xf32, #tpu.memory_space<vmem>>
          %dma_wait3A_829 = arith.constant 0 : i32
          %dma_wait3A_830 = tpu.memref_slice %arg7[%rem3A_794, %dma_wait3A_829] : memref<400x32xf32, #tpu.memory_space<vmem_shared>> -> memref<128x32xf32, #tpu.memory_space<vmem_shared>>
          %dma_wait3A_831 = arith.constant 0 : i32
          %dma_wait3A_832 = arith.constant 0 : i32
          %dma_wait3A_833 = tpu.memref_slice %arg8[%run_scoped3A_795, %dma_wait3A_831, %dma_wait3A_832] : memref<10x128x32xf32, #tpu.memory_space<vmem>> -> memref<1x128x32xf32, #tpu.memory_space<vmem>>
          %dma_wait3A_834 = tpu.memref_squeeze %dma_wait3A_833 : memref<1x128x32xf32, #tpu.memory_space<vmem>> -> memref<128x32xf32, #tpu.memory_space<vmem>>
          %dma_wait3A_835 = arith.constant 0 : i32
          %dma_wait3A_836 = tpu.memref_slice %arg7[%rem3A_794, %dma_wait3A_835] : memref<400x32xf32, #tpu.memory_space<vmem_shared>> -> memref<128x32xf32, #tpu.memory_space<vmem_shared>>
          tpu.wait_dma2 semaphore(%run_scoped3A_812 : memref<!tpu.dma_semaphore, #tpu.memory_space<semaphore_mem>>) src(%dma_wait3A_836 : memref<128x32xf32, #tpu.memory_space<vmem_shared>>) dst(%dma_wait3A_834 : memref<128x32xf32, #tpu.memory_space<vmem>>)
          tpu.yield
        }) : () -> ()
        %add3A_796 = arith.constant 8 : i32
        %add3A_797 = arith.addi %add3A_347, %add3A_796 : i32
        %dma_start3A_798 = arith.constant 8 : i32
        %dma_start3A_799 = arith.constant 8 : i32
        %dma_start3A_800 = arith.constant 0 : i32
        %dma_start3A_801 = arith.constant 0 : i32
        %dma_start3A_802 = tpu.memref_slice %arg8[%dma_start3A_798, %dma_start3A_800, %dma_start3A_801] : memref<10x128x32xf32, #tpu.memory_space<vmem>> -> memref<1x128x32xf32, #tpu.memory_space<vmem>>
        %dma_start3A_803 = tpu.memref_squeeze %dma_start3A_802 : memref<1x128x32xf32, #tpu.memory_space<vmem>> -> memref<128x32xf32, #tpu.memory_space<vmem>>
        %dma_start3A_804 = arith.constant 0 : i32
        %dma_start3A_805 = tpu.memref_slice %arg6[%add3A_797, %dma_start3A_804] : memref<200x128xi32, #tpu.memory_space<vmem>> -> memref<1x128xi32, #tpu.memory_space<vmem>>
        %dma_start3A_806 = tpu.memref_squeeze %dma_start3A_805 : memref<1x128xi32, #tpu.memory_space<vmem>> -> memref<128xi32, #tpu.memory_space<vmem>>
        %dma_start3A_807 = arith.constant 0 : i32
        %dma_start3A_808 = arith.constant 0 : i32
        %dma_start3A_809 = tpu.memref_slice %arg4[%dma_start3A_807, %dma_start3A_808] : memref<1000000x32xf32, #tpu.memory_space<hbm>> -> memref<1000000x32xf32, #tpu.memory_space<hbm>>
        %dma_start3A_810 = tpu.memref_slice %arg9[%dma_start3A_799] : memref<10x!tpu.dma_semaphore, #tpu.memory_space<semaphore_mem>> -> memref<1x!tpu.dma_semaphore, #tpu.memory_space<semaphore_mem>>
        %dma_start3A_811 = tpu.memref_squeeze %dma_start3A_810 : memref<1x!tpu.dma_semaphore, #tpu.memory_space<semaphore_mem>> -> memref<!tpu.dma_semaphore, #tpu.memory_space<semaphore_mem>>
        tpu.enqueue_indirect_dma source(%dma_start3A_809 : memref<1000000x32xf32, #tpu.memory_space<hbm>>) target(%dma_start3A_803 : memref<128x32xf32, #tpu.memory_space<vmem>>) offsets(%dma_start3A_806 : memref<128xi32, #tpu.memory_space<vmem>>) semaphore(%dma_start3A_811 : memref<!tpu.dma_semaphore, #tpu.memory_space<semaphore_mem>>) {add = true}
      } else {
      }
      %dma_wait3A_354 = arith.constant 0 : i32
      %dma_wait3A_355 = arith.constant 0 : i32
      %dma_wait3A_356 = arith.constant 0 : i32
      %dma_wait3A_357 = arith.constant 0 : i32
      %dma_wait3A_358 = tpu.memref_slice %arg8[%dma_wait3A_354, %dma_wait3A_356, %dma_wait3A_357] : memref<10x128x32xf32, #tpu.memory_space<vmem>> -> memref<1x128x32xf32, #tpu.memory_space<vmem>>
      %dma_wait3A_359 = tpu.memref_squeeze %dma_wait3A_358 : memref<1x128x32xf32, #tpu.memory_space<vmem>> -> memref<128x32xf32, #tpu.memory_space<vmem>>
      %dma_wait3A_360 = arith.constant 0 : i32
      %dma_wait3A_361 = tpu.memref_slice %arg6[%add3A_347, %dma_wait3A_360] : memref<200x128xi32, #tpu.memory_space<vmem>> -> memref<1x128xi32, #tpu.memory_space<vmem>>
      %dma_wait3A_362 = tpu.memref_squeeze %dma_wait3A_361 : memref<1x128xi32, #tpu.memory_space<vmem>> -> memref<128xi32, #tpu.memory_space<vmem>>
      %dma_wait3A_363 = arith.constant 0 : i32
      %dma_wait3A_364 = arith.constant 0 : i32
      %dma_wait3A_365 = tpu.memref_slice %arg4[%dma_wait3A_363, %dma_wait3A_364] : memref<1000000x32xf32, #tpu.memory_space<hbm>> -> memref<1000000x32xf32, #tpu.memory_space<hbm>>
      %dma_wait3A_366 = tpu.memref_slice %arg9[%dma_wait3A_355] : memref<10x!tpu.dma_semaphore, #tpu.memory_space<semaphore_mem>> -> memref<1x!tpu.dma_semaphore, #tpu.memory_space<semaphore_mem>>
      %dma_wait3A_367 = tpu.memref_squeeze %dma_wait3A_366 : memref<1x!tpu.dma_semaphore, #tpu.memory_space<semaphore_mem>> -> memref<!tpu.dma_semaphore, #tpu.memory_space<semaphore_mem>>
      tpu.wait_indirect_dma semaphore(%dma_wait3A_367 : memref<!tpu.dma_semaphore, #tpu.memory_space<semaphore_mem>>) src(%dma_wait3A_365 : memref<1000000x32xf32, #tpu.memory_space<hbm>>) dst(%dma_wait3A_359 : memref<128x32xf32, #tpu.memory_space<vmem>>)
      %mul3A_368 = arith.constant 128 : i32
      %mul3A_369 = arith.muli %add3A_347, %mul3A_368 : i32
      %add3A_370 = arith.addi %mul3A_6, %mul3A_369 : i32
      %dma_start3A_371 = arith.constant 0 : i32
      %dma_start3A_372 = arith.constant 0 : i32
      %dma_start3A_373 = arith.constant 0 : i32
      %dma_start3A_374 = arith.constant 0 : i32
      %dma_start3A_375 = tpu.memref_slice %arg8[%dma_start3A_371, %dma_start3A_373, %dma_start3A_374] : memref<10x128x32xf32, #tpu.memory_space<vmem>> -> memref<1x128x32xf32, #tpu.memory_space<vmem>>
      %dma_start3A_376 = tpu.memref_squeeze %dma_start3A_375 : memref<1x128x32xf32, #tpu.memory_space<vmem>> -> memref<128x32xf32, #tpu.memory_space<vmem>>
      %dma_start3A_377 = arith.constant 0 : i32
      %dma_start3A_378 = tpu.memref_slice %arg5[%add3A_370, %dma_start3A_377] : memref<819200x32xf32, #tpu.memory_space<hbm>> -> memref<128x32xf32, #tpu.memory_space<hbm>>
      %dma_start3A_379 = tpu.memref_slice %arg10[%dma_start3A_372] : memref<10x!tpu.dma_semaphore, #tpu.memory_space<semaphore_mem>> -> memref<1x!tpu.dma_semaphore, #tpu.memory_space<semaphore_mem>>
      %dma_start3A_380 = tpu.memref_squeeze %dma_start3A_379 : memref<1x!tpu.dma_semaphore, #tpu.memory_space<semaphore_mem>> -> memref<!tpu.dma_semaphore, #tpu.memory_space<semaphore_mem>>
      %dma_start3A_381 = arith.constant 0 : i32
      %dma_start3A_382 = tpu.memref_slice %arg5[%add3A_370, %dma_start3A_381] : memref<819200x32xf32, #tpu.memory_space<hbm>> -> memref<128x32xf32, #tpu.memory_space<hbm>>
      %dma_start3A_383 = arith.constant 0 : i32
      %dma_start3A_384 = arith.constant 0 : i32
      %dma_start3A_385 = tpu.memref_slice %arg8[%dma_start3A_371, %dma_start3A_383, %dma_start3A_384] : memref<10x128x32xf32, #tpu.memory_space<vmem>> -> memref<1x128x32xf32, #tpu.memory_space<vmem>>
      %dma_start3A_386 = tpu.memref_squeeze %dma_start3A_385 : memref<1x128x32xf32, #tpu.memory_space<vmem>> -> memref<128x32xf32, #tpu.memory_space<vmem>>
      tpu.enqueue_dma source(%dma_start3A_386 : memref<128x32xf32, #tpu.memory_space<vmem>>) target(%dma_start3A_382 : memref<128x32xf32, #tpu.memory_space<hbm>>) target_semaphore(%dma_start3A_380 : memref<!tpu.dma_semaphore, #tpu.memory_space<semaphore_mem>>)
      %mul3A_387 = arith.constant 10 : i32
      %mul3A_388 = arith.muli %add3A_343, %mul3A_387 : i32
      %add3A_389 = arith.constant 1 : i32
      %add3A_390 = arith.addi %mul3A_388, %add3A_389 : i32
      %add3A_391 = arith.constant 8 : i32
      %add3A_392 = arith.addi %add3A_390, %add3A_391 : i32
      %lt3A_393 = arith.constant 200 : i32
      %lt3A_394 = arith.cmpi slt, %add3A_392, %lt3A_393 : i32
      %convert_element_type3A_395 = arith.extui %lt3A_394 : i1 to i32
      %cond3A_396 = arith.constant 0 : i32
      %cond3A_397 = arith.cmpi ne, %convert_element_type3A_395, %cond3A_396 : i32
      scf.if %cond3A_397 {
        %add3A_783 = arith.constant 8 : i32
        %add3A_784 = arith.addi %add3A_390, %add3A_783 : i32
        %ge3A = arith.constant 10 : i32
        %ge3A_785 = arith.cmpi sge, %add3A_784, %ge3A : i32
        %convert_element_type3A_786 = arith.extui %ge3A_785 : i1 to i32
        %cond3A_787 = arith.constant 0 : i32
        %cond3A_788 = arith.cmpi ne, %convert_element_type3A_786, %cond3A_787 : i32
        scf.if %cond3A_788 {
          %add3A_812 = arith.constant 0 : i32
          %add3A_813 = arith.addi %mul3A_6, %add3A_812 : i32
          %dma_wait3A_814 = arith.constant 9 : i32
          %dma_wait3A_815 = arith.constant 9 : i32
          %dma_wait3A_816 = arith.constant 0 : i32
          %dma_wait3A_817 = arith.constant 0 : i32
          %dma_wait3A_818 = tpu.memref_slice %arg8[%dma_wait3A_814, %dma_wait3A_816, %dma_wait3A_817] : memref<10x128x32xf32, #tpu.memory_space<vmem>> -> memref<1x128x32xf32, #tpu.memory_space<vmem>>
          %dma_wait3A_819 = tpu.memref_squeeze %dma_wait3A_818 : memref<1x128x32xf32, #tpu.memory_space<vmem>> -> memref<128x32xf32, #tpu.memory_space<vmem>>
          %dma_wait3A_820 = arith.constant 0 : i32
          %dma_wait3A_821 = tpu.memref_slice %arg5[%add3A_813, %dma_wait3A_820] : memref<819200x32xf32, #tpu.memory_space<hbm>> -> memref<128x32xf32, #tpu.memory_space<hbm>>
          %dma_wait3A_822 = tpu.memref_slice %arg10[%dma_wait3A_815] : memref<10x!tpu.dma_semaphore, #tpu.memory_space<semaphore_mem>> -> memref<1x!tpu.dma_semaphore, #tpu.memory_space<semaphore_mem>>
          %dma_wait3A_823 = tpu.memref_squeeze %dma_wait3A_822 : memref<1x!tpu.dma_semaphore, #tpu.memory_space<semaphore_mem>> -> memref<!tpu.dma_semaphore, #tpu.memory_space<semaphore_mem>>
          %dma_wait3A_824 = arith.constant 0 : i32
          %dma_wait3A_825 = tpu.memref_slice %arg5[%add3A_813, %dma_wait3A_824] : memref<819200x32xf32, #tpu.memory_space<hbm>> -> memref<128x32xf32, #tpu.memory_space<hbm>>
          %dma_wait3A_826 = arith.constant 0 : i32
          %dma_wait3A_827 = arith.constant 0 : i32
          %dma_wait3A_828 = tpu.memref_slice %arg8[%dma_wait3A_814, %dma_wait3A_826, %dma_wait3A_827] : memref<10x128x32xf32, #tpu.memory_space<vmem>> -> memref<1x128x32xf32, #tpu.memory_space<vmem>>
          %dma_wait3A_829 = tpu.memref_squeeze %dma_wait3A_828 : memref<1x128x32xf32, #tpu.memory_space<vmem>> -> memref<128x32xf32, #tpu.memory_space<vmem>>
          tpu.wait_dma2 semaphore(%dma_wait3A_823 : memref<!tpu.dma_semaphore, #tpu.memory_space<semaphore_mem>>) src(%dma_wait3A_829 : memref<128x32xf32, #tpu.memory_space<vmem>>) dst(%dma_wait3A_825 : memref<128x32xf32, #tpu.memory_space<hbm>>)
        } else {
        }
        %add3A_789 = arith.constant 8 : i32
        %add3A_790 = arith.addi %add3A_390, %add3A_789 : i32
        %mul3A_791 = arith.constant 128 : i32
        %mul3A_792 = arith.muli %add3A_790, %mul3A_791 : i32
        %rem3A_793 = arith.constant 200 : i32
        %rem3A_794 = arith.remsi %mul3A_792, %rem3A_793 : i32
        %run_scoped3A_795 = arith.constant 9 : i32
        "tpu.region"() ({
          %run_scoped3A_812 = tpu.sem_alloc : memref<!tpu.dma_semaphore, #tpu.memory_space<semaphore_mem>>
          %dma_start3A_813 = arith.constant 0 : i32
          %dma_start3A_814 = arith.constant 0 : i32
          %dma_start3A_815 = tpu.memref_slice %arg8[%run_scoped3A_795, %dma_start3A_813, %dma_start3A_814] : memref<10x128x32xf32, #tpu.memory_space<vmem>> -> memref<1x128x32xf32, #tpu.memory_space<vmem>>
          %dma_start3A_816 = tpu.memref_squeeze %dma_start3A_815 : memref<1x128x32xf32, #tpu.memory_space<vmem>> -> memref<128x32xf32, #tpu.memory_space<vmem>>
          %dma_start3A_817 = arith.constant 0 : i32
          %dma_start3A_818 = tpu.memref_slice %arg7[%rem3A_794, %dma_start3A_817] : memref<400x32xf32, #tpu.memory_space<vmem_shared>> -> memref<128x32xf32, #tpu.memory_space<vmem_shared>>
          %dma_start3A_819 = arith.constant 0 : i32
          %dma_start3A_820 = arith.constant 0 : i32
          %dma_start3A_821 = tpu.memref_slice %arg8[%run_scoped3A_795, %dma_start3A_819, %dma_start3A_820] : memref<10x128x32xf32, #tpu.memory_space<vmem>> -> memref<1x128x32xf32, #tpu.memory_space<vmem>>
          %dma_start3A_822 = tpu.memref_squeeze %dma_start3A_821 : memref<1x128x32xf32, #tpu.memory_space<vmem>> -> memref<128x32xf32, #tpu.memory_space<vmem>>
          %dma_start3A_823 = arith.constant 0 : i32
          %dma_start3A_824 = tpu.memref_slice %arg7[%rem3A_794, %dma_start3A_823] : memref<400x32xf32, #tpu.memory_space<vmem_shared>> -> memref<128x32xf32, #tpu.memory_space<vmem_shared>>
          tpu.enqueue_dma source(%dma_start3A_824 : memref<128x32xf32, #tpu.memory_space<vmem_shared>>) target(%dma_start3A_822 : memref<128x32xf32, #tpu.memory_space<vmem>>) target_semaphore(%run_scoped3A_812 : memref<!tpu.dma_semaphore, #tpu.memory_space<semaphore_mem>>)
          %dma_wait3A_825 = arith.constant 0 : i32
          %dma_wait3A_826 = arith.constant 0 : i32
          %dma_wait3A_827 = tpu.memref_slice %arg8[%run_scoped3A_795, %dma_wait3A_825, %dma_wait3A_826] : memref<10x128x32xf32, #tpu.memory_space<vmem>> -> memref<1x128x32xf32, #tpu.memory_space<vmem>>
          %dma_wait3A_828 = tpu.memref_squeeze %dma_wait3A_827 : memref<1x128x32xf32, #tpu.memory_space<vmem>> -> memref<128x32xf32, #tpu.memory_space<vmem>>
          %dma_wait3A_829 = arith.constant 0 : i32
          %dma_wait3A_830 = tpu.memref_slice %arg7[%rem3A_794, %dma_wait3A_829] : memref<400x32xf32, #tpu.memory_space<vmem_shared>> -> memref<128x32xf32, #tpu.memory_space<vmem_shared>>
          %dma_wait3A_831 = arith.constant 0 : i32
          %dma_wait3A_832 = arith.constant 0 : i32
          %dma_wait3A_833 = tpu.memref_slice %arg8[%run_scoped3A_795, %dma_wait3A_831, %dma_wait3A_832] : memref<10x128x32xf32, #tpu.memory_space<vmem>> -> memref<1x128x32xf32, #tpu.memory_space<vmem>>
          %dma_wait3A_834 = tpu.memref_squeeze %dma_wait3A_833 : memref<1x128x32xf32, #tpu.memory_space<vmem>> -> memref<128x32xf32, #tpu.memory_space<vmem>>
          %dma_wait3A_835 = arith.constant 0 : i32
          %dma_wait3A_836 = tpu.memref_slice %arg7[%rem3A_794, %dma_wait3A_835] : memref<400x32xf32, #tpu.memory_space<vmem_shared>> -> memref<128x32xf32, #tpu.memory_space<vmem_shared>>
          tpu.wait_dma2 semaphore(%run_scoped3A_812 : memref<!tpu.dma_semaphore, #tpu.memory_space<semaphore_mem>>) src(%dma_wait3A_836 : memref<128x32xf32, #tpu.memory_space<vmem_shared>>) dst(%dma_wait3A_834 : memref<128x32xf32, #tpu.memory_space<vmem>>)
          tpu.yield
        }) : () -> ()
        %add3A_796 = arith.constant 8 : i32
        %add3A_797 = arith.addi %add3A_390, %add3A_796 : i32
        %dma_start3A_798 = arith.constant 9 : i32
        %dma_start3A_799 = arith.constant 9 : i32
        %dma_start3A_800 = arith.constant 0 : i32
        %dma_start3A_801 = arith.constant 0 : i32
        %dma_start3A_802 = tpu.memref_slice %arg8[%dma_start3A_798, %dma_start3A_800, %dma_start3A_801] : memref<10x128x32xf32, #tpu.memory_space<vmem>> -> memref<1x128x32xf32, #tpu.memory_space<vmem>>
        %dma_start3A_803 = tpu.memref_squeeze %dma_start3A_802 : memref<1x128x32xf32, #tpu.memory_space<vmem>> -> memref<128x32xf32, #tpu.memory_space<vmem>>
        %dma_start3A_804 = arith.constant 0 : i32
        %dma_start3A_805 = tpu.memref_slice %arg6[%add3A_797, %dma_start3A_804] : memref<200x128xi32, #tpu.memory_space<vmem>> -> memref<1x128xi32, #tpu.memory_space<vmem>>
        %dma_start3A_806 = tpu.memref_squeeze %dma_start3A_805 : memref<1x128xi32, #tpu.memory_space<vmem>> -> memref<128xi32, #tpu.memory_space<vmem>>
        %dma_start3A_807 = arith.constant 0 : i32
        %dma_start3A_808 = arith.constant 0 : i32
        %dma_start3A_809 = tpu.memref_slice %arg4[%dma_start3A_807, %dma_start3A_808] : memref<1000000x32xf32, #tpu.memory_space<hbm>> -> memref<1000000x32xf32, #tpu.memory_space<hbm>>
        %dma_start3A_810 = tpu.memref_slice %arg9[%dma_start3A_799] : memref<10x!tpu.dma_semaphore, #tpu.memory_space<semaphore_mem>> -> memref<1x!tpu.dma_semaphore, #tpu.memory_space<semaphore_mem>>
        %dma_start3A_811 = tpu.memref_squeeze %dma_start3A_810 : memref<1x!tpu.dma_semaphore, #tpu.memory_space<semaphore_mem>> -> memref<!tpu.dma_semaphore, #tpu.memory_space<semaphore_mem>>
        tpu.enqueue_indirect_dma source(%dma_start3A_809 : memref<1000000x32xf32, #tpu.memory_space<hbm>>) target(%dma_start3A_803 : memref<128x32xf32, #tpu.memory_space<vmem>>) offsets(%dma_start3A_806 : memref<128xi32, #tpu.memory_space<vmem>>) semaphore(%dma_start3A_811 : memref<!tpu.dma_semaphore, #tpu.memory_space<semaphore_mem>>) {add = true}
      } else {
      }
      %dma_wait3A_398 = arith.constant 1 : i32
      %dma_wait3A_399 = arith.constant 1 : i32
      %dma_wait3A_400 = arith.constant 0 : i32
      %dma_wait3A_401 = arith.constant 0 : i32
      %dma_wait3A_402 = tpu.memref_slice %arg8[%dma_wait3A_398, %dma_wait3A_400, %dma_wait3A_401] : memref<10x128x32xf32, #tpu.memory_space<vmem>> -> memref<1x128x32xf32, #tpu.memory_space<vmem>>
      %dma_wait3A_403 = tpu.memref_squeeze %dma_wait3A_402 : memref<1x128x32xf32, #tpu.memory_space<vmem>> -> memref<128x32xf32, #tpu.memory_space<vmem>>
      %dma_wait3A_404 = arith.constant 0 : i32
      %dma_wait3A_405 = tpu.memref_slice %arg6[%add3A_390, %dma_wait3A_404] : memref<200x128xi32, #tpu.memory_space<vmem>> -> memref<1x128xi32, #tpu.memory_space<vmem>>
      %dma_wait3A_406 = tpu.memref_squeeze %dma_wait3A_405 : memref<1x128xi32, #tpu.memory_space<vmem>> -> memref<128xi32, #tpu.memory_space<vmem>>
      %dma_wait3A_407 = arith.constant 0 : i32
      %dma_wait3A_408 = arith.constant 0 : i32
      %dma_wait3A_409 = tpu.memref_slice %arg4[%dma_wait3A_407, %dma_wait3A_408] : memref<1000000x32xf32, #tpu.memory_space<hbm>> -> memref<1000000x32xf32, #tpu.memory_space<hbm>>
      %dma_wait3A_410 = tpu.memref_slice %arg9[%dma_wait3A_399] : memref<10x!tpu.dma_semaphore, #tpu.memory_space<semaphore_mem>> -> memref<1x!tpu.dma_semaphore, #tpu.memory_space<semaphore_mem>>
      %dma_wait3A_411 = tpu.memref_squeeze %dma_wait3A_410 : memref<1x!tpu.dma_semaphore, #tpu.memory_space<semaphore_mem>> -> memref<!tpu.dma_semaphore, #tpu.memory_space<semaphore_mem>>
      tpu.wait_indirect_dma semaphore(%dma_wait3A_411 : memref<!tpu.dma_semaphore, #tpu.memory_space<semaphore_mem>>) src(%dma_wait3A_409 : memref<1000000x32xf32, #tpu.memory_space<hbm>>) dst(%dma_wait3A_403 : memref<128x32xf32, #tpu.memory_space<vmem>>)
      %mul3A_412 = arith.constant 128 : i32
      %mul3A_413 = arith.muli %add3A_390, %mul3A_412 : i32
      %add3A_414 = arith.addi %mul3A_6, %mul3A_413 : i32
      %dma_start3A_415 = arith.constant 1 : i32
      %dma_start3A_416 = arith.constant 1 : i32
      %dma_start3A_417 = arith.constant 0 : i32
      %dma_start3A_418 = arith.constant 0 : i32
      %dma_start3A_419 = tpu.memref_slice %arg8[%dma_start3A_415, %dma_start3A_417, %dma_start3A_418] : memref<10x128x32xf32, #tpu.memory_space<vmem>> -> memref<1x128x32xf32, #tpu.memory_space<vmem>>
      %dma_start3A_420 = tpu.memref_squeeze %dma_start3A_419 : memref<1x128x32xf32, #tpu.memory_space<vmem>> -> memref<128x32xf32, #tpu.memory_space<vmem>>
      %dma_start3A_421 = arith.constant 0 : i32
      %dma_start3A_422 = tpu.memref_slice %arg5[%add3A_414, %dma_start3A_421] : memref<819200x32xf32, #tpu.memory_space<hbm>> -> memref<128x32xf32, #tpu.memory_space<hbm>>
      %dma_start3A_423 = tpu.memref_slice %arg10[%dma_start3A_416] : memref<10x!tpu.dma_semaphore, #tpu.memory_space<semaphore_mem>> -> memref<1x!tpu.dma_semaphore, #tpu.memory_space<semaphore_mem>>
      %dma_start3A_424 = tpu.memref_squeeze %dma_start3A_423 : memref<1x!tpu.dma_semaphore, #tpu.memory_space<semaphore_mem>> -> memref<!tpu.dma_semaphore, #tpu.memory_space<semaphore_mem>>
      %dma_start3A_425 = arith.constant 0 : i32
      %dma_start3A_426 = tpu.memref_slice %arg5[%add3A_414, %dma_start3A_425] : memref<819200x32xf32, #tpu.memory_space<hbm>> -> memref<128x32xf32, #tpu.memory_space<hbm>>
      %dma_start3A_427 = arith.constant 0 : i32
      %dma_start3A_428 = arith.constant 0 : i32
      %dma_start3A_429 = tpu.memref_slice %arg8[%dma_start3A_415, %dma_start3A_427, %dma_start3A_428] : memref<10x128x32xf32, #tpu.memory_space<vmem>> -> memref<1x128x32xf32, #tpu.memory_space<vmem>>
      %dma_start3A_430 = tpu.memref_squeeze %dma_start3A_429 : memref<1x128x32xf32, #tpu.memory_space<vmem>> -> memref<128x32xf32, #tpu.memory_space<vmem>>
      tpu.enqueue_dma source(%dma_start3A_430 : memref<128x32xf32, #tpu.memory_space<vmem>>) target(%dma_start3A_426 : memref<128x32xf32, #tpu.memory_space<hbm>>) target_semaphore(%dma_start3A_424 : memref<!tpu.dma_semaphore, #tpu.memory_space<semaphore_mem>>)
      %mul3A_431 = arith.constant 10 : i32
      %mul3A_432 = arith.muli %add3A_343, %mul3A_431 : i32
      %add3A_433 = arith.constant 2 : i32
      %add3A_434 = arith.addi %mul3A_432, %add3A_433 : i32
      %add3A_435 = arith.constant 8 : i32
      %add3A_436 = arith.addi %add3A_434, %add3A_435 : i32
      %lt3A_437 = arith.constant 200 : i32
      %lt3A_438 = arith.cmpi slt, %add3A_436, %lt3A_437 : i32
      %convert_element_type3A_439 = arith.extui %lt3A_438 : i1 to i32
      %cond3A_440 = arith.constant 0 : i32
      %cond3A_441 = arith.cmpi ne, %convert_element_type3A_439, %cond3A_440 : i32
      scf.if %cond3A_441 {
        %add3A_783 = arith.constant 8 : i32
        %add3A_784 = arith.addi %add3A_434, %add3A_783 : i32
        %ge3A = arith.constant 10 : i32
        %ge3A_785 = arith.cmpi sge, %add3A_784, %ge3A : i32
        %convert_element_type3A_786 = arith.extui %ge3A_785 : i1 to i32
        %cond3A_787 = arith.constant 0 : i32
        %cond3A_788 = arith.cmpi ne, %convert_element_type3A_786, %cond3A_787 : i32
        scf.if %cond3A_788 {
          %add3A_812 = arith.constant 0 : i32
          %add3A_813 = arith.addi %mul3A_6, %add3A_812 : i32
          %dma_wait3A_814 = arith.constant 0 : i32
          %dma_wait3A_815 = arith.constant 0 : i32
          %dma_wait3A_816 = arith.constant 0 : i32
          %dma_wait3A_817 = arith.constant 0 : i32
          %dma_wait3A_818 = tpu.memref_slice %arg8[%dma_wait3A_814, %dma_wait3A_816, %dma_wait3A_817] : memref<10x128x32xf32, #tpu.memory_space<vmem>> -> memref<1x128x32xf32, #tpu.memory_space<vmem>>
          %dma_wait3A_819 = tpu.memref_squeeze %dma_wait3A_818 : memref<1x128x32xf32, #tpu.memory_space<vmem>> -> memref<128x32xf32, #tpu.memory_space<vmem>>
          %dma_wait3A_820 = arith.constant 0 : i32
          %dma_wait3A_821 = tpu.memref_slice %arg5[%add3A_813, %dma_wait3A_820] : memref<819200x32xf32, #tpu.memory_space<hbm>> -> memref<128x32xf32, #tpu.memory_space<hbm>>
          %dma_wait3A_822 = tpu.memref_slice %arg10[%dma_wait3A_815] : memref<10x!tpu.dma_semaphore, #tpu.memory_space<semaphore_mem>> -> memref<1x!tpu.dma_semaphore, #tpu.memory_space<semaphore_mem>>
          %dma_wait3A_823 = tpu.memref_squeeze %dma_wait3A_822 : memref<1x!tpu.dma_semaphore, #tpu.memory_space<semaphore_mem>> -> memref<!tpu.dma_semaphore, #tpu.memory_space<semaphore_mem>>
          %dma_wait3A_824 = arith.constant 0 : i32
          %dma_wait3A_825 = tpu.memref_slice %arg5[%add3A_813, %dma_wait3A_824] : memref<819200x32xf32, #tpu.memory_space<hbm>> -> memref<128x32xf32, #tpu.memory_space<hbm>>
          %dma_wait3A_826 = arith.constant 0 : i32
          %dma_wait3A_827 = arith.constant 0 : i32
          %dma_wait3A_828 = tpu.memref_slice %arg8[%dma_wait3A_814, %dma_wait3A_826, %dma_wait3A_827] : memref<10x128x32xf32, #tpu.memory_space<vmem>> -> memref<1x128x32xf32, #tpu.memory_space<vmem>>
          %dma_wait3A_829 = tpu.memref_squeeze %dma_wait3A_828 : memref<1x128x32xf32, #tpu.memory_space<vmem>> -> memref<128x32xf32, #tpu.memory_space<vmem>>
          tpu.wait_dma2 semaphore(%dma_wait3A_823 : memref<!tpu.dma_semaphore, #tpu.memory_space<semaphore_mem>>) src(%dma_wait3A_829 : memref<128x32xf32, #tpu.memory_space<vmem>>) dst(%dma_wait3A_825 : memref<128x32xf32, #tpu.memory_space<hbm>>)
        } else {
        }
        %add3A_789 = arith.constant 8 : i32
        %add3A_790 = arith.addi %add3A_434, %add3A_789 : i32
        %mul3A_791 = arith.constant 128 : i32
        %mul3A_792 = arith.muli %add3A_790, %mul3A_791 : i32
        %rem3A_793 = arith.constant 200 : i32
        %rem3A_794 = arith.remsi %mul3A_792, %rem3A_793 : i32
        %run_scoped3A_795 = arith.constant 0 : i32
        "tpu.region"() ({
          %run_scoped3A_812 = tpu.sem_alloc : memref<!tpu.dma_semaphore, #tpu.memory_space<semaphore_mem>>
          %dma_start3A_813 = arith.constant 0 : i32
          %dma_start3A_814 = arith.constant 0 : i32
          %dma_start3A_815 = tpu.memref_slice %arg8[%run_scoped3A_795, %dma_start3A_813, %dma_start3A_814] : memref<10x128x32xf32, #tpu.memory_space<vmem>> -> memref<1x128x32xf32, #tpu.memory_space<vmem>>
          %dma_start3A_816 = tpu.memref_squeeze %dma_start3A_815 : memref<1x128x32xf32, #tpu.memory_space<vmem>> -> memref<128x32xf32, #tpu.memory_space<vmem>>
          %dma_start3A_817 = arith.constant 0 : i32
          %dma_start3A_818 = tpu.memref_slice %arg7[%rem3A_794, %dma_start3A_817] : memref<400x32xf32, #tpu.memory_space<vmem_shared>> -> memref<128x32xf32, #tpu.memory_space<vmem_shared>>
          %dma_start3A_819 = arith.constant 0 : i32
          %dma_start3A_820 = arith.constant 0 : i32
          %dma_start3A_821 = tpu.memref_slice %arg8[%run_scoped3A_795, %dma_start3A_819, %dma_start3A_820] : memref<10x128x32xf32, #tpu.memory_space<vmem>> -> memref<1x128x32xf32, #tpu.memory_space<vmem>>
          %dma_start3A_822 = tpu.memref_squeeze %dma_start3A_821 : memref<1x128x32xf32, #tpu.memory_space<vmem>> -> memref<128x32xf32, #tpu.memory_space<vmem>>
          %dma_start3A_823 = arith.constant 0 : i32
          %dma_start3A_824 = tpu.memref_slice %arg7[%rem3A_794, %dma_start3A_823] : memref<400x32xf32, #tpu.memory_space<vmem_shared>> -> memref<128x32xf32, #tpu.memory_space<vmem_shared>>
          tpu.enqueue_dma source(%dma_start3A_824 : memref<128x32xf32, #tpu.memory_space<vmem_shared>>) target(%dma_start3A_822 : memref<128x32xf32, #tpu.memory_space<vmem>>) target_semaphore(%run_scoped3A_812 : memref<!tpu.dma_semaphore, #tpu.memory_space<semaphore_mem>>)
          %dma_wait3A_825 = arith.constant 0 : i32
          %dma_wait3A_826 = arith.constant 0 : i32
          %dma_wait3A_827 = tpu.memref_slice %arg8[%run_scoped3A_795, %dma_wait3A_825, %dma_wait3A_826] : memref<10x128x32xf32, #tpu.memory_space<vmem>> -> memref<1x128x32xf32, #tpu.memory_space<vmem>>
          %dma_wait3A_828 = tpu.memref_squeeze %dma_wait3A_827 : memref<1x128x32xf32, #tpu.memory_space<vmem>> -> memref<128x32xf32, #tpu.memory_space<vmem>>
          %dma_wait3A_829 = arith.constant 0 : i32
          %dma_wait3A_830 = tpu.memref_slice %arg7[%rem3A_794, %dma_wait3A_829] : memref<400x32xf32, #tpu.memory_space<vmem_shared>> -> memref<128x32xf32, #tpu.memory_space<vmem_shared>>
          %dma_wait3A_831 = arith.constant 0 : i32
          %dma_wait3A_832 = arith.constant 0 : i32
          %dma_wait3A_833 = tpu.memref_slice %arg8[%run_scoped3A_795, %dma_wait3A_831, %dma_wait3A_832] : memref<10x128x32xf32, #tpu.memory_space<vmem>> -> memref<1x128x32xf32, #tpu.memory_space<vmem>>
          %dma_wait3A_834 = tpu.memref_squeeze %dma_wait3A_833 : memref<1x128x32xf32, #tpu.memory_space<vmem>> -> memref<128x32xf32, #tpu.memory_space<vmem>>
          %dma_wait3A_835 = arith.constant 0 : i32
          %dma_wait3A_836 = tpu.memref_slice %arg7[%rem3A_794, %dma_wait3A_835] : memref<400x32xf32, #tpu.memory_space<vmem_shared>> -> memref<128x32xf32, #tpu.memory_space<vmem_shared>>
          tpu.wait_dma2 semaphore(%run_scoped3A_812 : memref<!tpu.dma_semaphore, #tpu.memory_space<semaphore_mem>>) src(%dma_wait3A_836 : memref<128x32xf32, #tpu.memory_space<vmem_shared>>) dst(%dma_wait3A_834 : memref<128x32xf32, #tpu.memory_space<vmem>>)
          tpu.yield
        }) : () -> ()
        %add3A_796 = arith.constant 8 : i32
        %add3A_797 = arith.addi %add3A_434, %add3A_796 : i32
        %dma_start3A_798 = arith.constant 0 : i32
        %dma_start3A_799 = arith.constant 0 : i32
        %dma_start3A_800 = arith.constant 0 : i32
        %dma_start3A_801 = arith.constant 0 : i32
        %dma_start3A_802 = tpu.memref_slice %arg8[%dma_start3A_798, %dma_start3A_800, %dma_start3A_801] : memref<10x128x32xf32, #tpu.memory_space<vmem>> -> memref<1x128x32xf32, #tpu.memory_space<vmem>>
        %dma_start3A_803 = tpu.memref_squeeze %dma_start3A_802 : memref<1x128x32xf32, #tpu.memory_space<vmem>> -> memref<128x32xf32, #tpu.memory_space<vmem>>
        %dma_start3A_804 = arith.constant 0 : i32
        %dma_start3A_805 = tpu.memref_slice %arg6[%add3A_797, %dma_start3A_804] : memref<200x128xi32, #tpu.memory_space<vmem>> -> memref<1x128xi32, #tpu.memory_space<vmem>>
        %dma_start3A_806 = tpu.memref_squeeze %dma_start3A_805 : memref<1x128xi32, #tpu.memory_space<vmem>> -> memref<128xi32, #tpu.memory_space<vmem>>
        %dma_start3A_807 = arith.constant 0 : i32
        %dma_start3A_808 = arith.constant 0 : i32
        %dma_start3A_809 = tpu.memref_slice %arg4[%dma_start3A_807, %dma_start3A_808] : memref<1000000x32xf32, #tpu.memory_space<hbm>> -> memref<1000000x32xf32, #tpu.memory_space<hbm>>
        %dma_start3A_810 = tpu.memref_slice %arg9[%dma_start3A_799] : memref<10x!tpu.dma_semaphore, #tpu.memory_space<semaphore_mem>> -> memref<1x!tpu.dma_semaphore, #tpu.memory_space<semaphore_mem>>
        %dma_start3A_811 = tpu.memref_squeeze %dma_start3A_810 : memref<1x!tpu.dma_semaphore, #tpu.memory_space<semaphore_mem>> -> memref<!tpu.dma_semaphore, #tpu.memory_space<semaphore_mem>>
        tpu.enqueue_indirect_dma source(%dma_start3A_809 : memref<1000000x32xf32, #tpu.memory_space<hbm>>) target(%dma_start3A_803 : memref<128x32xf32, #tpu.memory_space<vmem>>) offsets(%dma_start3A_806 : memref<128xi32, #tpu.memory_space<vmem>>) semaphore(%dma_start3A_811 : memref<!tpu.dma_semaphore, #tpu.memory_space<semaphore_mem>>) {add = true}
      } else {
      }
      %dma_wait3A_442 = arith.constant 2 : i32
      %dma_wait3A_443 = arith.constant 2 : i32
      %dma_wait3A_444 = arith.constant 0 : i32
      %dma_wait3A_445 = arith.constant 0 : i32
      %dma_wait3A_446 = tpu.memref_slice %arg8[%dma_wait3A_442, %dma_wait3A_444, %dma_wait3A_445] : memref<10x128x32xf32, #tpu.memory_space<vmem>> -> memref<1x128x32xf32, #tpu.memory_space<vmem>>
      %dma_wait3A_447 = tpu.memref_squeeze %dma_wait3A_446 : memref<1x128x32xf32, #tpu.memory_space<vmem>> -> memref<128x32xf32, #tpu.memory_space<vmem>>
      %dma_wait3A_448 = arith.constant 0 : i32
      %dma_wait3A_449 = tpu.memref_slice %arg6[%add3A_434, %dma_wait3A_448] : memref<200x128xi32, #tpu.memory_space<vmem>> -> memref<1x128xi32, #tpu.memory_space<vmem>>
      %dma_wait3A_450 = tpu.memref_squeeze %dma_wait3A_449 : memref<1x128xi32, #tpu.memory_space<vmem>> -> memref<128xi32, #tpu.memory_space<vmem>>
      %dma_wait3A_451 = arith.constant 0 : i32
      %dma_wait3A_452 = arith.constant 0 : i32
      %dma_wait3A_453 = tpu.memref_slice %arg4[%dma_wait3A_451, %dma_wait3A_452] : memref<1000000x32xf32, #tpu.memory_space<hbm>> -> memref<1000000x32xf32, #tpu.memory_space<hbm>>
      %dma_wait3A_454 = tpu.memref_slice %arg9[%dma_wait3A_443] : memref<10x!tpu.dma_semaphore, #tpu.memory_space<semaphore_mem>> -> memref<1x!tpu.dma_semaphore, #tpu.memory_space<semaphore_mem>>
      %dma_wait3A_455 = tpu.memref_squeeze %dma_wait3A_454 : memref<1x!tpu.dma_semaphore, #tpu.memory_space<semaphore_mem>> -> memref<!tpu.dma_semaphore, #tpu.memory_space<semaphore_mem>>
      tpu.wait_indirect_dma semaphore(%dma_wait3A_455 : memref<!tpu.dma_semaphore, #tpu.memory_space<semaphore_mem>>) src(%dma_wait3A_453 : memref<1000000x32xf32, #tpu.memory_space<hbm>>) dst(%dma_wait3A_447 : memref<128x32xf32, #tpu.memory_space<vmem>>)
      %mul3A_456 = arith.constant 128 : i32
      %mul3A_457 = arith.muli %add3A_434, %mul3A_456 : i32
      %add3A_458 = arith.addi %mul3A_6, %mul3A_457 : i32
      %dma_start3A_459 = arith.constant 2 : i32
      %dma_start3A_460 = arith.constant 2 : i32
      %dma_start3A_461 = arith.constant 0 : i32
      %dma_start3A_462 = arith.constant 0 : i32
      %dma_start3A_463 = tpu.memref_slice %arg8[%dma_start3A_459, %dma_start3A_461, %dma_start3A_462] : memref<10x128x32xf32, #tpu.memory_space<vmem>> -> memref<1x128x32xf32, #tpu.memory_space<vmem>>
      %dma_start3A_464 = tpu.memref_squeeze %dma_start3A_463 : memref<1x128x32xf32, #tpu.memory_space<vmem>> -> memref<128x32xf32, #tpu.memory_space<vmem>>
      %dma_start3A_465 = arith.constant 0 : i32
      %dma_start3A_466 = tpu.memref_slice %arg5[%add3A_458, %dma_start3A_465] : memref<819200x32xf32, #tpu.memory_space<hbm>> -> memref<128x32xf32, #tpu.memory_space<hbm>>
      %dma_start3A_467 = tpu.memref_slice %arg10[%dma_start3A_460] : memref<10x!tpu.dma_semaphore, #tpu.memory_space<semaphore_mem>> -> memref<1x!tpu.dma_semaphore, #tpu.memory_space<semaphore_mem>>
      %dma_start3A_468 = tpu.memref_squeeze %dma_start3A_467 : memref<1x!tpu.dma_semaphore, #tpu.memory_space<semaphore_mem>> -> memref<!tpu.dma_semaphore, #tpu.memory_space<semaphore_mem>>
      %dma_start3A_469 = arith.constant 0 : i32
      %dma_start3A_470 = tpu.memref_slice %arg5[%add3A_458, %dma_start3A_469] : memref<819200x32xf32, #tpu.memory_space<hbm>> -> memref<128x32xf32, #tpu.memory_space<hbm>>
      %dma_start3A_471 = arith.constant 0 : i32
      %dma_start3A_472 = arith.constant 0 : i32
      %dma_start3A_473 = tpu.memref_slice %arg8[%dma_start3A_459, %dma_start3A_471, %dma_start3A_472] : memref<10x128x32xf32, #tpu.memory_space<vmem>> -> memref<1x128x32xf32, #tpu.memory_space<vmem>>
      %dma_start3A_474 = tpu.memref_squeeze %dma_start3A_473 : memref<1x128x32xf32, #tpu.memory_space<vmem>> -> memref<128x32xf32, #tpu.memory_space<vmem>>
      tpu.enqueue_dma source(%dma_start3A_474 : memref<128x32xf32, #tpu.memory_space<vmem>>) target(%dma_start3A_470 : memref<128x32xf32, #tpu.memory_space<hbm>>) target_semaphore(%dma_start3A_468 : memref<!tpu.dma_semaphore, #tpu.memory_space<semaphore_mem>>)
      %mul3A_475 = arith.constant 10 : i32
      %mul3A_476 = arith.muli %add3A_343, %mul3A_475 : i32
      %add3A_477 = arith.constant 3 : i32
      %add3A_478 = arith.addi %mul3A_476, %add3A_477 : i32
      %add3A_479 = arith.constant 8 : i32
      %add3A_480 = arith.addi %add3A_478, %add3A_479 : i32
      %lt3A_481 = arith.constant 200 : i32
      %lt3A_482 = arith.cmpi slt, %add3A_480, %lt3A_481 : i32
      %convert_element_type3A_483 = arith.extui %lt3A_482 : i1 to i32
      %cond3A_484 = arith.constant 0 : i32
      %cond3A_485 = arith.cmpi ne, %convert_element_type3A_483, %cond3A_484 : i32
      scf.if %cond3A_485 {
        %add3A_783 = arith.constant 8 : i32
        %add3A_784 = arith.addi %add3A_478, %add3A_783 : i32
        %ge3A = arith.constant 10 : i32
        %ge3A_785 = arith.cmpi sge, %add3A_784, %ge3A : i32
        %convert_element_type3A_786 = arith.extui %ge3A_785 : i1 to i32
        %cond3A_787 = arith.constant 0 : i32
        %cond3A_788 = arith.cmpi ne, %convert_element_type3A_786, %cond3A_787 : i32
        scf.if %cond3A_788 {
          %add3A_812 = arith.constant 0 : i32
          %add3A_813 = arith.addi %mul3A_6, %add3A_812 : i32
          %dma_wait3A_814 = arith.constant 1 : i32
          %dma_wait3A_815 = arith.constant 1 : i32
          %dma_wait3A_816 = arith.constant 0 : i32
          %dma_wait3A_817 = arith.constant 0 : i32
          %dma_wait3A_818 = tpu.memref_slice %arg8[%dma_wait3A_814, %dma_wait3A_816, %dma_wait3A_817] : memref<10x128x32xf32, #tpu.memory_space<vmem>> -> memref<1x128x32xf32, #tpu.memory_space<vmem>>
          %dma_wait3A_819 = tpu.memref_squeeze %dma_wait3A_818 : memref<1x128x32xf32, #tpu.memory_space<vmem>> -> memref<128x32xf32, #tpu.memory_space<vmem>>
          %dma_wait3A_820 = arith.constant 0 : i32
          %dma_wait3A_821 = tpu.memref_slice %arg5[%add3A_813, %dma_wait3A_820] : memref<819200x32xf32, #tpu.memory_space<hbm>> -> memref<128x32xf32, #tpu.memory_space<hbm>>
          %dma_wait3A_822 = tpu.memref_slice %arg10[%dma_wait3A_815] : memref<10x!tpu.dma_semaphore, #tpu.memory_space<semaphore_mem>> -> memref<1x!tpu.dma_semaphore, #tpu.memory_space<semaphore_mem>>
          %dma_wait3A_823 = tpu.memref_squeeze %dma_wait3A_822 : memref<1x!tpu.dma_semaphore, #tpu.memory_space<semaphore_mem>> -> memref<!tpu.dma_semaphore, #tpu.memory_space<semaphore_mem>>
          %dma_wait3A_824 = arith.constant 0 : i32
          %dma_wait3A_825 = tpu.memref_slice %arg5[%add3A_813, %dma_wait3A_824] : memref<819200x32xf32, #tpu.memory_space<hbm>> -> memref<128x32xf32, #tpu.memory_space<hbm>>
          %dma_wait3A_826 = arith.constant 0 : i32
          %dma_wait3A_827 = arith.constant 0 : i32
          %dma_wait3A_828 = tpu.memref_slice %arg8[%dma_wait3A_814, %dma_wait3A_826, %dma_wait3A_827] : memref<10x128x32xf32, #tpu.memory_space<vmem>> -> memref<1x128x32xf32, #tpu.memory_space<vmem>>
          %dma_wait3A_829 = tpu.memref_squeeze %dma_wait3A_828 : memref<1x128x32xf32, #tpu.memory_space<vmem>> -> memref<128x32xf32, #tpu.memory_space<vmem>>
          tpu.wait_dma2 semaphore(%dma_wait3A_823 : memref<!tpu.dma_semaphore, #tpu.memory_space<semaphore_mem>>) src(%dma_wait3A_829 : memref<128x32xf32, #tpu.memory_space<vmem>>) dst(%dma_wait3A_825 : memref<128x32xf32, #tpu.memory_space<hbm>>)
        } else {
        }
        %add3A_789 = arith.constant 8 : i32
        %add3A_790 = arith.addi %add3A_478, %add3A_789 : i32
        %mul3A_791 = arith.constant 128 : i32
        %mul3A_792 = arith.muli %add3A_790, %mul3A_791 : i32
        %rem3A_793 = arith.constant 200 : i32
        %rem3A_794 = arith.remsi %mul3A_792, %rem3A_793 : i32
        %run_scoped3A_795 = arith.constant 1 : i32
        "tpu.region"() ({
          %run_scoped3A_812 = tpu.sem_alloc : memref<!tpu.dma_semaphore, #tpu.memory_space<semaphore_mem>>
          %dma_start3A_813 = arith.constant 0 : i32
          %dma_start3A_814 = arith.constant 0 : i32
          %dma_start3A_815 = tpu.memref_slice %arg8[%run_scoped3A_795, %dma_start3A_813, %dma_start3A_814] : memref<10x128x32xf32, #tpu.memory_space<vmem>> -> memref<1x128x32xf32, #tpu.memory_space<vmem>>
          %dma_start3A_816 = tpu.memref_squeeze %dma_start3A_815 : memref<1x128x32xf32, #tpu.memory_space<vmem>> -> memref<128x32xf32, #tpu.memory_space<vmem>>
          %dma_start3A_817 = arith.constant 0 : i32
          %dma_start3A_818 = tpu.memref_slice %arg7[%rem3A_794, %dma_start3A_817] : memref<400x32xf32, #tpu.memory_space<vmem_shared>> -> memref<128x32xf32, #tpu.memory_space<vmem_shared>>
          %dma_start3A_819 = arith.constant 0 : i32
          %dma_start3A_820 = arith.constant 0 : i32
          %dma_start3A_821 = tpu.memref_slice %arg8[%run_scoped3A_795, %dma_start3A_819, %dma_start3A_820] : memref<10x128x32xf32, #tpu.memory_space<vmem>> -> memref<1x128x32xf32, #tpu.memory_space<vmem>>
          %dma_start3A_822 = tpu.memref_squeeze %dma_start3A_821 : memref<1x128x32xf32, #tpu.memory_space<vmem>> -> memref<128x32xf32, #tpu.memory_space<vmem>>
          %dma_start3A_823 = arith.constant 0 : i32
          %dma_start3A_824 = tpu.memref_slice %arg7[%rem3A_794, %dma_start3A_823] : memref<400x32xf32, #tpu.memory_space<vmem_shared>> -> memref<128x32xf32, #tpu.memory_space<vmem_shared>>
          tpu.enqueue_dma source(%dma_start3A_824 : memref<128x32xf32, #tpu.memory_space<vmem_shared>>) target(%dma_start3A_822 : memref<128x32xf32, #tpu.memory_space<vmem>>) target_semaphore(%run_scoped3A_812 : memref<!tpu.dma_semaphore, #tpu.memory_space<semaphore_mem>>)
          %dma_wait3A_825 = arith.constant 0 : i32
          %dma_wait3A_826 = arith.constant 0 : i32
          %dma_wait3A_827 = tpu.memref_slice %arg8[%run_scoped3A_795, %dma_wait3A_825, %dma_wait3A_826] : memref<10x128x32xf32, #tpu.memory_space<vmem>> -> memref<1x128x32xf32, #tpu.memory_space<vmem>>
          %dma_wait3A_828 = tpu.memref_squeeze %dma_wait3A_827 : memref<1x128x32xf32, #tpu.memory_space<vmem>> -> memref<128x32xf32, #tpu.memory_space<vmem>>
          %dma_wait3A_829 = arith.constant 0 : i32
          %dma_wait3A_830 = tpu.memref_slice %arg7[%rem3A_794, %dma_wait3A_829] : memref<400x32xf32, #tpu.memory_space<vmem_shared>> -> memref<128x32xf32, #tpu.memory_space<vmem_shared>>
          %dma_wait3A_831 = arith.constant 0 : i32
          %dma_wait3A_832 = arith.constant 0 : i32
          %dma_wait3A_833 = tpu.memref_slice %arg8[%run_scoped3A_795, %dma_wait3A_831, %dma_wait3A_832] : memref<10x128x32xf32, #tpu.memory_space<vmem>> -> memref<1x128x32xf32, #tpu.memory_space<vmem>>
          %dma_wait3A_834 = tpu.memref_squeeze %dma_wait3A_833 : memref<1x128x32xf32, #tpu.memory_space<vmem>> -> memref<128x32xf32, #tpu.memory_space<vmem>>
          %dma_wait3A_835 = arith.constant 0 : i32
          %dma_wait3A_836 = tpu.memref_slice %arg7[%rem3A_794, %dma_wait3A_835] : memref<400x32xf32, #tpu.memory_space<vmem_shared>> -> memref<128x32xf32, #tpu.memory_space<vmem_shared>>
          tpu.wait_dma2 semaphore(%run_scoped3A_812 : memref<!tpu.dma_semaphore, #tpu.memory_space<semaphore_mem>>) src(%dma_wait3A_836 : memref<128x32xf32, #tpu.memory_space<vmem_shared>>) dst(%dma_wait3A_834 : memref<128x32xf32, #tpu.memory_space<vmem>>)
          tpu.yield
        }) : () -> ()
        %add3A_796 = arith.constant 8 : i32
        %add3A_797 = arith.addi %add3A_478, %add3A_796 : i32
        %dma_start3A_798 = arith.constant 1 : i32
        %dma_start3A_799 = arith.constant 1 : i32
        %dma_start3A_800 = arith.constant 0 : i32
        %dma_start3A_801 = arith.constant 0 : i32
        %dma_start3A_802 = tpu.memref_slice %arg8[%dma_start3A_798, %dma_start3A_800, %dma_start3A_801] : memref<10x128x32xf32, #tpu.memory_space<vmem>> -> memref<1x128x32xf32, #tpu.memory_space<vmem>>
        %dma_start3A_803 = tpu.memref_squeeze %dma_start3A_802 : memref<1x128x32xf32, #tpu.memory_space<vmem>> -> memref<128x32xf32, #tpu.memory_space<vmem>>
        %dma_start3A_804 = arith.constant 0 : i32
        %dma_start3A_805 = tpu.memref_slice %arg6[%add3A_797, %dma_start3A_804] : memref<200x128xi32, #tpu.memory_space<vmem>> -> memref<1x128xi32, #tpu.memory_space<vmem>>
        %dma_start3A_806 = tpu.memref_squeeze %dma_start3A_805 : memref<1x128xi32, #tpu.memory_space<vmem>> -> memref<128xi32, #tpu.memory_space<vmem>>
        %dma_start3A_807 = arith.constant 0 : i32
        %dma_start3A_808 = arith.constant 0 : i32
        %dma_start3A_809 = tpu.memref_slice %arg4[%dma_start3A_807, %dma_start3A_808] : memref<1000000x32xf32, #tpu.memory_space<hbm>> -> memref<1000000x32xf32, #tpu.memory_space<hbm>>
        %dma_start3A_810 = tpu.memref_slice %arg9[%dma_start3A_799] : memref<10x!tpu.dma_semaphore, #tpu.memory_space<semaphore_mem>> -> memref<1x!tpu.dma_semaphore, #tpu.memory_space<semaphore_mem>>
        %dma_start3A_811 = tpu.memref_squeeze %dma_start3A_810 : memref<1x!tpu.dma_semaphore, #tpu.memory_space<semaphore_mem>> -> memref<!tpu.dma_semaphore, #tpu.memory_space<semaphore_mem>>
        tpu.enqueue_indirect_dma source(%dma_start3A_809 : memref<1000000x32xf32, #tpu.memory_space<hbm>>) target(%dma_start3A_803 : memref<128x32xf32, #tpu.memory_space<vmem>>) offsets(%dma_start3A_806 : memref<128xi32, #tpu.memory_space<vmem>>) semaphore(%dma_start3A_811 : memref<!tpu.dma_semaphore, #tpu.memory_space<semaphore_mem>>) {add = true}
      } else {
      }
      %dma_wait3A_486 = arith.constant 3 : i32
      %dma_wait3A_487 = arith.constant 3 : i32
      %dma_wait3A_488 = arith.constant 0 : i32
      %dma_wait3A_489 = arith.constant 0 : i32
      %dma_wait3A_490 = tpu.memref_slice %arg8[%dma_wait3A_486, %dma_wait3A_488, %dma_wait3A_489] : memref<10x128x32xf32, #tpu.memory_space<vmem>> -> memref<1x128x32xf32, #tpu.memory_space<vmem>>
      %dma_wait3A_491 = tpu.memref_squeeze %dma_wait3A_490 : memref<1x128x32xf32, #tpu.memory_space<vmem>> -> memref<128x32xf32, #tpu.memory_space<vmem>>
      %dma_wait3A_492 = arith.constant 0 : i32
      %dma_wait3A_493 = tpu.memref_slice %arg6[%add3A_478, %dma_wait3A_492] : memref<200x128xi32, #tpu.memory_space<vmem>> -> memref<1x128xi32, #tpu.memory_space<vmem>>
      %dma_wait3A_494 = tpu.memref_squeeze %dma_wait3A_493 : memref<1x128xi32, #tpu.memory_space<vmem>> -> memref<128xi32, #tpu.memory_space<vmem>>
      %dma_wait3A_495 = arith.constant 0 : i32
      %dma_wait3A_496 = arith.constant 0 : i32
      %dma_wait3A_497 = tpu.memref_slice %arg4[%dma_wait3A_495, %dma_wait3A_496] : memref<1000000x32xf32, #tpu.memory_space<hbm>> -> memref<1000000x32xf32, #tpu.memory_space<hbm>>
      %dma_wait3A_498 = tpu.memref_slice %arg9[%dma_wait3A_487] : memref<10x!tpu.dma_semaphore, #tpu.memory_space<semaphore_mem>> -> memref<1x!tpu.dma_semaphore, #tpu.memory_space<semaphore_mem>>
      %dma_wait3A_499 = tpu.memref_squeeze %dma_wait3A_498 : memref<1x!tpu.dma_semaphore, #tpu.memory_space<semaphore_mem>> -> memref<!tpu.dma_semaphore, #tpu.memory_space<semaphore_mem>>
      tpu.wait_indirect_dma semaphore(%dma_wait3A_499 : memref<!tpu.dma_semaphore, #tpu.memory_space<semaphore_mem>>) src(%dma_wait3A_497 : memref<1000000x32xf32, #tpu.memory_space<hbm>>) dst(%dma_wait3A_491 : memref<128x32xf32, #tpu.memory_space<vmem>>)
      %mul3A_500 = arith.constant 128 : i32
      %mul3A_501 = arith.muli %add3A_478, %mul3A_500 : i32
      %add3A_502 = arith.addi %mul3A_6, %mul3A_501 : i32
      %dma_start3A_503 = arith.constant 3 : i32
      %dma_start3A_504 = arith.constant 3 : i32
      %dma_start3A_505 = arith.constant 0 : i32
      %dma_start3A_506 = arith.constant 0 : i32
      %dma_start3A_507 = tpu.memref_slice %arg8[%dma_start3A_503, %dma_start3A_505, %dma_start3A_506] : memref<10x128x32xf32, #tpu.memory_space<vmem>> -> memref<1x128x32xf32, #tpu.memory_space<vmem>>
      %dma_start3A_508 = tpu.memref_squeeze %dma_start3A_507 : memref<1x128x32xf32, #tpu.memory_space<vmem>> -> memref<128x32xf32, #tpu.memory_space<vmem>>
      %dma_start3A_509 = arith.constant 0 : i32
      %dma_start3A_510 = tpu.memref_slice %arg5[%add3A_502, %dma_start3A_509] : memref<819200x32xf32, #tpu.memory_space<hbm>> -> memref<128x32xf32, #tpu.memory_space<hbm>>
      %dma_start3A_511 = tpu.memref_slice %arg10[%dma_start3A_504] : memref<10x!tpu.dma_semaphore, #tpu.memory_space<semaphore_mem>> -> memref<1x!tpu.dma_semaphore, #tpu.memory_space<semaphore_mem>>
      %dma_start3A_512 = tpu.memref_squeeze %dma_start3A_511 : memref<1x!tpu.dma_semaphore, #tpu.memory_space<semaphore_mem>> -> memref<!tpu.dma_semaphore, #tpu.memory_space<semaphore_mem>>
      %dma_start3A_513 = arith.constant 0 : i32
      %dma_start3A_514 = tpu.memref_slice %arg5[%add3A_502, %dma_start3A_513] : memref<819200x32xf32, #tpu.memory_space<hbm>> -> memref<128x32xf32, #tpu.memory_space<hbm>>
      %dma_start3A_515 = arith.constant 0 : i32
      %dma_start3A_516 = arith.constant 0 : i32
      %dma_start3A_517 = tpu.memref_slice %arg8[%dma_start3A_503, %dma_start3A_515, %dma_start3A_516] : memref<10x128x32xf32, #tpu.memory_space<vmem>> -> memref<1x128x32xf32, #tpu.memory_space<vmem>>
      %dma_start3A_518 = tpu.memref_squeeze %dma_start3A_517 : memref<1x128x32xf32, #tpu.memory_space<vmem>> -> memref<128x32xf32, #tpu.memory_space<vmem>>
      tpu.enqueue_dma source(%dma_start3A_518 : memref<128x32xf32, #tpu.memory_space<vmem>>) target(%dma_start3A_514 : memref<128x32xf32, #tpu.memory_space<hbm>>) target_semaphore(%dma_start3A_512 : memref<!tpu.dma_semaphore, #tpu.memory_space<semaphore_mem>>)
      %mul3A_519 = arith.constant 10 : i32
      %mul3A_520 = arith.muli %add3A_343, %mul3A_519 : i32
      %add3A_521 = arith.constant 4 : i32
      %add3A_522 = arith.addi %mul3A_520, %add3A_521 : i32
      %add3A_523 = arith.constant 8 : i32
      %add3A_524 = arith.addi %add3A_522, %add3A_523 : i32
      %lt3A_525 = arith.constant 200 : i32
      %lt3A_526 = arith.cmpi slt, %add3A_524, %lt3A_525 : i32
      %convert_element_type3A_527 = arith.extui %lt3A_526 : i1 to i32
      %cond3A_528 = arith.constant 0 : i32
      %cond3A_529 = arith.cmpi ne, %convert_element_type3A_527, %cond3A_528 : i32
      scf.if %cond3A_529 {
        %add3A_783 = arith.constant 8 : i32
        %add3A_784 = arith.addi %add3A_522, %add3A_783 : i32
        %ge3A = arith.constant 10 : i32
        %ge3A_785 = arith.cmpi sge, %add3A_784, %ge3A : i32
        %convert_element_type3A_786 = arith.extui %ge3A_785 : i1 to i32
        %cond3A_787 = arith.constant 0 : i32
        %cond3A_788 = arith.cmpi ne, %convert_element_type3A_786, %cond3A_787 : i32
        scf.if %cond3A_788 {
          %add3A_812 = arith.constant 0 : i32
          %add3A_813 = arith.addi %mul3A_6, %add3A_812 : i32
          %dma_wait3A_814 = arith.constant 2 : i32
          %dma_wait3A_815 = arith.constant 2 : i32
          %dma_wait3A_816 = arith.constant 0 : i32
          %dma_wait3A_817 = arith.constant 0 : i32
          %dma_wait3A_818 = tpu.memref_slice %arg8[%dma_wait3A_814, %dma_wait3A_816, %dma_wait3A_817] : memref<10x128x32xf32, #tpu.memory_space<vmem>> -> memref<1x128x32xf32, #tpu.memory_space<vmem>>
          %dma_wait3A_819 = tpu.memref_squeeze %dma_wait3A_818 : memref<1x128x32xf32, #tpu.memory_space<vmem>> -> memref<128x32xf32, #tpu.memory_space<vmem>>
          %dma_wait3A_820 = arith.constant 0 : i32
          %dma_wait3A_821 = tpu.memref_slice %arg5[%add3A_813, %dma_wait3A_820] : memref<819200x32xf32, #tpu.memory_space<hbm>> -> memref<128x32xf32, #tpu.memory_space<hbm>>
          %dma_wait3A_822 = tpu.memref_slice %arg10[%dma_wait3A_815] : memref<10x!tpu.dma_semaphore, #tpu.memory_space<semaphore_mem>> -> memref<1x!tpu.dma_semaphore, #tpu.memory_space<semaphore_mem>>
          %dma_wait3A_823 = tpu.memref_squeeze %dma_wait3A_822 : memref<1x!tpu.dma_semaphore, #tpu.memory_space<semaphore_mem>> -> memref<!tpu.dma_semaphore, #tpu.memory_space<semaphore_mem>>
          %dma_wait3A_824 = arith.constant 0 : i32
          %dma_wait3A_825 = tpu.memref_slice %arg5[%add3A_813, %dma_wait3A_824] : memref<819200x32xf32, #tpu.memory_space<hbm>> -> memref<128x32xf32, #tpu.memory_space<hbm>>
          %dma_wait3A_826 = arith.constant 0 : i32
          %dma_wait3A_827 = arith.constant 0 : i32
          %dma_wait3A_828 = tpu.memref_slice %arg8[%dma_wait3A_814, %dma_wait3A_826, %dma_wait3A_827] : memref<10x128x32xf32, #tpu.memory_space<vmem>> -> memref<1x128x32xf32, #tpu.memory_space<vmem>>
          %dma_wait3A_829 = tpu.memref_squeeze %dma_wait3A_828 : memref<1x128x32xf32, #tpu.memory_space<vmem>> -> memref<128x32xf32, #tpu.memory_space<vmem>>
          tpu.wait_dma2 semaphore(%dma_wait3A_823 : memref<!tpu.dma_semaphore, #tpu.memory_space<semaphore_mem>>) src(%dma_wait3A_829 : memref<128x32xf32, #tpu.memory_space<vmem>>) dst(%dma_wait3A_825 : memref<128x32xf32, #tpu.memory_space<hbm>>)
        } else {
        }
        %add3A_789 = arith.constant 8 : i32
        %add3A_790 = arith.addi %add3A_522, %add3A_789 : i32
        %mul3A_791 = arith.constant 128 : i32
        %mul3A_792 = arith.muli %add3A_790, %mul3A_791 : i32
        %rem3A_793 = arith.constant 200 : i32
        %rem3A_794 = arith.remsi %mul3A_792, %rem3A_793 : i32
        %run_scoped3A_795 = arith.constant 2 : i32
        "tpu.region"() ({
          %run_scoped3A_812 = tpu.sem_alloc : memref<!tpu.dma_semaphore, #tpu.memory_space<semaphore_mem>>
          %dma_start3A_813 = arith.constant 0 : i32
          %dma_start3A_814 = arith.constant 0 : i32
          %dma_start3A_815 = tpu.memref_slice %arg8[%run_scoped3A_795, %dma_start3A_813, %dma_start3A_814] : memref<10x128x32xf32, #tpu.memory_space<vmem>> -> memref<1x128x32xf32, #tpu.memory_space<vmem>>
          %dma_start3A_816 = tpu.memref_squeeze %dma_start3A_815 : memref<1x128x32xf32, #tpu.memory_space<vmem>> -> memref<128x32xf32, #tpu.memory_space<vmem>>
          %dma_start3A_817 = arith.constant 0 : i32
          %dma_start3A_818 = tpu.memref_slice %arg7[%rem3A_794, %dma_start3A_817] : memref<400x32xf32, #tpu.memory_space<vmem_shared>> -> memref<128x32xf32, #tpu.memory_space<vmem_shared>>
          %dma_start3A_819 = arith.constant 0 : i32
          %dma_start3A_820 = arith.constant 0 : i32
          %dma_start3A_821 = tpu.memref_slice %arg8[%run_scoped3A_795, %dma_start3A_819, %dma_start3A_820] : memref<10x128x32xf32, #tpu.memory_space<vmem>> -> memref<1x128x32xf32, #tpu.memory_space<vmem>>
          %dma_start3A_822 = tpu.memref_squeeze %dma_start3A_821 : memref<1x128x32xf32, #tpu.memory_space<vmem>> -> memref<128x32xf32, #tpu.memory_space<vmem>>
          %dma_start3A_823 = arith.constant 0 : i32
          %dma_start3A_824 = tpu.memref_slice %arg7[%rem3A_794, %dma_start3A_823] : memref<400x32xf32, #tpu.memory_space<vmem_shared>> -> memref<128x32xf32, #tpu.memory_space<vmem_shared>>
          tpu.enqueue_dma source(%dma_start3A_824 : memref<128x32xf32, #tpu.memory_space<vmem_shared>>) target(%dma_start3A_822 : memref<128x32xf32, #tpu.memory_space<vmem>>) target_semaphore(%run_scoped3A_812 : memref<!tpu.dma_semaphore, #tpu.memory_space<semaphore_mem>>)
          %dma_wait3A_825 = arith.constant 0 : i32
          %dma_wait3A_826 = arith.constant 0 : i32
          %dma_wait3A_827 = tpu.memref_slice %arg8[%run_scoped3A_795, %dma_wait3A_825, %dma_wait3A_826] : memref<10x128x32xf32, #tpu.memory_space<vmem>> -> memref<1x128x32xf32, #tpu.memory_space<vmem>>
          %dma_wait3A_828 = tpu.memref_squeeze %dma_wait3A_827 : memref<1x128x32xf32, #tpu.memory_space<vmem>> -> memref<128x32xf32, #tpu.memory_space<vmem>>
          %dma_wait3A_829 = arith.constant 0 : i32
          %dma_wait3A_830 = tpu.memref_slice %arg7[%rem3A_794, %dma_wait3A_829] : memref<400x32xf32, #tpu.memory_space<vmem_shared>> -> memref<128x32xf32, #tpu.memory_space<vmem_shared>>
          %dma_wait3A_831 = arith.constant 0 : i32
          %dma_wait3A_832 = arith.constant 0 : i32
          %dma_wait3A_833 = tpu.memref_slice %arg8[%run_scoped3A_795, %dma_wait3A_831, %dma_wait3A_832] : memref<10x128x32xf32, #tpu.memory_space<vmem>> -> memref<1x128x32xf32, #tpu.memory_space<vmem>>
          %dma_wait3A_834 = tpu.memref_squeeze %dma_wait3A_833 : memref<1x128x32xf32, #tpu.memory_space<vmem>> -> memref<128x32xf32, #tpu.memory_space<vmem>>
          %dma_wait3A_835 = arith.constant 0 : i32
          %dma_wait3A_836 = tpu.memref_slice %arg7[%rem3A_794, %dma_wait3A_835] : memref<400x32xf32, #tpu.memory_space<vmem_shared>> -> memref<128x32xf32, #tpu.memory_space<vmem_shared>>
          tpu.wait_dma2 semaphore(%run_scoped3A_812 : memref<!tpu.dma_semaphore, #tpu.memory_space<semaphore_mem>>) src(%dma_wait3A_836 : memref<128x32xf32, #tpu.memory_space<vmem_shared>>) dst(%dma_wait3A_834 : memref<128x32xf32, #tpu.memory_space<vmem>>)
          tpu.yield
        }) : () -> ()
        %add3A_796 = arith.constant 8 : i32
        %add3A_797 = arith.addi %add3A_522, %add3A_796 : i32
        %dma_start3A_798 = arith.constant 2 : i32
        %dma_start3A_799 = arith.constant 2 : i32
        %dma_start3A_800 = arith.constant 0 : i32
        %dma_start3A_801 = arith.constant 0 : i32
        %dma_start3A_802 = tpu.memref_slice %arg8[%dma_start3A_798, %dma_start3A_800, %dma_start3A_801] : memref<10x128x32xf32, #tpu.memory_space<vmem>> -> memref<1x128x32xf32, #tpu.memory_space<vmem>>
        %dma_start3A_803 = tpu.memref_squeeze %dma_start3A_802 : memref<1x128x32xf32, #tpu.memory_space<vmem>> -> memref<128x32xf32, #tpu.memory_space<vmem>>
        %dma_start3A_804 = arith.constant 0 : i32
        %dma_start3A_805 = tpu.memref_slice %arg6[%add3A_797, %dma_start3A_804] : memref<200x128xi32, #tpu.memory_space<vmem>> -> memref<1x128xi32, #tpu.memory_space<vmem>>
        %dma_start3A_806 = tpu.memref_squeeze %dma_start3A_805 : memref<1x128xi32, #tpu.memory_space<vmem>> -> memref<128xi32, #tpu.memory_space<vmem>>
        %dma_start3A_807 = arith.constant 0 : i32
        %dma_start3A_808 = arith.constant 0 : i32
        %dma_start3A_809 = tpu.memref_slice %arg4[%dma_start3A_807, %dma_start3A_808] : memref<1000000x32xf32, #tpu.memory_space<hbm>> -> memref<1000000x32xf32, #tpu.memory_space<hbm>>
        %dma_start3A_810 = tpu.memref_slice %arg9[%dma_start3A_799] : memref<10x!tpu.dma_semaphore, #tpu.memory_space<semaphore_mem>> -> memref<1x!tpu.dma_semaphore, #tpu.memory_space<semaphore_mem>>
        %dma_start3A_811 = tpu.memref_squeeze %dma_start3A_810 : memref<1x!tpu.dma_semaphore, #tpu.memory_space<semaphore_mem>> -> memref<!tpu.dma_semaphore, #tpu.memory_space<semaphore_mem>>
        tpu.enqueue_indirect_dma source(%dma_start3A_809 : memref<1000000x32xf32, #tpu.memory_space<hbm>>) target(%dma_start3A_803 : memref<128x32xf32, #tpu.memory_space<vmem>>) offsets(%dma_start3A_806 : memref<128xi32, #tpu.memory_space<vmem>>) semaphore(%dma_start3A_811 : memref<!tpu.dma_semaphore, #tpu.memory_space<semaphore_mem>>) {add = true}
      } else {
      }
      %dma_wait3A_530 = arith.constant 4 : i32
      %dma_wait3A_531 = arith.constant 4 : i32
      %dma_wait3A_532 = arith.constant 0 : i32
      %dma_wait3A_533 = arith.constant 0 : i32
      %dma_wait3A_534 = tpu.memref_slice %arg8[%dma_wait3A_530, %dma_wait3A_532, %dma_wait3A_533] : memref<10x128x32xf32, #tpu.memory_space<vmem>> -> memref<1x128x32xf32, #tpu.memory_space<vmem>>
      %dma_wait3A_535 = tpu.memref_squeeze %dma_wait3A_534 : memref<1x128x32xf32, #tpu.memory_space<vmem>> -> memref<128x32xf32, #tpu.memory_space<vmem>>
      %dma_wait3A_536 = arith.constant 0 : i32
      %dma_wait3A_537 = tpu.memref_slice %arg6[%add3A_522, %dma_wait3A_536] : memref<200x128xi32, #tpu.memory_space<vmem>> -> memref<1x128xi32, #tpu.memory_space<vmem>>
      %dma_wait3A_538 = tpu.memref_squeeze %dma_wait3A_537 : memref<1x128xi32, #tpu.memory_space<vmem>> -> memref<128xi32, #tpu.memory_space<vmem>>
      %dma_wait3A_539 = arith.constant 0 : i32
      %dma_wait3A_540 = arith.constant 0 : i32
      %dma_wait3A_541 = tpu.memref_slice %arg4[%dma_wait3A_539, %dma_wait3A_540] : memref<1000000x32xf32, #tpu.memory_space<hbm>> -> memref<1000000x32xf32, #tpu.memory_space<hbm>>
      %dma_wait3A_542 = tpu.memref_slice %arg9[%dma_wait3A_531] : memref<10x!tpu.dma_semaphore, #tpu.memory_space<semaphore_mem>> -> memref<1x!tpu.dma_semaphore, #tpu.memory_space<semaphore_mem>>
      %dma_wait3A_543 = tpu.memref_squeeze %dma_wait3A_542 : memref<1x!tpu.dma_semaphore, #tpu.memory_space<semaphore_mem>> -> memref<!tpu.dma_semaphore, #tpu.memory_space<semaphore_mem>>
      tpu.wait_indirect_dma semaphore(%dma_wait3A_543 : memref<!tpu.dma_semaphore, #tpu.memory_space<semaphore_mem>>) src(%dma_wait3A_541 : memref<1000000x32xf32, #tpu.memory_space<hbm>>) dst(%dma_wait3A_535 : memref<128x32xf32, #tpu.memory_space<vmem>>)
      %mul3A_544 = arith.constant 128 : i32
      %mul3A_545 = arith.muli %add3A_522, %mul3A_544 : i32
      %add3A_546 = arith.addi %mul3A_6, %mul3A_545 : i32
      %dma_start3A_547 = arith.constant 4 : i32
      %dma_start3A_548 = arith.constant 4 : i32
      %dma_start3A_549 = arith.constant 0 : i32
      %dma_start3A_550 = arith.constant 0 : i32
      %dma_start3A_551 = tpu.memref_slice %arg8[%dma_start3A_547, %dma_start3A_549, %dma_start3A_550] : memref<10x128x32xf32, #tpu.memory_space<vmem>> -> memref<1x128x32xf32, #tpu.memory_space<vmem>>
      %dma_start3A_552 = tpu.memref_squeeze %dma_start3A_551 : memref<1x128x32xf32, #tpu.memory_space<vmem>> -> memref<128x32xf32, #tpu.memory_space<vmem>>
      %dma_start3A_553 = arith.constant 0 : i32
      %dma_start3A_554 = tpu.memref_slice %arg5[%add3A_546, %dma_start3A_553] : memref<819200x32xf32, #tpu.memory_space<hbm>> -> memref<128x32xf32, #tpu.memory_space<hbm>>
      %dma_start3A_555 = tpu.memref_slice %arg10[%dma_start3A_548] : memref<10x!tpu.dma_semaphore, #tpu.memory_space<semaphore_mem>> -> memref<1x!tpu.dma_semaphore, #tpu.memory_space<semaphore_mem>>
      %dma_start3A_556 = tpu.memref_squeeze %dma_start3A_555 : memref<1x!tpu.dma_semaphore, #tpu.memory_space<semaphore_mem>> -> memref<!tpu.dma_semaphore, #tpu.memory_space<semaphore_mem>>
      %dma_start3A_557 = arith.constant 0 : i32
      %dma_start3A_558 = tpu.memref_slice %arg5[%add3A_546, %dma_start3A_557] : memref<819200x32xf32, #tpu.memory_space<hbm>> -> memref<128x32xf32, #tpu.memory_space<hbm>>
      %dma_start3A_559 = arith.constant 0 : i32
      %dma_start3A_560 = arith.constant 0 : i32
      %dma_start3A_561 = tpu.memref_slice %arg8[%dma_start3A_547, %dma_start3A_559, %dma_start3A_560] : memref<10x128x32xf32, #tpu.memory_space<vmem>> -> memref<1x128x32xf32, #tpu.memory_space<vmem>>
      %dma_start3A_562 = tpu.memref_squeeze %dma_start3A_561 : memref<1x128x32xf32, #tpu.memory_space<vmem>> -> memref<128x32xf32, #tpu.memory_space<vmem>>
      tpu.enqueue_dma source(%dma_start3A_562 : memref<128x32xf32, #tpu.memory_space<vmem>>) target(%dma_start3A_558 : memref<128x32xf32, #tpu.memory_space<hbm>>) target_semaphore(%dma_start3A_556 : memref<!tpu.dma_semaphore, #tpu.memory_space<semaphore_mem>>)
      %mul3A_563 = arith.constant 10 : i32
      %mul3A_564 = arith.muli %add3A_343, %mul3A_563 : i32
      %add3A_565 = arith.constant 5 : i32
      %add3A_566 = arith.addi %mul3A_564, %add3A_565 : i32
      %add3A_567 = arith.constant 8 : i32
      %add3A_568 = arith.addi %add3A_566, %add3A_567 : i32
      %lt3A_569 = arith.constant 200 : i32
      %lt3A_570 = arith.cmpi slt, %add3A_568, %lt3A_569 : i32
      %convert_element_type3A_571 = arith.extui %lt3A_570 : i1 to i32
      %cond3A_572 = arith.constant 0 : i32
      %cond3A_573 = arith.cmpi ne, %convert_element_type3A_571, %cond3A_572 : i32
      scf.if %cond3A_573 {
        %add3A_783 = arith.constant 8 : i32
        %add3A_784 = arith.addi %add3A_566, %add3A_783 : i32
        %ge3A = arith.constant 10 : i32
        %ge3A_785 = arith.cmpi sge, %add3A_784, %ge3A : i32
        %convert_element_type3A_786 = arith.extui %ge3A_785 : i1 to i32
        %cond3A_787 = arith.constant 0 : i32
        %cond3A_788 = arith.cmpi ne, %convert_element_type3A_786, %cond3A_787 : i32
        scf.if %cond3A_788 {
          %add3A_812 = arith.constant 0 : i32
          %add3A_813 = arith.addi %mul3A_6, %add3A_812 : i32
          %dma_wait3A_814 = arith.constant 3 : i32
          %dma_wait3A_815 = arith.constant 3 : i32
          %dma_wait3A_816 = arith.constant 0 : i32
          %dma_wait3A_817 = arith.constant 0 : i32
          %dma_wait3A_818 = tpu.memref_slice %arg8[%dma_wait3A_814, %dma_wait3A_816, %dma_wait3A_817] : memref<10x128x32xf32, #tpu.memory_space<vmem>> -> memref<1x128x32xf32, #tpu.memory_space<vmem>>
          %dma_wait3A_819 = tpu.memref_squeeze %dma_wait3A_818 : memref<1x128x32xf32, #tpu.memory_space<vmem>> -> memref<128x32xf32, #tpu.memory_space<vmem>>
          %dma_wait3A_820 = arith.constant 0 : i32
          %dma_wait3A_821 = tpu.memref_slice %arg5[%add3A_813, %dma_wait3A_820] : memref<819200x32xf32, #tpu.memory_space<hbm>> -> memref<128x32xf32, #tpu.memory_space<hbm>>
          %dma_wait3A_822 = tpu.memref_slice %arg10[%dma_wait3A_815] : memref<10x!tpu.dma_semaphore, #tpu.memory_space<semaphore_mem>> -> memref<1x!tpu.dma_semaphore, #tpu.memory_space<semaphore_mem>>
          %dma_wait3A_823 = tpu.memref_squeeze %dma_wait3A_822 : memref<1x!tpu.dma_semaphore, #tpu.memory_space<semaphore_mem>> -> memref<!tpu.dma_semaphore, #tpu.memory_space<semaphore_mem>>
          %dma_wait3A_824 = arith.constant 0 : i32
          %dma_wait3A_825 = tpu.memref_slice %arg5[%add3A_813, %dma_wait3A_824] : memref<819200x32xf32, #tpu.memory_space<hbm>> -> memref<128x32xf32, #tpu.memory_space<hbm>>
          %dma_wait3A_826 = arith.constant 0 : i32
          %dma_wait3A_827 = arith.constant 0 : i32
          %dma_wait3A_828 = tpu.memref_slice %arg8[%dma_wait3A_814, %dma_wait3A_826, %dma_wait3A_827] : memref<10x128x32xf32, #tpu.memory_space<vmem>> -> memref<1x128x32xf32, #tpu.memory_space<vmem>>
          %dma_wait3A_829 = tpu.memref_squeeze %dma_wait3A_828 : memref<1x128x32xf32, #tpu.memory_space<vmem>> -> memref<128x32xf32, #tpu.memory_space<vmem>>
          tpu.wait_dma2 semaphore(%dma_wait3A_823 : memref<!tpu.dma_semaphore, #tpu.memory_space<semaphore_mem>>) src(%dma_wait3A_829 : memref<128x32xf32, #tpu.memory_space<vmem>>) dst(%dma_wait3A_825 : memref<128x32xf32, #tpu.memory_space<hbm>>)
        } else {
        }
        %add3A_789 = arith.constant 8 : i32
        %add3A_790 = arith.addi %add3A_566, %add3A_789 : i32
        %mul3A_791 = arith.constant 128 : i32
        %mul3A_792 = arith.muli %add3A_790, %mul3A_791 : i32
        %rem3A_793 = arith.constant 200 : i32
        %rem3A_794 = arith.remsi %mul3A_792, %rem3A_793 : i32
        %run_scoped3A_795 = arith.constant 3 : i32
        "tpu.region"() ({
          %run_scoped3A_812 = tpu.sem_alloc : memref<!tpu.dma_semaphore, #tpu.memory_space<semaphore_mem>>
          %dma_start3A_813 = arith.constant 0 : i32
          %dma_start3A_814 = arith.constant 0 : i32
          %dma_start3A_815 = tpu.memref_slice %arg8[%run_scoped3A_795, %dma_start3A_813, %dma_start3A_814] : memref<10x128x32xf32, #tpu.memory_space<vmem>> -> memref<1x128x32xf32, #tpu.memory_space<vmem>>
          %dma_start3A_816 = tpu.memref_squeeze %dma_start3A_815 : memref<1x128x32xf32, #tpu.memory_space<vmem>> -> memref<128x32xf32, #tpu.memory_space<vmem>>
          %dma_start3A_817 = arith.constant 0 : i32
          %dma_start3A_818 = tpu.memref_slice %arg7[%rem3A_794, %dma_start3A_817] : memref<400x32xf32, #tpu.memory_space<vmem_shared>> -> memref<128x32xf32, #tpu.memory_space<vmem_shared>>
          %dma_start3A_819 = arith.constant 0 : i32
          %dma_start3A_820 = arith.constant 0 : i32
          %dma_start3A_821 = tpu.memref_slice %arg8[%run_scoped3A_795, %dma_start3A_819, %dma_start3A_820] : memref<10x128x32xf32, #tpu.memory_space<vmem>> -> memref<1x128x32xf32, #tpu.memory_space<vmem>>
          %dma_start3A_822 = tpu.memref_squeeze %dma_start3A_821 : memref<1x128x32xf32, #tpu.memory_space<vmem>> -> memref<128x32xf32, #tpu.memory_space<vmem>>
          %dma_start3A_823 = arith.constant 0 : i32
          %dma_start3A_824 = tpu.memref_slice %arg7[%rem3A_794, %dma_start3A_823] : memref<400x32xf32, #tpu.memory_space<vmem_shared>> -> memref<128x32xf32, #tpu.memory_space<vmem_shared>>
          tpu.enqueue_dma source(%dma_start3A_824 : memref<128x32xf32, #tpu.memory_space<vmem_shared>>) target(%dma_start3A_822 : memref<128x32xf32, #tpu.memory_space<vmem>>) target_semaphore(%run_scoped3A_812 : memref<!tpu.dma_semaphore, #tpu.memory_space<semaphore_mem>>)
          %dma_wait3A_825 = arith.constant 0 : i32
          %dma_wait3A_826 = arith.constant 0 : i32
          %dma_wait3A_827 = tpu.memref_slice %arg8[%run_scoped3A_795, %dma_wait3A_825, %dma_wait3A_826] : memref<10x128x32xf32, #tpu.memory_space<vmem>> -> memref<1x128x32xf32, #tpu.memory_space<vmem>>
          %dma_wait3A_828 = tpu.memref_squeeze %dma_wait3A_827 : memref<1x128x32xf32, #tpu.memory_space<vmem>> -> memref<128x32xf32, #tpu.memory_space<vmem>>
          %dma_wait3A_829 = arith.constant 0 : i32
          %dma_wait3A_830 = tpu.memref_slice %arg7[%rem3A_794, %dma_wait3A_829] : memref<400x32xf32, #tpu.memory_space<vmem_shared>> -> memref<128x32xf32, #tpu.memory_space<vmem_shared>>
          %dma_wait3A_831 = arith.constant 0 : i32
          %dma_wait3A_832 = arith.constant 0 : i32
          %dma_wait3A_833 = tpu.memref_slice %arg8[%run_scoped3A_795, %dma_wait3A_831, %dma_wait3A_832] : memref<10x128x32xf32, #tpu.memory_space<vmem>> -> memref<1x128x32xf32, #tpu.memory_space<vmem>>
          %dma_wait3A_834 = tpu.memref_squeeze %dma_wait3A_833 : memref<1x128x32xf32, #tpu.memory_space<vmem>> -> memref<128x32xf32, #tpu.memory_space<vmem>>
          %dma_wait3A_835 = arith.constant 0 : i32
          %dma_wait3A_836 = tpu.memref_slice %arg7[%rem3A_794, %dma_wait3A_835] : memref<400x32xf32, #tpu.memory_space<vmem_shared>> -> memref<128x32xf32, #tpu.memory_space<vmem_shared>>
          tpu.wait_dma2 semaphore(%run_scoped3A_812 : memref<!tpu.dma_semaphore, #tpu.memory_space<semaphore_mem>>) src(%dma_wait3A_836 : memref<128x32xf32, #tpu.memory_space<vmem_shared>>) dst(%dma_wait3A_834 : memref<128x32xf32, #tpu.memory_space<vmem>>)
          tpu.yield
        }) : () -> ()
        %add3A_796 = arith.constant 8 : i32
        %add3A_797 = arith.addi %add3A_566, %add3A_796 : i32
        %dma_start3A_798 = arith.constant 3 : i32
        %dma_start3A_799 = arith.constant 3 : i32
        %dma_start3A_800 = arith.constant 0 : i32
        %dma_start3A_801 = arith.constant 0 : i32
        %dma_start3A_802 = tpu.memref_slice %arg8[%dma_start3A_798, %dma_start3A_800, %dma_start3A_801] : memref<10x128x32xf32, #tpu.memory_space<vmem>> -> memref<1x128x32xf32, #tpu.memory_space<vmem>>
        %dma_start3A_803 = tpu.memref_squeeze %dma_start3A_802 : memref<1x128x32xf32, #tpu.memory_space<vmem>> -> memref<128x32xf32, #tpu.memory_space<vmem>>
        %dma_start3A_804 = arith.constant 0 : i32
        %dma_start3A_805 = tpu.memref_slice %arg6[%add3A_797, %dma_start3A_804] : memref<200x128xi32, #tpu.memory_space<vmem>> -> memref<1x128xi32, #tpu.memory_space<vmem>>
        %dma_start3A_806 = tpu.memref_squeeze %dma_start3A_805 : memref<1x128xi32, #tpu.memory_space<vmem>> -> memref<128xi32, #tpu.memory_space<vmem>>
        %dma_start3A_807 = arith.constant 0 : i32
        %dma_start3A_808 = arith.constant 0 : i32
        %dma_start3A_809 = tpu.memref_slice %arg4[%dma_start3A_807, %dma_start3A_808] : memref<1000000x32xf32, #tpu.memory_space<hbm>> -> memref<1000000x32xf32, #tpu.memory_space<hbm>>
        %dma_start3A_810 = tpu.memref_slice %arg9[%dma_start3A_799] : memref<10x!tpu.dma_semaphore, #tpu.memory_space<semaphore_mem>> -> memref<1x!tpu.dma_semaphore, #tpu.memory_space<semaphore_mem>>
        %dma_start3A_811 = tpu.memref_squeeze %dma_start3A_810 : memref<1x!tpu.dma_semaphore, #tpu.memory_space<semaphore_mem>> -> memref<!tpu.dma_semaphore, #tpu.memory_space<semaphore_mem>>
        tpu.enqueue_indirect_dma source(%dma_start3A_809 : memref<1000000x32xf32, #tpu.memory_space<hbm>>) target(%dma_start3A_803 : memref<128x32xf32, #tpu.memory_space<vmem>>) offsets(%dma_start3A_806 : memref<128xi32, #tpu.memory_space<vmem>>) semaphore(%dma_start3A_811 : memref<!tpu.dma_semaphore, #tpu.memory_space<semaphore_mem>>) {add = true}
      } else {
      }
      %dma_wait3A_574 = arith.constant 5 : i32
      %dma_wait3A_575 = arith.constant 5 : i32
      %dma_wait3A_576 = arith.constant 0 : i32
      %dma_wait3A_577 = arith.constant 0 : i32
      %dma_wait3A_578 = tpu.memref_slice %arg8[%dma_wait3A_574, %dma_wait3A_576, %dma_wait3A_577] : memref<10x128x32xf32, #tpu.memory_space<vmem>> -> memref<1x128x32xf32, #tpu.memory_space<vmem>>
      %dma_wait3A_579 = tpu.memref_squeeze %dma_wait3A_578 : memref<1x128x32xf32, #tpu.memory_space<vmem>> -> memref<128x32xf32, #tpu.memory_space<vmem>>
      %dma_wait3A_580 = arith.constant 0 : i32
      %dma_wait3A_581 = tpu.memref_slice %arg6[%add3A_566, %dma_wait3A_580] : memref<200x128xi32, #tpu.memory_space<vmem>> -> memref<1x128xi32, #tpu.memory_space<vmem>>
      %dma_wait3A_582 = tpu.memref_squeeze %dma_wait3A_581 : memref<1x128xi32, #tpu.memory_space<vmem>> -> memref<128xi32, #tpu.memory_space<vmem>>
      %dma_wait3A_583 = arith.constant 0 : i32
      %dma_wait3A_584 = arith.constant 0 : i32
      %dma_wait3A_585 = tpu.memref_slice %arg4[%dma_wait3A_583, %dma_wait3A_584] : memref<1000000x32xf32, #tpu.memory_space<hbm>> -> memref<1000000x32xf32, #tpu.memory_space<hbm>>
      %dma_wait3A_586 = tpu.memref_slice %arg9[%dma_wait3A_575] : memref<10x!tpu.dma_semaphore, #tpu.memory_space<semaphore_mem>> -> memref<1x!tpu.dma_semaphore, #tpu.memory_space<semaphore_mem>>
      %dma_wait3A_587 = tpu.memref_squeeze %dma_wait3A_586 : memref<1x!tpu.dma_semaphore, #tpu.memory_space<semaphore_mem>> -> memref<!tpu.dma_semaphore, #tpu.memory_space<semaphore_mem>>
      tpu.wait_indirect_dma semaphore(%dma_wait3A_587 : memref<!tpu.dma_semaphore, #tpu.memory_space<semaphore_mem>>) src(%dma_wait3A_585 : memref<1000000x32xf32, #tpu.memory_space<hbm>>) dst(%dma_wait3A_579 : memref<128x32xf32, #tpu.memory_space<vmem>>)
      %mul3A_588 = arith.constant 128 : i32
      %mul3A_589 = arith.muli %add3A_566, %mul3A_588 : i32
      %add3A_590 = arith.addi %mul3A_6, %mul3A_589 : i32
      %dma_start3A_591 = arith.constant 5 : i32
      %dma_start3A_592 = arith.constant 5 : i32
      %dma_start3A_593 = arith.constant 0 : i32
      %dma_start3A_594 = arith.constant 0 : i32
      %dma_start3A_595 = tpu.memref_slice %arg8[%dma_start3A_591, %dma_start3A_593, %dma_start3A_594] : memref<10x128x32xf32, #tpu.memory_space<vmem>> -> memref<1x128x32xf32, #tpu.memory_space<vmem>>
      %dma_start3A_596 = tpu.memref_squeeze %dma_start3A_595 : memref<1x128x32xf32, #tpu.memory_space<vmem>> -> memref<128x32xf32, #tpu.memory_space<vmem>>
      %dma_start3A_597 = arith.constant 0 : i32
      %dma_start3A_598 = tpu.memref_slice %arg5[%add3A_590, %dma_start3A_597] : memref<819200x32xf32, #tpu.memory_space<hbm>> -> memref<128x32xf32, #tpu.memory_space<hbm>>
      %dma_start3A_599 = tpu.memref_slice %arg10[%dma_start3A_592] : memref<10x!tpu.dma_semaphore, #tpu.memory_space<semaphore_mem>> -> memref<1x!tpu.dma_semaphore, #tpu.memory_space<semaphore_mem>>
      %dma_start3A_600 = tpu.memref_squeeze %dma_start3A_599 : memref<1x!tpu.dma_semaphore, #tpu.memory_space<semaphore_mem>> -> memref<!tpu.dma_semaphore, #tpu.memory_space<semaphore_mem>>
      %dma_start3A_601 = arith.constant 0 : i32
      %dma_start3A_602 = tpu.memref_slice %arg5[%add3A_590, %dma_start3A_601] : memref<819200x32xf32, #tpu.memory_space<hbm>> -> memref<128x32xf32, #tpu.memory_space<hbm>>
      %dma_start3A_603 = arith.constant 0 : i32
      %dma_start3A_604 = arith.constant 0 : i32
      %dma_start3A_605 = tpu.memref_slice %arg8[%dma_start3A_591, %dma_start3A_603, %dma_start3A_604] : memref<10x128x32xf32, #tpu.memory_space<vmem>> -> memref<1x128x32xf32, #tpu.memory_space<vmem>>
      %dma_start3A_606 = tpu.memref_squeeze %dma_start3A_605 : memref<1x128x32xf32, #tpu.memory_space<vmem>> -> memref<128x32xf32, #tpu.memory_space<vmem>>
      tpu.enqueue_dma source(%dma_start3A_606 : memref<128x32xf32, #tpu.memory_space<vmem>>) target(%dma_start3A_602 : memref<128x32xf32, #tpu.memory_space<hbm>>) target_semaphore(%dma_start3A_600 : memref<!tpu.dma_semaphore, #tpu.memory_space<semaphore_mem>>)
      %mul3A_607 = arith.constant 10 : i32
      %mul3A_608 = arith.muli %add3A_343, %mul3A_607 : i32
      %add3A_609 = arith.constant 6 : i32
      %add3A_610 = arith.addi %mul3A_608, %add3A_609 : i32
      %add3A_611 = arith.constant 8 : i32
      %add3A_612 = arith.addi %add3A_610, %add3A_611 : i32
      %lt3A_613 = arith.constant 200 : i32
      %lt3A_614 = arith.cmpi slt, %add3A_612, %lt3A_613 : i32
      %convert_element_type3A_615 = arith.extui %lt3A_614 : i1 to i32
      %cond3A_616 = arith.constant 0 : i32
      %cond3A_617 = arith.cmpi ne, %convert_element_type3A_615, %cond3A_616 : i32
      scf.if %cond3A_617 {
        %add3A_783 = arith.constant 8 : i32
        %add3A_784 = arith.addi %add3A_610, %add3A_783 : i32
        %ge3A = arith.constant 10 : i32
        %ge3A_785 = arith.cmpi sge, %add3A_784, %ge3A : i32
        %convert_element_type3A_786 = arith.extui %ge3A_785 : i1 to i32
        %cond3A_787 = arith.constant 0 : i32
        %cond3A_788 = arith.cmpi ne, %convert_element_type3A_786, %cond3A_787 : i32
        scf.if %cond3A_788 {
          %add3A_812 = arith.constant 0 : i32
          %add3A_813 = arith.addi %mul3A_6, %add3A_812 : i32
          %dma_wait3A_814 = arith.constant 4 : i32
          %dma_wait3A_815 = arith.constant 4 : i32
          %dma_wait3A_816 = arith.constant 0 : i32
          %dma_wait3A_817 = arith.constant 0 : i32
          %dma_wait3A_818 = tpu.memref_slice %arg8[%dma_wait3A_814, %dma_wait3A_816, %dma_wait3A_817] : memref<10x128x32xf32, #tpu.memory_space<vmem>> -> memref<1x128x32xf32, #tpu.memory_space<vmem>>
          %dma_wait3A_819 = tpu.memref_squeeze %dma_wait3A_818 : memref<1x128x32xf32, #tpu.memory_space<vmem>> -> memref<128x32xf32, #tpu.memory_space<vmem>>
          %dma_wait3A_820 = arith.constant 0 : i32
          %dma_wait3A_821 = tpu.memref_slice %arg5[%add3A_813, %dma_wait3A_820] : memref<819200x32xf32, #tpu.memory_space<hbm>> -> memref<128x32xf32, #tpu.memory_space<hbm>>
          %dma_wait3A_822 = tpu.memref_slice %arg10[%dma_wait3A_815] : memref<10x!tpu.dma_semaphore, #tpu.memory_space<semaphore_mem>> -> memref<1x!tpu.dma_semaphore, #tpu.memory_space<semaphore_mem>>
          %dma_wait3A_823 = tpu.memref_squeeze %dma_wait3A_822 : memref<1x!tpu.dma_semaphore, #tpu.memory_space<semaphore_mem>> -> memref<!tpu.dma_semaphore, #tpu.memory_space<semaphore_mem>>
          %dma_wait3A_824 = arith.constant 0 : i32
          %dma_wait3A_825 = tpu.memref_slice %arg5[%add3A_813, %dma_wait3A_824] : memref<819200x32xf32, #tpu.memory_space<hbm>> -> memref<128x32xf32, #tpu.memory_space<hbm>>
          %dma_wait3A_826 = arith.constant 0 : i32
          %dma_wait3A_827 = arith.constant 0 : i32
          %dma_wait3A_828 = tpu.memref_slice %arg8[%dma_wait3A_814, %dma_wait3A_826, %dma_wait3A_827] : memref<10x128x32xf32, #tpu.memory_space<vmem>> -> memref<1x128x32xf32, #tpu.memory_space<vmem>>
          %dma_wait3A_829 = tpu.memref_squeeze %dma_wait3A_828 : memref<1x128x32xf32, #tpu.memory_space<vmem>> -> memref<128x32xf32, #tpu.memory_space<vmem>>
          tpu.wait_dma2 semaphore(%dma_wait3A_823 : memref<!tpu.dma_semaphore, #tpu.memory_space<semaphore_mem>>) src(%dma_wait3A_829 : memref<128x32xf32, #tpu.memory_space<vmem>>) dst(%dma_wait3A_825 : memref<128x32xf32, #tpu.memory_space<hbm>>)
        } else {
        }
        %add3A_789 = arith.constant 8 : i32
        %add3A_790 = arith.addi %add3A_610, %add3A_789 : i32
        %mul3A_791 = arith.constant 128 : i32
        %mul3A_792 = arith.muli %add3A_790, %mul3A_791 : i32
        %rem3A_793 = arith.constant 200 : i32
        %rem3A_794 = arith.remsi %mul3A_792, %rem3A_793 : i32
        %run_scoped3A_795 = arith.constant 4 : i32
        "tpu.region"() ({
          %run_scoped3A_812 = tpu.sem_alloc : memref<!tpu.dma_semaphore, #tpu.memory_space<semaphore_mem>>
          %dma_start3A_813 = arith.constant 0 : i32
          %dma_start3A_814 = arith.constant 0 : i32
          %dma_start3A_815 = tpu.memref_slice %arg8[%run_scoped3A_795, %dma_start3A_813, %dma_start3A_814] : memref<10x128x32xf32, #tpu.memory_space<vmem>> -> memref<1x128x32xf32, #tpu.memory_space<vmem>>
          %dma_start3A_816 = tpu.memref_squeeze %dma_start3A_815 : memref<1x128x32xf32, #tpu.memory_space<vmem>> -> memref<128x32xf32, #tpu.memory_space<vmem>>
          %dma_start3A_817 = arith.constant 0 : i32
          %dma_start3A_818 = tpu.memref_slice %arg7[%rem3A_794, %dma_start3A_817] : memref<400x32xf32, #tpu.memory_space<vmem_shared>> -> memref<128x32xf32, #tpu.memory_space<vmem_shared>>
          %dma_start3A_819 = arith.constant 0 : i32
          %dma_start3A_820 = arith.constant 0 : i32
          %dma_start3A_821 = tpu.memref_slice %arg8[%run_scoped3A_795, %dma_start3A_819, %dma_start3A_820] : memref<10x128x32xf32, #tpu.memory_space<vmem>> -> memref<1x128x32xf32, #tpu.memory_space<vmem>>
          %dma_start3A_822 = tpu.memref_squeeze %dma_start3A_821 : memref<1x128x32xf32, #tpu.memory_space<vmem>> -> memref<128x32xf32, #tpu.memory_space<vmem>>
          %dma_start3A_823 = arith.constant 0 : i32
          %dma_start3A_824 = tpu.memref_slice %arg7[%rem3A_794, %dma_start3A_823] : memref<400x32xf32, #tpu.memory_space<vmem_shared>> -> memref<128x32xf32, #tpu.memory_space<vmem_shared>>
          tpu.enqueue_dma source(%dma_start3A_824 : memref<128x32xf32, #tpu.memory_space<vmem_shared>>) target(%dma_start3A_822 : memref<128x32xf32, #tpu.memory_space<vmem>>) target_semaphore(%run_scoped3A_812 : memref<!tpu.dma_semaphore, #tpu.memory_space<semaphore_mem>>)
          %dma_wait3A_825 = arith.constant 0 : i32
          %dma_wait3A_826 = arith.constant 0 : i32
          %dma_wait3A_827 = tpu.memref_slice %arg8[%run_scoped3A_795, %dma_wait3A_825, %dma_wait3A_826] : memref<10x128x32xf32, #tpu.memory_space<vmem>> -> memref<1x128x32xf32, #tpu.memory_space<vmem>>
          %dma_wait3A_828 = tpu.memref_squeeze %dma_wait3A_827 : memref<1x128x32xf32, #tpu.memory_space<vmem>> -> memref<128x32xf32, #tpu.memory_space<vmem>>
          %dma_wait3A_829 = arith.constant 0 : i32
          %dma_wait3A_830 = tpu.memref_slice %arg7[%rem3A_794, %dma_wait3A_829] : memref<400x32xf32, #tpu.memory_space<vmem_shared>> -> memref<128x32xf32, #tpu.memory_space<vmem_shared>>
          %dma_wait3A_831 = arith.constant 0 : i32
          %dma_wait3A_832 = arith.constant 0 : i32
          %dma_wait3A_833 = tpu.memref_slice %arg8[%run_scoped3A_795, %dma_wait3A_831, %dma_wait3A_832] : memref<10x128x32xf32, #tpu.memory_space<vmem>> -> memref<1x128x32xf32, #tpu.memory_space<vmem>>
          %dma_wait3A_834 = tpu.memref_squeeze %dma_wait3A_833 : memref<1x128x32xf32, #tpu.memory_space<vmem>> -> memref<128x32xf32, #tpu.memory_space<vmem>>
          %dma_wait3A_835 = arith.constant 0 : i32
          %dma_wait3A_836 = tpu.memref_slice %arg7[%rem3A_794, %dma_wait3A_835] : memref<400x32xf32, #tpu.memory_space<vmem_shared>> -> memref<128x32xf32, #tpu.memory_space<vmem_shared>>
          tpu.wait_dma2 semaphore(%run_scoped3A_812 : memref<!tpu.dma_semaphore, #tpu.memory_space<semaphore_mem>>) src(%dma_wait3A_836 : memref<128x32xf32, #tpu.memory_space<vmem_shared>>) dst(%dma_wait3A_834 : memref<128x32xf32, #tpu.memory_space<vmem>>)
          tpu.yield
        }) : () -> ()
        %add3A_796 = arith.constant 8 : i32
        %add3A_797 = arith.addi %add3A_610, %add3A_796 : i32
        %dma_start3A_798 = arith.constant 4 : i32
        %dma_start3A_799 = arith.constant 4 : i32
        %dma_start3A_800 = arith.constant 0 : i32
        %dma_start3A_801 = arith.constant 0 : i32
        %dma_start3A_802 = tpu.memref_slice %arg8[%dma_start3A_798, %dma_start3A_800, %dma_start3A_801] : memref<10x128x32xf32, #tpu.memory_space<vmem>> -> memref<1x128x32xf32, #tpu.memory_space<vmem>>
        %dma_start3A_803 = tpu.memref_squeeze %dma_start3A_802 : memref<1x128x32xf32, #tpu.memory_space<vmem>> -> memref<128x32xf32, #tpu.memory_space<vmem>>
        %dma_start3A_804 = arith.constant 0 : i32
        %dma_start3A_805 = tpu.memref_slice %arg6[%add3A_797, %dma_start3A_804] : memref<200x128xi32, #tpu.memory_space<vmem>> -> memref<1x128xi32, #tpu.memory_space<vmem>>
        %dma_start3A_806 = tpu.memref_squeeze %dma_start3A_805 : memref<1x128xi32, #tpu.memory_space<vmem>> -> memref<128xi32, #tpu.memory_space<vmem>>
        %dma_start3A_807 = arith.constant 0 : i32
        %dma_start3A_808 = arith.constant 0 : i32
        %dma_start3A_809 = tpu.memref_slice %arg4[%dma_start3A_807, %dma_start3A_808] : memref<1000000x32xf32, #tpu.memory_space<hbm>> -> memref<1000000x32xf32, #tpu.memory_space<hbm>>
        %dma_start3A_810 = tpu.memref_slice %arg9[%dma_start3A_799] : memref<10x!tpu.dma_semaphore, #tpu.memory_space<semaphore_mem>> -> memref<1x!tpu.dma_semaphore, #tpu.memory_space<semaphore_mem>>
        %dma_start3A_811 = tpu.memref_squeeze %dma_start3A_810 : memref<1x!tpu.dma_semaphore, #tpu.memory_space<semaphore_mem>> -> memref<!tpu.dma_semaphore, #tpu.memory_space<semaphore_mem>>
        tpu.enqueue_indirect_dma source(%dma_start3A_809 : memref<1000000x32xf32, #tpu.memory_space<hbm>>) target(%dma_start3A_803 : memref<128x32xf32, #tpu.memory_space<vmem>>) offsets(%dma_start3A_806 : memref<128xi32, #tpu.memory_space<vmem>>) semaphore(%dma_start3A_811 : memref<!tpu.dma_semaphore, #tpu.memory_space<semaphore_mem>>) {add = true}
      } else {
      }
      %dma_wait3A_618 = arith.constant 6 : i32
      %dma_wait3A_619 = arith.constant 6 : i32
      %dma_wait3A_620 = arith.constant 0 : i32
      %dma_wait3A_621 = arith.constant 0 : i32
      %dma_wait3A_622 = tpu.memref_slice %arg8[%dma_wait3A_618, %dma_wait3A_620, %dma_wait3A_621] : memref<10x128x32xf32, #tpu.memory_space<vmem>> -> memref<1x128x32xf32, #tpu.memory_space<vmem>>
      %dma_wait3A_623 = tpu.memref_squeeze %dma_wait3A_622 : memref<1x128x32xf32, #tpu.memory_space<vmem>> -> memref<128x32xf32, #tpu.memory_space<vmem>>
      %dma_wait3A_624 = arith.constant 0 : i32
      %dma_wait3A_625 = tpu.memref_slice %arg6[%add3A_610, %dma_wait3A_624] : memref<200x128xi32, #tpu.memory_space<vmem>> -> memref<1x128xi32, #tpu.memory_space<vmem>>
      %dma_wait3A_626 = tpu.memref_squeeze %dma_wait3A_625 : memref<1x128xi32, #tpu.memory_space<vmem>> -> memref<128xi32, #tpu.memory_space<vmem>>
      %dma_wait3A_627 = arith.constant 0 : i32
      %dma_wait3A_628 = arith.constant 0 : i32
      %dma_wait3A_629 = tpu.memref_slice %arg4[%dma_wait3A_627, %dma_wait3A_628] : memref<1000000x32xf32, #tpu.memory_space<hbm>> -> memref<1000000x32xf32, #tpu.memory_space<hbm>>
      %dma_wait3A_630 = tpu.memref_slice %arg9[%dma_wait3A_619] : memref<10x!tpu.dma_semaphore, #tpu.memory_space<semaphore_mem>> -> memref<1x!tpu.dma_semaphore, #tpu.memory_space<semaphore_mem>>
      %dma_wait3A_631 = tpu.memref_squeeze %dma_wait3A_630 : memref<1x!tpu.dma_semaphore, #tpu.memory_space<semaphore_mem>> -> memref<!tpu.dma_semaphore, #tpu.memory_space<semaphore_mem>>
      tpu.wait_indirect_dma semaphore(%dma_wait3A_631 : memref<!tpu.dma_semaphore, #tpu.memory_space<semaphore_mem>>) src(%dma_wait3A_629 : memref<1000000x32xf32, #tpu.memory_space<hbm>>) dst(%dma_wait3A_623 : memref<128x32xf32, #tpu.memory_space<vmem>>)
      %mul3A_632 = arith.constant 128 : i32
      %mul3A_633 = arith.muli %add3A_610, %mul3A_632 : i32
      %add3A_634 = arith.addi %mul3A_6, %mul3A_633 : i32
      %dma_start3A_635 = arith.constant 6 : i32
      %dma_start3A_636 = arith.constant 6 : i32
      %dma_start3A_637 = arith.constant 0 : i32
      %dma_start3A_638 = arith.constant 0 : i32
      %dma_start3A_639 = tpu.memref_slice %arg8[%dma_start3A_635, %dma_start3A_637, %dma_start3A_638] : memref<10x128x32xf32, #tpu.memory_space<vmem>> -> memref<1x128x32xf32, #tpu.memory_space<vmem>>
      %dma_start3A_640 = tpu.memref_squeeze %dma_start3A_639 : memref<1x128x32xf32, #tpu.memory_space<vmem>> -> memref<128x32xf32, #tpu.memory_space<vmem>>
      %dma_start3A_641 = arith.constant 0 : i32
      %dma_start3A_642 = tpu.memref_slice %arg5[%add3A_634, %dma_start3A_641] : memref<819200x32xf32, #tpu.memory_space<hbm>> -> memref<128x32xf32, #tpu.memory_space<hbm>>
      %dma_start3A_643 = tpu.memref_slice %arg10[%dma_start3A_636] : memref<10x!tpu.dma_semaphore, #tpu.memory_space<semaphore_mem>> -> memref<1x!tpu.dma_semaphore, #tpu.memory_space<semaphore_mem>>
      %dma_start3A_644 = tpu.memref_squeeze %dma_start3A_643 : memref<1x!tpu.dma_semaphore, #tpu.memory_space<semaphore_mem>> -> memref<!tpu.dma_semaphore, #tpu.memory_space<semaphore_mem>>
      %dma_start3A_645 = arith.constant 0 : i32
      %dma_start3A_646 = tpu.memref_slice %arg5[%add3A_634, %dma_start3A_645] : memref<819200x32xf32, #tpu.memory_space<hbm>> -> memref<128x32xf32, #tpu.memory_space<hbm>>
      %dma_start3A_647 = arith.constant 0 : i32
      %dma_start3A_648 = arith.constant 0 : i32
      %dma_start3A_649 = tpu.memref_slice %arg8[%dma_start3A_635, %dma_start3A_647, %dma_start3A_648] : memref<10x128x32xf32, #tpu.memory_space<vmem>> -> memref<1x128x32xf32, #tpu.memory_space<vmem>>
      %dma_start3A_650 = tpu.memref_squeeze %dma_start3A_649 : memref<1x128x32xf32, #tpu.memory_space<vmem>> -> memref<128x32xf32, #tpu.memory_space<vmem>>
      tpu.enqueue_dma source(%dma_start3A_650 : memref<128x32xf32, #tpu.memory_space<vmem>>) target(%dma_start3A_646 : memref<128x32xf32, #tpu.memory_space<hbm>>) target_semaphore(%dma_start3A_644 : memref<!tpu.dma_semaphore, #tpu.memory_space<semaphore_mem>>)
      %mul3A_651 = arith.constant 10 : i32
      %mul3A_652 = arith.muli %add3A_343, %mul3A_651 : i32
      %add3A_653 = arith.constant 7 : i32
      %add3A_654 = arith.addi %mul3A_652, %add3A_653 : i32
      %add3A_655 = arith.constant 8 : i32
      %add3A_656 = arith.addi %add3A_654, %add3A_655 : i32
      %lt3A_657 = arith.constant 200 : i32
      %lt3A_658 = arith.cmpi slt, %add3A_656, %lt3A_657 : i32
      %convert_element_type3A_659 = arith.extui %lt3A_658 : i1 to i32
      %cond3A_660 = arith.constant 0 : i32
      %cond3A_661 = arith.cmpi ne, %convert_element_type3A_659, %cond3A_660 : i32
      scf.if %cond3A_661 {
        %add3A_783 = arith.constant 8 : i32
        %add3A_784 = arith.addi %add3A_654, %add3A_783 : i32
        %ge3A = arith.constant 10 : i32
        %ge3A_785 = arith.cmpi sge, %add3A_784, %ge3A : i32
        %convert_element_type3A_786 = arith.extui %ge3A_785 : i1 to i32
        %cond3A_787 = arith.constant 0 : i32
        %cond3A_788 = arith.cmpi ne, %convert_element_type3A_786, %cond3A_787 : i32
        scf.if %cond3A_788 {
          %add3A_812 = arith.constant 0 : i32
          %add3A_813 = arith.addi %mul3A_6, %add3A_812 : i32
          %dma_wait3A_814 = arith.constant 5 : i32
          %dma_wait3A_815 = arith.constant 5 : i32
          %dma_wait3A_816 = arith.constant 0 : i32
          %dma_wait3A_817 = arith.constant 0 : i32
          %dma_wait3A_818 = tpu.memref_slice %arg8[%dma_wait3A_814, %dma_wait3A_816, %dma_wait3A_817] : memref<10x128x32xf32, #tpu.memory_space<vmem>> -> memref<1x128x32xf32, #tpu.memory_space<vmem>>
          %dma_wait3A_819 = tpu.memref_squeeze %dma_wait3A_818 : memref<1x128x32xf32, #tpu.memory_space<vmem>> -> memref<128x32xf32, #tpu.memory_space<vmem>>
          %dma_wait3A_820 = arith.constant 0 : i32
          %dma_wait3A_821 = tpu.memref_slice %arg5[%add3A_813, %dma_wait3A_820] : memref<819200x32xf32, #tpu.memory_space<hbm>> -> memref<128x32xf32, #tpu.memory_space<hbm>>
          %dma_wait3A_822 = tpu.memref_slice %arg10[%dma_wait3A_815] : memref<10x!tpu.dma_semaphore, #tpu.memory_space<semaphore_mem>> -> memref<1x!tpu.dma_semaphore, #tpu.memory_space<semaphore_mem>>
          %dma_wait3A_823 = tpu.memref_squeeze %dma_wait3A_822 : memref<1x!tpu.dma_semaphore, #tpu.memory_space<semaphore_mem>> -> memref<!tpu.dma_semaphore, #tpu.memory_space<semaphore_mem>>
          %dma_wait3A_824 = arith.constant 0 : i32
          %dma_wait3A_825 = tpu.memref_slice %arg5[%add3A_813, %dma_wait3A_824] : memref<819200x32xf32, #tpu.memory_space<hbm>> -> memref<128x32xf32, #tpu.memory_space<hbm>>
          %dma_wait3A_826 = arith.constant 0 : i32
          %dma_wait3A_827 = arith.constant 0 : i32
          %dma_wait3A_828 = tpu.memref_slice %arg8[%dma_wait3A_814, %dma_wait3A_826, %dma_wait3A_827] : memref<10x128x32xf32, #tpu.memory_space<vmem>> -> memref<1x128x32xf32, #tpu.memory_space<vmem>>
          %dma_wait3A_829 = tpu.memref_squeeze %dma_wait3A_828 : memref<1x128x32xf32, #tpu.memory_space<vmem>> -> memref<128x32xf32, #tpu.memory_space<vmem>>
          tpu.wait_dma2 semaphore(%dma_wait3A_823 : memref<!tpu.dma_semaphore, #tpu.memory_space<semaphore_mem>>) src(%dma_wait3A_829 : memref<128x32xf32, #tpu.memory_space<vmem>>) dst(%dma_wait3A_825 : memref<128x32xf32, #tpu.memory_space<hbm>>)
        } else {
        }
        %add3A_789 = arith.constant 8 : i32
        %add3A_790 = arith.addi %add3A_654, %add3A_789 : i32
        %mul3A_791 = arith.constant 128 : i32
        %mul3A_792 = arith.muli %add3A_790, %mul3A_791 : i32
        %rem3A_793 = arith.constant 200 : i32
        %rem3A_794 = arith.remsi %mul3A_792, %rem3A_793 : i32
        %run_scoped3A_795 = arith.constant 5 : i32
        "tpu.region"() ({
          %run_scoped3A_812 = tpu.sem_alloc : memref<!tpu.dma_semaphore, #tpu.memory_space<semaphore_mem>>
          %dma_start3A_813 = arith.constant 0 : i32
          %dma_start3A_814 = arith.constant 0 : i32
          %dma_start3A_815 = tpu.memref_slice %arg8[%run_scoped3A_795, %dma_start3A_813, %dma_start3A_814] : memref<10x128x32xf32, #tpu.memory_space<vmem>> -> memref<1x128x32xf32, #tpu.memory_space<vmem>>
          %dma_start3A_816 = tpu.memref_squeeze %dma_start3A_815 : memref<1x128x32xf32, #tpu.memory_space<vmem>> -> memref<128x32xf32, #tpu.memory_space<vmem>>
          %dma_start3A_817 = arith.constant 0 : i32
          %dma_start3A_818 = tpu.memref_slice %arg7[%rem3A_794, %dma_start3A_817] : memref<400x32xf32, #tpu.memory_space<vmem_shared>> -> memref<128x32xf32, #tpu.memory_space<vmem_shared>>
          %dma_start3A_819 = arith.constant 0 : i32
          %dma_start3A_820 = arith.constant 0 : i32
          %dma_start3A_821 = tpu.memref_slice %arg8[%run_scoped3A_795, %dma_start3A_819, %dma_start3A_820] : memref<10x128x32xf32, #tpu.memory_space<vmem>> -> memref<1x128x32xf32, #tpu.memory_space<vmem>>
          %dma_start3A_822 = tpu.memref_squeeze %dma_start3A_821 : memref<1x128x32xf32, #tpu.memory_space<vmem>> -> memref<128x32xf32, #tpu.memory_space<vmem>>
          %dma_start3A_823 = arith.constant 0 : i32
          %dma_start3A_824 = tpu.memref_slice %arg7[%rem3A_794, %dma_start3A_823] : memref<400x32xf32, #tpu.memory_space<vmem_shared>> -> memref<128x32xf32, #tpu.memory_space<vmem_shared>>
          tpu.enqueue_dma source(%dma_start3A_824 : memref<128x32xf32, #tpu.memory_space<vmem_shared>>) target(%dma_start3A_822 : memref<128x32xf32, #tpu.memory_space<vmem>>) target_semaphore(%run_scoped3A_812 : memref<!tpu.dma_semaphore, #tpu.memory_space<semaphore_mem>>)
          %dma_wait3A_825 = arith.constant 0 : i32
          %dma_wait3A_826 = arith.constant 0 : i32
          %dma_wait3A_827 = tpu.memref_slice %arg8[%run_scoped3A_795, %dma_wait3A_825, %dma_wait3A_826] : memref<10x128x32xf32, #tpu.memory_space<vmem>> -> memref<1x128x32xf32, #tpu.memory_space<vmem>>
          %dma_wait3A_828 = tpu.memref_squeeze %dma_wait3A_827 : memref<1x128x32xf32, #tpu.memory_space<vmem>> -> memref<128x32xf32, #tpu.memory_space<vmem>>
          %dma_wait3A_829 = arith.constant 0 : i32
          %dma_wait3A_830 = tpu.memref_slice %arg7[%rem3A_794, %dma_wait3A_829] : memref<400x32xf32, #tpu.memory_space<vmem_shared>> -> memref<128x32xf32, #tpu.memory_space<vmem_shared>>
          %dma_wait3A_831 = arith.constant 0 : i32
          %dma_wait3A_832 = arith.constant 0 : i32
          %dma_wait3A_833 = tpu.memref_slice %arg8[%run_scoped3A_795, %dma_wait3A_831, %dma_wait3A_832] : memref<10x128x32xf32, #tpu.memory_space<vmem>> -> memref<1x128x32xf32, #tpu.memory_space<vmem>>
          %dma_wait3A_834 = tpu.memref_squeeze %dma_wait3A_833 : memref<1x128x32xf32, #tpu.memory_space<vmem>> -> memref<128x32xf32, #tpu.memory_space<vmem>>
          %dma_wait3A_835 = arith.constant 0 : i32
          %dma_wait3A_836 = tpu.memref_slice %arg7[%rem3A_794, %dma_wait3A_835] : memref<400x32xf32, #tpu.memory_space<vmem_shared>> -> memref<128x32xf32, #tpu.memory_space<vmem_shared>>
          tpu.wait_dma2 semaphore(%run_scoped3A_812 : memref<!tpu.dma_semaphore, #tpu.memory_space<semaphore_mem>>) src(%dma_wait3A_836 : memref<128x32xf32, #tpu.memory_space<vmem_shared>>) dst(%dma_wait3A_834 : memref<128x32xf32, #tpu.memory_space<vmem>>)
          tpu.yield
        }) : () -> ()
        %add3A_796 = arith.constant 8 : i32
        %add3A_797 = arith.addi %add3A_654, %add3A_796 : i32
        %dma_start3A_798 = arith.constant 5 : i32
        %dma_start3A_799 = arith.constant 5 : i32
        %dma_start3A_800 = arith.constant 0 : i32
        %dma_start3A_801 = arith.constant 0 : i32
        %dma_start3A_802 = tpu.memref_slice %arg8[%dma_start3A_798, %dma_start3A_800, %dma_start3A_801] : memref<10x128x32xf32, #tpu.memory_space<vmem>> -> memref<1x128x32xf32, #tpu.memory_space<vmem>>
        %dma_start3A_803 = tpu.memref_squeeze %dma_start3A_802 : memref<1x128x32xf32, #tpu.memory_space<vmem>> -> memref<128x32xf32, #tpu.memory_space<vmem>>
        %dma_start3A_804 = arith.constant 0 : i32
        %dma_start3A_805 = tpu.memref_slice %arg6[%add3A_797, %dma_start3A_804] : memref<200x128xi32, #tpu.memory_space<vmem>> -> memref<1x128xi32, #tpu.memory_space<vmem>>
        %dma_start3A_806 = tpu.memref_squeeze %dma_start3A_805 : memref<1x128xi32, #tpu.memory_space<vmem>> -> memref<128xi32, #tpu.memory_space<vmem>>
        %dma_start3A_807 = arith.constant 0 : i32
        %dma_start3A_808 = arith.constant 0 : i32
        %dma_start3A_809 = tpu.memref_slice %arg4[%dma_start3A_807, %dma_start3A_808] : memref<1000000x32xf32, #tpu.memory_space<hbm>> -> memref<1000000x32xf32, #tpu.memory_space<hbm>>
        %dma_start3A_810 = tpu.memref_slice %arg9[%dma_start3A_799] : memref<10x!tpu.dma_semaphore, #tpu.memory_space<semaphore_mem>> -> memref<1x!tpu.dma_semaphore, #tpu.memory_space<semaphore_mem>>
        %dma_start3A_811 = tpu.memref_squeeze %dma_start3A_810 : memref<1x!tpu.dma_semaphore, #tpu.memory_space<semaphore_mem>> -> memref<!tpu.dma_semaphore, #tpu.memory_space<semaphore_mem>>
        tpu.enqueue_indirect_dma source(%dma_start3A_809 : memref<1000000x32xf32, #tpu.memory_space<hbm>>) target(%dma_start3A_803 : memref<128x32xf32, #tpu.memory_space<vmem>>) offsets(%dma_start3A_806 : memref<128xi32, #tpu.memory_space<vmem>>) semaphore(%dma_start3A_811 : memref<!tpu.dma_semaphore, #tpu.memory_space<semaphore_mem>>) {add = true}
      } else {
      }
      %dma_wait3A_662 = arith.constant 7 : i32
      %dma_wait3A_663 = arith.constant 7 : i32
      %dma_wait3A_664 = arith.constant 0 : i32
      %dma_wait3A_665 = arith.constant 0 : i32
      %dma_wait3A_666 = tpu.memref_slice %arg8[%dma_wait3A_662, %dma_wait3A_664, %dma_wait3A_665] : memref<10x128x32xf32, #tpu.memory_space<vmem>> -> memref<1x128x32xf32, #tpu.memory_space<vmem>>
      %dma_wait3A_667 = tpu.memref_squeeze %dma_wait3A_666 : memref<1x128x32xf32, #tpu.memory_space<vmem>> -> memref<128x32xf32, #tpu.memory_space<vmem>>
      %dma_wait3A_668 = arith.constant 0 : i32
      %dma_wait3A_669 = tpu.memref_slice %arg6[%add3A_654, %dma_wait3A_668] : memref<200x128xi32, #tpu.memory_space<vmem>> -> memref<1x128xi32, #tpu.memory_space<vmem>>
      %dma_wait3A_670 = tpu.memref_squeeze %dma_wait3A_669 : memref<1x128xi32, #tpu.memory_space<vmem>> -> memref<128xi32, #tpu.memory_space<vmem>>
      %dma_wait3A_671 = arith.constant 0 : i32
      %dma_wait3A_672 = arith.constant 0 : i32
      %dma_wait3A_673 = tpu.memref_slice %arg4[%dma_wait3A_671, %dma_wait3A_672] : memref<1000000x32xf32, #tpu.memory_space<hbm>> -> memref<1000000x32xf32, #tpu.memory_space<hbm>>
      %dma_wait3A_674 = tpu.memref_slice %arg9[%dma_wait3A_663] : memref<10x!tpu.dma_semaphore, #tpu.memory_space<semaphore_mem>> -> memref<1x!tpu.dma_semaphore, #tpu.memory_space<semaphore_mem>>
      %dma_wait3A_675 = tpu.memref_squeeze %dma_wait3A_674 : memref<1x!tpu.dma_semaphore, #tpu.memory_space<semaphore_mem>> -> memref<!tpu.dma_semaphore, #tpu.memory_space<semaphore_mem>>
      tpu.wait_indirect_dma semaphore(%dma_wait3A_675 : memref<!tpu.dma_semaphore, #tpu.memory_space<semaphore_mem>>) src(%dma_wait3A_673 : memref<1000000x32xf32, #tpu.memory_space<hbm>>) dst(%dma_wait3A_667 : memref<128x32xf32, #tpu.memory_space<vmem>>)
      %mul3A_676 = arith.constant 128 : i32
      %mul3A_677 = arith.muli %add3A_654, %mul3A_676 : i32
      %add3A_678 = arith.addi %mul3A_6, %mul3A_677 : i32
      %dma_start3A_679 = arith.constant 7 : i32
      %dma_start3A_680 = arith.constant 7 : i32
      %dma_start3A_681 = arith.constant 0 : i32
      %dma_start3A_682 = arith.constant 0 : i32
      %dma_start3A_683 = tpu.memref_slice %arg8[%dma_start3A_679, %dma_start3A_681, %dma_start3A_682] : memref<10x128x32xf32, #tpu.memory_space<vmem>> -> memref<1x128x32xf32, #tpu.memory_space<vmem>>
      %dma_start3A_684 = tpu.memref_squeeze %dma_start3A_683 : memref<1x128x32xf32, #tpu.memory_space<vmem>> -> memref<128x32xf32, #tpu.memory_space<vmem>>
      %dma_start3A_685 = arith.constant 0 : i32
      %dma_start3A_686 = tpu.memref_slice %arg5[%add3A_678, %dma_start3A_685] : memref<819200x32xf32, #tpu.memory_space<hbm>> -> memref<128x32xf32, #tpu.memory_space<hbm>>
      %dma_start3A_687 = tpu.memref_slice %arg10[%dma_start3A_680] : memref<10x!tpu.dma_semaphore, #tpu.memory_space<semaphore_mem>> -> memref<1x!tpu.dma_semaphore, #tpu.memory_space<semaphore_mem>>
      %dma_start3A_688 = tpu.memref_squeeze %dma_start3A_687 : memref<1x!tpu.dma_semaphore, #tpu.memory_space<semaphore_mem>> -> memref<!tpu.dma_semaphore, #tpu.memory_space<semaphore_mem>>
      %dma_start3A_689 = arith.constant 0 : i32
      %dma_start3A_690 = tpu.memref_slice %arg5[%add3A_678, %dma_start3A_689] : memref<819200x32xf32, #tpu.memory_space<hbm>> -> memref<128x32xf32, #tpu.memory_space<hbm>>
      %dma_start3A_691 = arith.constant 0 : i32
      %dma_start3A_692 = arith.constant 0 : i32
      %dma_start3A_693 = tpu.memref_slice %arg8[%dma_start3A_679, %dma_start3A_691, %dma_start3A_692] : memref<10x128x32xf32, #tpu.memory_space<vmem>> -> memref<1x128x32xf32, #tpu.memory_space<vmem>>
      %dma_start3A_694 = tpu.memref_squeeze %dma_start3A_693 : memref<1x128x32xf32, #tpu.memory_space<vmem>> -> memref<128x32xf32, #tpu.memory_space<vmem>>
      tpu.enqueue_dma source(%dma_start3A_694 : memref<128x32xf32, #tpu.memory_space<vmem>>) target(%dma_start3A_690 : memref<128x32xf32, #tpu.memory_space<hbm>>) target_semaphore(%dma_start3A_688 : memref<!tpu.dma_semaphore, #tpu.memory_space<semaphore_mem>>)
      %mul3A_695 = arith.constant 10 : i32
      %mul3A_696 = arith.muli %add3A_343, %mul3A_695 : i32
      %add3A_697 = arith.constant 8 : i32
      %add3A_698 = arith.addi %mul3A_696, %add3A_697 : i32
      %add3A_699 = arith.constant 8 : i32
      %add3A_700 = arith.addi %add3A_698, %add3A_699 : i32
      %lt3A_701 = arith.constant 200 : i32
      %lt3A_702 = arith.cmpi slt, %add3A_700, %lt3A_701 : i32
      %convert_element_type3A_703 = arith.extui %lt3A_702 : i1 to i32
      %cond3A_704 = arith.constant 0 : i32
      %cond3A_705 = arith.cmpi ne, %convert_element_type3A_703, %cond3A_704 : i32
      scf.if %cond3A_705 {
        %add3A_783 = arith.constant 8 : i32
        %add3A_784 = arith.addi %add3A_698, %add3A_783 : i32
        %ge3A = arith.constant 10 : i32
        %ge3A_785 = arith.cmpi sge, %add3A_784, %ge3A : i32
        %convert_element_type3A_786 = arith.extui %ge3A_785 : i1 to i32
        %cond3A_787 = arith.constant 0 : i32
        %cond3A_788 = arith.cmpi ne, %convert_element_type3A_786, %cond3A_787 : i32
        scf.if %cond3A_788 {
          %add3A_812 = arith.constant 0 : i32
          %add3A_813 = arith.addi %mul3A_6, %add3A_812 : i32
          %dma_wait3A_814 = arith.constant 6 : i32
          %dma_wait3A_815 = arith.constant 6 : i32
          %dma_wait3A_816 = arith.constant 0 : i32
          %dma_wait3A_817 = arith.constant 0 : i32
          %dma_wait3A_818 = tpu.memref_slice %arg8[%dma_wait3A_814, %dma_wait3A_816, %dma_wait3A_817] : memref<10x128x32xf32, #tpu.memory_space<vmem>> -> memref<1x128x32xf32, #tpu.memory_space<vmem>>
          %dma_wait3A_819 = tpu.memref_squeeze %dma_wait3A_818 : memref<1x128x32xf32, #tpu.memory_space<vmem>> -> memref<128x32xf32, #tpu.memory_space<vmem>>
          %dma_wait3A_820 = arith.constant 0 : i32
          %dma_wait3A_821 = tpu.memref_slice %arg5[%add3A_813, %dma_wait3A_820] : memref<819200x32xf32, #tpu.memory_space<hbm>> -> memref<128x32xf32, #tpu.memory_space<hbm>>
          %dma_wait3A_822 = tpu.memref_slice %arg10[%dma_wait3A_815] : memref<10x!tpu.dma_semaphore, #tpu.memory_space<semaphore_mem>> -> memref<1x!tpu.dma_semaphore, #tpu.memory_space<semaphore_mem>>
          %dma_wait3A_823 = tpu.memref_squeeze %dma_wait3A_822 : memref<1x!tpu.dma_semaphore, #tpu.memory_space<semaphore_mem>> -> memref<!tpu.dma_semaphore, #tpu.memory_space<semaphore_mem>>
          %dma_wait3A_824 = arith.constant 0 : i32
          %dma_wait3A_825 = tpu.memref_slice %arg5[%add3A_813, %dma_wait3A_824] : memref<819200x32xf32, #tpu.memory_space<hbm>> -> memref<128x32xf32, #tpu.memory_space<hbm>>
          %dma_wait3A_826 = arith.constant 0 : i32
          %dma_wait3A_827 = arith.constant 0 : i32
          %dma_wait3A_828 = tpu.memref_slice %arg8[%dma_wait3A_814, %dma_wait3A_826, %dma_wait3A_827] : memref<10x128x32xf32, #tpu.memory_space<vmem>> -> memref<1x128x32xf32, #tpu.memory_space<vmem>>
          %dma_wait3A_829 = tpu.memref_squeeze %dma_wait3A_828 : memref<1x128x32xf32, #tpu.memory_space<vmem>> -> memref<128x32xf32, #tpu.memory_space<vmem>>
          tpu.wait_dma2 semaphore(%dma_wait3A_823 : memref<!tpu.dma_semaphore, #tpu.memory_space<semaphore_mem>>) src(%dma_wait3A_829 : memref<128x32xf32, #tpu.memory_space<vmem>>) dst(%dma_wait3A_825 : memref<128x32xf32, #tpu.memory_space<hbm>>)
        } else {
        }
        %add3A_789 = arith.constant 8 : i32
        %add3A_790 = arith.addi %add3A_698, %add3A_789 : i32
        %mul3A_791 = arith.constant 128 : i32
        %mul3A_792 = arith.muli %add3A_790, %mul3A_791 : i32
        %rem3A_793 = arith.constant 200 : i32
        %rem3A_794 = arith.remsi %mul3A_792, %rem3A_793 : i32
        %run_scoped3A_795 = arith.constant 6 : i32
        "tpu.region"() ({
          %run_scoped3A_812 = tpu.sem_alloc : memref<!tpu.dma_semaphore, #tpu.memory_space<semaphore_mem>>
          %dma_start3A_813 = arith.constant 0 : i32
          %dma_start3A_814 = arith.constant 0 : i32
          %dma_start3A_815 = tpu.memref_slice %arg8[%run_scoped3A_795, %dma_start3A_813, %dma_start3A_814] : memref<10x128x32xf32, #tpu.memory_space<vmem>> -> memref<1x128x32xf32, #tpu.memory_space<vmem>>
          %dma_start3A_816 = tpu.memref_squeeze %dma_start3A_815 : memref<1x128x32xf32, #tpu.memory_space<vmem>> -> memref<128x32xf32, #tpu.memory_space<vmem>>
          %dma_start3A_817 = arith.constant 0 : i32
          %dma_start3A_818 = tpu.memref_slice %arg7[%rem3A_794, %dma_start3A_817] : memref<400x32xf32, #tpu.memory_space<vmem_shared>> -> memref<128x32xf32, #tpu.memory_space<vmem_shared>>
          %dma_start3A_819 = arith.constant 0 : i32
          %dma_start3A_820 = arith.constant 0 : i32
          %dma_start3A_821 = tpu.memref_slice %arg8[%run_scoped3A_795, %dma_start3A_819, %dma_start3A_820] : memref<10x128x32xf32, #tpu.memory_space<vmem>> -> memref<1x128x32xf32, #tpu.memory_space<vmem>>
          %dma_start3A_822 = tpu.memref_squeeze %dma_start3A_821 : memref<1x128x32xf32, #tpu.memory_space<vmem>> -> memref<128x32xf32, #tpu.memory_space<vmem>>
          %dma_start3A_823 = arith.constant 0 : i32
          %dma_start3A_824 = tpu.memref_slice %arg7[%rem3A_794, %dma_start3A_823] : memref<400x32xf32, #tpu.memory_space<vmem_shared>> -> memref<128x32xf32, #tpu.memory_space<vmem_shared>>
          tpu.enqueue_dma source(%dma_start3A_824 : memref<128x32xf32, #tpu.memory_space<vmem_shared>>) target(%dma_start3A_822 : memref<128x32xf32, #tpu.memory_space<vmem>>) target_semaphore(%run_scoped3A_812 : memref<!tpu.dma_semaphore, #tpu.memory_space<semaphore_mem>>)
          %dma_wait3A_825 = arith.constant 0 : i32
          %dma_wait3A_826 = arith.constant 0 : i32
          %dma_wait3A_827 = tpu.memref_slice %arg8[%run_scoped3A_795, %dma_wait3A_825, %dma_wait3A_826] : memref<10x128x32xf32, #tpu.memory_space<vmem>> -> memref<1x128x32xf32, #tpu.memory_space<vmem>>
          %dma_wait3A_828 = tpu.memref_squeeze %dma_wait3A_827 : memref<1x128x32xf32, #tpu.memory_space<vmem>> -> memref<128x32xf32, #tpu.memory_space<vmem>>
          %dma_wait3A_829 = arith.constant 0 : i32
          %dma_wait3A_830 = tpu.memref_slice %arg7[%rem3A_794, %dma_wait3A_829] : memref<400x32xf32, #tpu.memory_space<vmem_shared>> -> memref<128x32xf32, #tpu.memory_space<vmem_shared>>
          %dma_wait3A_831 = arith.constant 0 : i32
          %dma_wait3A_832 = arith.constant 0 : i32
          %dma_wait3A_833 = tpu.memref_slice %arg8[%run_scoped3A_795, %dma_wait3A_831, %dma_wait3A_832] : memref<10x128x32xf32, #tpu.memory_space<vmem>> -> memref<1x128x32xf32, #tpu.memory_space<vmem>>
          %dma_wait3A_834 = tpu.memref_squeeze %dma_wait3A_833 : memref<1x128x32xf32, #tpu.memory_space<vmem>> -> memref<128x32xf32, #tpu.memory_space<vmem>>
          %dma_wait3A_835 = arith.constant 0 : i32
          %dma_wait3A_836 = tpu.memref_slice %arg7[%rem3A_794, %dma_wait3A_835] : memref<400x32xf32, #tpu.memory_space<vmem_shared>> -> memref<128x32xf32, #tpu.memory_space<vmem_shared>>
          tpu.wait_dma2 semaphore(%run_scoped3A_812 : memref<!tpu.dma_semaphore, #tpu.memory_space<semaphore_mem>>) src(%dma_wait3A_836 : memref<128x32xf32, #tpu.memory_space<vmem_shared>>) dst(%dma_wait3A_834 : memref<128x32xf32, #tpu.memory_space<vmem>>)
          tpu.yield
        }) : () -> ()
        %add3A_796 = arith.constant 8 : i32
        %add3A_797 = arith.addi %add3A_698, %add3A_796 : i32
        %dma_start3A_798 = arith.constant 6 : i32
        %dma_start3A_799 = arith.constant 6 : i32
        %dma_start3A_800 = arith.constant 0 : i32
        %dma_start3A_801 = arith.constant 0 : i32
        %dma_start3A_802 = tpu.memref_slice %arg8[%dma_start3A_798, %dma_start3A_800, %dma_start3A_801] : memref<10x128x32xf32, #tpu.memory_space<vmem>> -> memref<1x128x32xf32, #tpu.memory_space<vmem>>
        %dma_start3A_803 = tpu.memref_squeeze %dma_start3A_802 : memref<1x128x32xf32, #tpu.memory_space<vmem>> -> memref<128x32xf32, #tpu.memory_space<vmem>>
        %dma_start3A_804 = arith.constant 0 : i32
        %dma_start3A_805 = tpu.memref_slice %arg6[%add3A_797, %dma_start3A_804] : memref<200x128xi32, #tpu.memory_space<vmem>> -> memref<1x128xi32, #tpu.memory_space<vmem>>
        %dma_start3A_806 = tpu.memref_squeeze %dma_start3A_805 : memref<1x128xi32, #tpu.memory_space<vmem>> -> memref<128xi32, #tpu.memory_space<vmem>>
        %dma_start3A_807 = arith.constant 0 : i32
        %dma_start3A_808 = arith.constant 0 : i32
        %dma_start3A_809 = tpu.memref_slice %arg4[%dma_start3A_807, %dma_start3A_808] : memref<1000000x32xf32, #tpu.memory_space<hbm>> -> memref<1000000x32xf32, #tpu.memory_space<hbm>>
        %dma_start3A_810 = tpu.memref_slice %arg9[%dma_start3A_799] : memref<10x!tpu.dma_semaphore, #tpu.memory_space<semaphore_mem>> -> memref<1x!tpu.dma_semaphore, #tpu.memory_space<semaphore_mem>>
        %dma_start3A_811 = tpu.memref_squeeze %dma_start3A_810 : memref<1x!tpu.dma_semaphore, #tpu.memory_space<semaphore_mem>> -> memref<!tpu.dma_semaphore, #tpu.memory_space<semaphore_mem>>
        tpu.enqueue_indirect_dma source(%dma_start3A_809 : memref<1000000x32xf32, #tpu.memory_space<hbm>>) target(%dma_start3A_803 : memref<128x32xf32, #tpu.memory_space<vmem>>) offsets(%dma_start3A_806 : memref<128xi32, #tpu.memory_space<vmem>>) semaphore(%dma_start3A_811 : memref<!tpu.dma_semaphore, #tpu.memory_space<semaphore_mem>>) {add = true}
      } else {
      }
      %dma_wait3A_706 = arith.constant 8 : i32
      %dma_wait3A_707 = arith.constant 8 : i32
      %dma_wait3A_708 = arith.constant 0 : i32
      %dma_wait3A_709 = arith.constant 0 : i32
      %dma_wait3A_710 = tpu.memref_slice %arg8[%dma_wait3A_706, %dma_wait3A_708, %dma_wait3A_709] : memref<10x128x32xf32, #tpu.memory_space<vmem>> -> memref<1x128x32xf32, #tpu.memory_space<vmem>>
      %dma_wait3A_711 = tpu.memref_squeeze %dma_wait3A_710 : memref<1x128x32xf32, #tpu.memory_space<vmem>> -> memref<128x32xf32, #tpu.memory_space<vmem>>
      %dma_wait3A_712 = arith.constant 0 : i32
      %dma_wait3A_713 = tpu.memref_slice %arg6[%add3A_698, %dma_wait3A_712] : memref<200x128xi32, #tpu.memory_space<vmem>> -> memref<1x128xi32, #tpu.memory_space<vmem>>
      %dma_wait3A_714 = tpu.memref_squeeze %dma_wait3A_713 : memref<1x128xi32, #tpu.memory_space<vmem>> -> memref<128xi32, #tpu.memory_space<vmem>>
      %dma_wait3A_715 = arith.constant 0 : i32
      %dma_wait3A_716 = arith.constant 0 : i32
      %dma_wait3A_717 = tpu.memref_slice %arg4[%dma_wait3A_715, %dma_wait3A_716] : memref<1000000x32xf32, #tpu.memory_space<hbm>> -> memref<1000000x32xf32, #tpu.memory_space<hbm>>
      %dma_wait3A_718 = tpu.memref_slice %arg9[%dma_wait3A_707] : memref<10x!tpu.dma_semaphore, #tpu.memory_space<semaphore_mem>> -> memref<1x!tpu.dma_semaphore, #tpu.memory_space<semaphore_mem>>
      %dma_wait3A_719 = tpu.memref_squeeze %dma_wait3A_718 : memref<1x!tpu.dma_semaphore, #tpu.memory_space<semaphore_mem>> -> memref<!tpu.dma_semaphore, #tpu.memory_space<semaphore_mem>>
      tpu.wait_indirect_dma semaphore(%dma_wait3A_719 : memref<!tpu.dma_semaphore, #tpu.memory_space<semaphore_mem>>) src(%dma_wait3A_717 : memref<1000000x32xf32, #tpu.memory_space<hbm>>) dst(%dma_wait3A_711 : memref<128x32xf32, #tpu.memory_space<vmem>>)
      %mul3A_720 = arith.constant 128 : i32
      %mul3A_721 = arith.muli %add3A_698, %mul3A_720 : i32
      %add3A_722 = arith.addi %mul3A_6, %mul3A_721 : i32
      %dma_start3A_723 = arith.constant 8 : i32
      %dma_start3A_724 = arith.constant 8 : i32
      %dma_start3A_725 = arith.constant 0 : i32
      %dma_start3A_726 = arith.constant 0 : i32
      %dma_start3A_727 = tpu.memref_slice %arg8[%dma_start3A_723, %dma_start3A_725, %dma_start3A_726] : memref<10x128x32xf32, #tpu.memory_space<vmem>> -> memref<1x128x32xf32, #tpu.memory_space<vmem>>
      %dma_start3A_728 = tpu.memref_squeeze %dma_start3A_727 : memref<1x128x32xf32, #tpu.memory_space<vmem>> -> memref<128x32xf32, #tpu.memory_space<vmem>>
      %dma_start3A_729 = arith.constant 0 : i32
      %dma_start3A_730 = tpu.memref_slice %arg5[%add3A_722, %dma_start3A_729] : memref<819200x32xf32, #tpu.memory_space<hbm>> -> memref<128x32xf32, #tpu.memory_space<hbm>>
      %dma_start3A_731 = tpu.memref_slice %arg10[%dma_start3A_724] : memref<10x!tpu.dma_semaphore, #tpu.memory_space<semaphore_mem>> -> memref<1x!tpu.dma_semaphore, #tpu.memory_space<semaphore_mem>>
      %dma_start3A_732 = tpu.memref_squeeze %dma_start3A_731 : memref<1x!tpu.dma_semaphore, #tpu.memory_space<semaphore_mem>> -> memref<!tpu.dma_semaphore, #tpu.memory_space<semaphore_mem>>
      %dma_start3A_733 = arith.constant 0 : i32
      %dma_start3A_734 = tpu.memref_slice %arg5[%add3A_722, %dma_start3A_733] : memref<819200x32xf32, #tpu.memory_space<hbm>> -> memref<128x32xf32, #tpu.memory_space<hbm>>
      %dma_start3A_735 = arith.constant 0 : i32
      %dma_start3A_736 = arith.constant 0 : i32
      %dma_start3A_737 = tpu.memref_slice %arg8[%dma_start3A_723, %dma_start3A_735, %dma_start3A_736] : memref<10x128x32xf32, #tpu.memory_space<vmem>> -> memref<1x128x32xf32, #tpu.memory_space<vmem>>
      %dma_start3A_738 = tpu.memref_squeeze %dma_start3A_737 : memref<1x128x32xf32, #tpu.memory_space<vmem>> -> memref<128x32xf32, #tpu.memory_space<vmem>>
      tpu.enqueue_dma source(%dma_start3A_738 : memref<128x32xf32, #tpu.memory_space<vmem>>) target(%dma_start3A_734 : memref<128x32xf32, #tpu.memory_space<hbm>>) target_semaphore(%dma_start3A_732 : memref<!tpu.dma_semaphore, #tpu.memory_space<semaphore_mem>>)
      %mul3A_739 = arith.constant 10 : i32
      %mul3A_740 = arith.muli %add3A_343, %mul3A_739 : i32
      %add3A_741 = arith.constant 9 : i32
      %add3A_742 = arith.addi %mul3A_740, %add3A_741 : i32
      %add3A_743 = arith.constant 8 : i32
      %add3A_744 = arith.addi %add3A_742, %add3A_743 : i32
      %lt3A_745 = arith.constant 200 : i32
      %lt3A_746 = arith.cmpi slt, %add3A_744, %lt3A_745 : i32
      %convert_element_type3A_747 = arith.extui %lt3A_746 : i1 to i32
      %cond3A_748 = arith.constant 0 : i32
      %cond3A_749 = arith.cmpi ne, %convert_element_type3A_747, %cond3A_748 : i32
      scf.if %cond3A_749 {
        %add3A_783 = arith.constant 8 : i32
        %add3A_784 = arith.addi %add3A_742, %add3A_783 : i32
        %ge3A = arith.constant 10 : i32
        %ge3A_785 = arith.cmpi sge, %add3A_784, %ge3A : i32
        %convert_element_type3A_786 = arith.extui %ge3A_785 : i1 to i32
        %cond3A_787 = arith.constant 0 : i32
        %cond3A_788 = arith.cmpi ne, %convert_element_type3A_786, %cond3A_787 : i32
        scf.if %cond3A_788 {
          %add3A_812 = arith.constant 0 : i32
          %add3A_813 = arith.addi %mul3A_6, %add3A_812 : i32
          %dma_wait3A_814 = arith.constant 7 : i32
          %dma_wait3A_815 = arith.constant 7 : i32
          %dma_wait3A_816 = arith.constant 0 : i32
          %dma_wait3A_817 = arith.constant 0 : i32
          %dma_wait3A_818 = tpu.memref_slice %arg8[%dma_wait3A_814, %dma_wait3A_816, %dma_wait3A_817] : memref<10x128x32xf32, #tpu.memory_space<vmem>> -> memref<1x128x32xf32, #tpu.memory_space<vmem>>
          %dma_wait3A_819 = tpu.memref_squeeze %dma_wait3A_818 : memref<1x128x32xf32, #tpu.memory_space<vmem>> -> memref<128x32xf32, #tpu.memory_space<vmem>>
          %dma_wait3A_820 = arith.constant 0 : i32
          %dma_wait3A_821 = tpu.memref_slice %arg5[%add3A_813, %dma_wait3A_820] : memref<819200x32xf32, #tpu.memory_space<hbm>> -> memref<128x32xf32, #tpu.memory_space<hbm>>
          %dma_wait3A_822 = tpu.memref_slice %arg10[%dma_wait3A_815] : memref<10x!tpu.dma_semaphore, #tpu.memory_space<semaphore_mem>> -> memref<1x!tpu.dma_semaphore, #tpu.memory_space<semaphore_mem>>
          %dma_wait3A_823 = tpu.memref_squeeze %dma_wait3A_822 : memref<1x!tpu.dma_semaphore, #tpu.memory_space<semaphore_mem>> -> memref<!tpu.dma_semaphore, #tpu.memory_space<semaphore_mem>>
          %dma_wait3A_824 = arith.constant 0 : i32
          %dma_wait3A_825 = tpu.memref_slice %arg5[%add3A_813, %dma_wait3A_824] : memref<819200x32xf32, #tpu.memory_space<hbm>> -> memref<128x32xf32, #tpu.memory_space<hbm>>
          %dma_wait3A_826 = arith.constant 0 : i32
          %dma_wait3A_827 = arith.constant 0 : i32
          %dma_wait3A_828 = tpu.memref_slice %arg8[%dma_wait3A_814, %dma_wait3A_826, %dma_wait3A_827] : memref<10x128x32xf32, #tpu.memory_space<vmem>> -> memref<1x128x32xf32, #tpu.memory_space<vmem>>
          %dma_wait3A_829 = tpu.memref_squeeze %dma_wait3A_828 : memref<1x128x32xf32, #tpu.memory_space<vmem>> -> memref<128x32xf32, #tpu.memory_space<vmem>>
          tpu.wait_dma2 semaphore(%dma_wait3A_823 : memref<!tpu.dma_semaphore, #tpu.memory_space<semaphore_mem>>) src(%dma_wait3A_829 : memref<128x32xf32, #tpu.memory_space<vmem>>) dst(%dma_wait3A_825 : memref<128x32xf32, #tpu.memory_space<hbm>>)
        } else {
        }
        %add3A_789 = arith.constant 8 : i32
        %add3A_790 = arith.addi %add3A_742, %add3A_789 : i32
        %mul3A_791 = arith.constant 128 : i32
        %mul3A_792 = arith.muli %add3A_790, %mul3A_791 : i32
        %rem3A_793 = arith.constant 200 : i32
        %rem3A_794 = arith.remsi %mul3A_792, %rem3A_793 : i32
        %run_scoped3A_795 = arith.constant 7 : i32
        "tpu.region"() ({
          %run_scoped3A_812 = tpu.sem_alloc : memref<!tpu.dma_semaphore, #tpu.memory_space<semaphore_mem>>
          %dma_start3A_813 = arith.constant 0 : i32
          %dma_start3A_814 = arith.constant 0 : i32
          %dma_start3A_815 = tpu.memref_slice %arg8[%run_scoped3A_795, %dma_start3A_813, %dma_start3A_814] : memref<10x128x32xf32, #tpu.memory_space<vmem>> -> memref<1x128x32xf32, #tpu.memory_space<vmem>>
          %dma_start3A_816 = tpu.memref_squeeze %dma_start3A_815 : memref<1x128x32xf32, #tpu.memory_space<vmem>> -> memref<128x32xf32, #tpu.memory_space<vmem>>
          %dma_start3A_817 = arith.constant 0 : i32
          %dma_start3A_818 = tpu.memref_slice %arg7[%rem3A_794, %dma_start3A_817] : memref<400x32xf32, #tpu.memory_space<vmem_shared>> -> memref<128x32xf32, #tpu.memory_space<vmem_shared>>
          %dma_start3A_819 = arith.constant 0 : i32
          %dma_start3A_820 = arith.constant 0 : i32
          %dma_start3A_821 = tpu.memref_slice %arg8[%run_scoped3A_795, %dma_start3A_819, %dma_start3A_820] : memref<10x128x32xf32, #tpu.memory_space<vmem>> -> memref<1x128x32xf32, #tpu.memory_space<vmem>>
          %dma_start3A_822 = tpu.memref_squeeze %dma_start3A_821 : memref<1x128x32xf32, #tpu.memory_space<vmem>> -> memref<128x32xf32, #tpu.memory_space<vmem>>
          %dma_start3A_823 = arith.constant 0 : i32
          %dma_start3A_824 = tpu.memref_slice %arg7[%rem3A_794, %dma_start3A_823] : memref<400x32xf32, #tpu.memory_space<vmem_shared>> -> memref<128x32xf32, #tpu.memory_space<vmem_shared>>
          tpu.enqueue_dma source(%dma_start3A_824 : memref<128x32xf32, #tpu.memory_space<vmem_shared>>) target(%dma_start3A_822 : memref<128x32xf32, #tpu.memory_space<vmem>>) target_semaphore(%run_scoped3A_812 : memref<!tpu.dma_semaphore, #tpu.memory_space<semaphore_mem>>)
          %dma_wait3A_825 = arith.constant 0 : i32
          %dma_wait3A_826 = arith.constant 0 : i32
          %dma_wait3A_827 = tpu.memref_slice %arg8[%run_scoped3A_795, %dma_wait3A_825, %dma_wait3A_826] : memref<10x128x32xf32, #tpu.memory_space<vmem>> -> memref<1x128x32xf32, #tpu.memory_space<vmem>>
          %dma_wait3A_828 = tpu.memref_squeeze %dma_wait3A_827 : memref<1x128x32xf32, #tpu.memory_space<vmem>> -> memref<128x32xf32, #tpu.memory_space<vmem>>
          %dma_wait3A_829 = arith.constant 0 : i32
          %dma_wait3A_830 = tpu.memref_slice %arg7[%rem3A_794, %dma_wait3A_829] : memref<400x32xf32, #tpu.memory_space<vmem_shared>> -> memref<128x32xf32, #tpu.memory_space<vmem_shared>>
          %dma_wait3A_831 = arith.constant 0 : i32
          %dma_wait3A_832 = arith.constant 0 : i32
          %dma_wait3A_833 = tpu.memref_slice %arg8[%run_scoped3A_795, %dma_wait3A_831, %dma_wait3A_832] : memref<10x128x32xf32, #tpu.memory_space<vmem>> -> memref<1x128x32xf32, #tpu.memory_space<vmem>>
          %dma_wait3A_834 = tpu.memref_squeeze %dma_wait3A_833 : memref<1x128x32xf32, #tpu.memory_space<vmem>> -> memref<128x32xf32, #tpu.memory_space<vmem>>
          %dma_wait3A_835 = arith.constant 0 : i32
          %dma_wait3A_836 = tpu.memref_slice %arg7[%rem3A_794, %dma_wait3A_835] : memref<400x32xf32, #tpu.memory_space<vmem_shared>> -> memref<128x32xf32, #tpu.memory_space<vmem_shared>>
          tpu.wait_dma2 semaphore(%run_scoped3A_812 : memref<!tpu.dma_semaphore, #tpu.memory_space<semaphore_mem>>) src(%dma_wait3A_836 : memref<128x32xf32, #tpu.memory_space<vmem_shared>>) dst(%dma_wait3A_834 : memref<128x32xf32, #tpu.memory_space<vmem>>)
          tpu.yield
        }) : () -> ()
        %add3A_796 = arith.constant 8 : i32
        %add3A_797 = arith.addi %add3A_742, %add3A_796 : i32
        %dma_start3A_798 = arith.constant 7 : i32
        %dma_start3A_799 = arith.constant 7 : i32
        %dma_start3A_800 = arith.constant 0 : i32
        %dma_start3A_801 = arith.constant 0 : i32
        %dma_start3A_802 = tpu.memref_slice %arg8[%dma_start3A_798, %dma_start3A_800, %dma_start3A_801] : memref<10x128x32xf32, #tpu.memory_space<vmem>> -> memref<1x128x32xf32, #tpu.memory_space<vmem>>
        %dma_start3A_803 = tpu.memref_squeeze %dma_start3A_802 : memref<1x128x32xf32, #tpu.memory_space<vmem>> -> memref<128x32xf32, #tpu.memory_space<vmem>>
        %dma_start3A_804 = arith.constant 0 : i32
        %dma_start3A_805 = tpu.memref_slice %arg6[%add3A_797, %dma_start3A_804] : memref<200x128xi32, #tpu.memory_space<vmem>> -> memref<1x128xi32, #tpu.memory_space<vmem>>
        %dma_start3A_806 = tpu.memref_squeeze %dma_start3A_805 : memref<1x128xi32, #tpu.memory_space<vmem>> -> memref<128xi32, #tpu.memory_space<vmem>>
        %dma_start3A_807 = arith.constant 0 : i32
        %dma_start3A_808 = arith.constant 0 : i32
        %dma_start3A_809 = tpu.memref_slice %arg4[%dma_start3A_807, %dma_start3A_808] : memref<1000000x32xf32, #tpu.memory_space<hbm>> -> memref<1000000x32xf32, #tpu.memory_space<hbm>>
        %dma_start3A_810 = tpu.memref_slice %arg9[%dma_start3A_799] : memref<10x!tpu.dma_semaphore, #tpu.memory_space<semaphore_mem>> -> memref<1x!tpu.dma_semaphore, #tpu.memory_space<semaphore_mem>>
        %dma_start3A_811 = tpu.memref_squeeze %dma_start3A_810 : memref<1x!tpu.dma_semaphore, #tpu.memory_space<semaphore_mem>> -> memref<!tpu.dma_semaphore, #tpu.memory_space<semaphore_mem>>
        tpu.enqueue_indirect_dma source(%dma_start3A_809 : memref<1000000x32xf32, #tpu.memory_space<hbm>>) target(%dma_start3A_803 : memref<128x32xf32, #tpu.memory_space<vmem>>) offsets(%dma_start3A_806 : memref<128xi32, #tpu.memory_space<vmem>>) semaphore(%dma_start3A_811 : memref<!tpu.dma_semaphore, #tpu.memory_space<semaphore_mem>>) {add = true}
      } else {
      }
      %dma_wait3A_750 = arith.constant 9 : i32
      %dma_wait3A_751 = arith.constant 9 : i32
      %dma_wait3A_752 = arith.constant 0 : i32
      %dma_wait3A_753 = arith.constant 0 : i32
      %dma_wait3A_754 = tpu.memref_slice %arg8[%dma_wait3A_750, %dma_wait3A_752, %dma_wait3A_753] : memref<10x128x32xf32, #tpu.memory_space<vmem>> -> memref<1x128x32xf32, #tpu.memory_space<vmem>>
      %dma_wait3A_755 = tpu.memref_squeeze %dma_wait3A_754 : memref<1x128x32xf32, #tpu.memory_space<vmem>> -> memref<128x32xf32, #tpu.memory_space<vmem>>
      %dma_wait3A_756 = arith.constant 0 : i32
      %dma_wait3A_757 = tpu.memref_slice %arg6[%add3A_742, %dma_wait3A_756] : memref<200x128xi32, #tpu.memory_space<vmem>> -> memref<1x128xi32, #tpu.memory_space<vmem>>
      %dma_wait3A_758 = tpu.memref_squeeze %dma_wait3A_757 : memref<1x128xi32, #tpu.memory_space<vmem>> -> memref<128xi32, #tpu.memory_space<vmem>>
      %dma_wait3A_759 = arith.constant 0 : i32
      %dma_wait3A_760 = arith.constant 0 : i32
      %dma_wait3A_761 = tpu.memref_slice %arg4[%dma_wait3A_759, %dma_wait3A_760] : memref<1000000x32xf32, #tpu.memory_space<hbm>> -> memref<1000000x32xf32, #tpu.memory_space<hbm>>
      %dma_wait3A_762 = tpu.memref_slice %arg9[%dma_wait3A_751] : memref<10x!tpu.dma_semaphore, #tpu.memory_space<semaphore_mem>> -> memref<1x!tpu.dma_semaphore, #tpu.memory_space<semaphore_mem>>
      %dma_wait3A_763 = tpu.memref_squeeze %dma_wait3A_762 : memref<1x!tpu.dma_semaphore, #tpu.memory_space<semaphore_mem>> -> memref<!tpu.dma_semaphore, #tpu.memory_space<semaphore_mem>>
      tpu.wait_indirect_dma semaphore(%dma_wait3A_763 : memref<!tpu.dma_semaphore, #tpu.memory_space<semaphore_mem>>) src(%dma_wait3A_761 : memref<1000000x32xf32, #tpu.memory_space<hbm>>) dst(%dma_wait3A_755 : memref<128x32xf32, #tpu.memory_space<vmem>>)
      %mul3A_764 = arith.constant 128 : i32
      %mul3A_765 = arith.muli %add3A_742, %mul3A_764 : i32
      %add3A_766 = arith.addi %mul3A_6, %mul3A_765 : i32
      %dma_start3A_767 = arith.constant 9 : i32
      %dma_start3A_768 = arith.constant 9 : i32
      %dma_start3A_769 = arith.constant 0 : i32
      %dma_start3A_770 = arith.constant 0 : i32
      %dma_start3A_771 = tpu.memref_slice %arg8[%dma_start3A_767, %dma_start3A_769, %dma_start3A_770] : memref<10x128x32xf32, #tpu.memory_space<vmem>> -> memref<1x128x32xf32, #tpu.memory_space<vmem>>
      %dma_start3A_772 = tpu.memref_squeeze %dma_start3A_771 : memref<1x128x32xf32, #tpu.memory_space<vmem>> -> memref<128x32xf32, #tpu.memory_space<vmem>>
      %dma_start3A_773 = arith.constant 0 : i32
      %dma_start3A_774 = tpu.memref_slice %arg5[%add3A_766, %dma_start3A_773] : memref<819200x32xf32, #tpu.memory_space<hbm>> -> memref<128x32xf32, #tpu.memory_space<hbm>>
      %dma_start3A_775 = tpu.memref_slice %arg10[%dma_start3A_768] : memref<10x!tpu.dma_semaphore, #tpu.memory_space<semaphore_mem>> -> memref<1x!tpu.dma_semaphore, #tpu.memory_space<semaphore_mem>>
      %dma_start3A_776 = tpu.memref_squeeze %dma_start3A_775 : memref<1x!tpu.dma_semaphore, #tpu.memory_space<semaphore_mem>> -> memref<!tpu.dma_semaphore, #tpu.memory_space<semaphore_mem>>
      %dma_start3A_777 = arith.constant 0 : i32
      %dma_start3A_778 = tpu.memref_slice %arg5[%add3A_766, %dma_start3A_777] : memref<819200x32xf32, #tpu.memory_space<hbm>> -> memref<128x32xf32, #tpu.memory_space<hbm>>
      %dma_start3A_779 = arith.constant 0 : i32
      %dma_start3A_780 = arith.constant 0 : i32
      %dma_start3A_781 = tpu.memref_slice %arg8[%dma_start3A_767, %dma_start3A_779, %dma_start3A_780] : memref<10x128x32xf32, #tpu.memory_space<vmem>> -> memref<1x128x32xf32, #tpu.memory_space<vmem>>
      %dma_start3A_782 = tpu.memref_squeeze %dma_start3A_781 : memref<1x128x32xf32, #tpu.memory_space<vmem>> -> memref<128x32xf32, #tpu.memory_space<vmem>>
      tpu.enqueue_dma source(%dma_start3A_782 : memref<128x32xf32, #tpu.memory_space<vmem>>) target(%dma_start3A_778 : memref<128x32xf32, #tpu.memory_space<hbm>>) target_semaphore(%dma_start3A_776 : memref<!tpu.dma_semaphore, #tpu.memory_space<semaphore_mem>>)
    }
    %scan3A_159 = arith.constant 20 : i32
    %add3A_160 = arith.constant 0 : i32
    %add3A_161 = arith.addi %mul3A_6, %add3A_160 : i32
    %dma_wait3A = arith.constant 0 : i32
    %dma_wait3A_162 = arith.constant 0 : i32
    %dma_wait3A_163 = arith.constant 0 : i32
    %dma_wait3A_164 = arith.constant 0 : i32
    %dma_wait3A_165 = tpu.memref_slice %arg8[%dma_wait3A, %dma_wait3A_163, %dma_wait3A_164] : memref<10x128x32xf32, #tpu.memory_space<vmem>> -> memref<1x128x32xf32, #tpu.memory_space<vmem>>
    %dma_wait3A_166 = tpu.memref_squeeze %dma_wait3A_165 : memref<1x128x32xf32, #tpu.memory_space<vmem>> -> memref<128x32xf32, #tpu.memory_space<vmem>>
    %dma_wait3A_167 = arith.constant 0 : i32
    %dma_wait3A_168 = tpu.memref_slice %arg5[%add3A_161, %dma_wait3A_167] : memref<819200x32xf32, #tpu.memory_space<hbm>> -> memref<128x32xf32, #tpu.memory_space<hbm>>
    %dma_wait3A_169 = tpu.memref_slice %arg10[%dma_wait3A_162] : memref<10x!tpu.dma_semaphore, #tpu.memory_space<semaphore_mem>> -> memref<1x!tpu.dma_semaphore, #tpu.memory_space<semaphore_mem>>
    %dma_wait3A_170 = tpu.memref_squeeze %dma_wait3A_169 : memref<1x!tpu.dma_semaphore, #tpu.memory_space<semaphore_mem>> -> memref<!tpu.dma_semaphore, #tpu.memory_space<semaphore_mem>>
    %dma_wait3A_171 = arith.constant 0 : i32
    %dma_wait3A_172 = tpu.memref_slice %arg5[%add3A_161, %dma_wait3A_171] : memref<819200x32xf32, #tpu.memory_space<hbm>> -> memref<128x32xf32, #tpu.memory_space<hbm>>
    %dma_wait3A_173 = arith.constant 0 : i32
    %dma_wait3A_174 = arith.constant 0 : i32
    %dma_wait3A_175 = tpu.memref_slice %arg8[%dma_wait3A, %dma_wait3A_173, %dma_wait3A_174] : memref<10x128x32xf32, #tpu.memory_space<vmem>> -> memref<1x128x32xf32, #tpu.memory_space<vmem>>
    %dma_wait3A_176 = tpu.memref_squeeze %dma_wait3A_175 : memref<1x128x32xf32, #tpu.memory_space<vmem>> -> memref<128x32xf32, #tpu.memory_space<vmem>>
    tpu.wait_dma2 semaphore(%dma_wait3A_170 : memref<!tpu.dma_semaphore, #tpu.memory_space<semaphore_mem>>) src(%dma_wait3A_176 : memref<128x32xf32, #tpu.memory_space<vmem>>) dst(%dma_wait3A_172 : memref<128x32xf32, #tpu.memory_space<hbm>>)
    %add3A_177 = arith.constant 0 : i32
    %add3A_178 = arith.addi %mul3A_6, %add3A_177 : i32
    %dma_wait3A_179 = arith.constant 1 : i32
    %dma_wait3A_180 = arith.constant 1 : i32
    %dma_wait3A_181 = arith.constant 0 : i32
    %dma_wait3A_182 = arith.constant 0 : i32
    %dma_wait3A_183 = tpu.memref_slice %arg8[%dma_wait3A_179, %dma_wait3A_181, %dma_wait3A_182] : memref<10x128x32xf32, #tpu.memory_space<vmem>> -> memref<1x128x32xf32, #tpu.memory_space<vmem>>
    %dma_wait3A_184 = tpu.memref_squeeze %dma_wait3A_183 : memref<1x128x32xf32, #tpu.memory_space<vmem>> -> memref<128x32xf32, #tpu.memory_space<vmem>>
    %dma_wait3A_185 = arith.constant 0 : i32
    %dma_wait3A_186 = tpu.memref_slice %arg5[%add3A_178, %dma_wait3A_185] : memref<819200x32xf32, #tpu.memory_space<hbm>> -> memref<128x32xf32, #tpu.memory_space<hbm>>
    %dma_wait3A_187 = tpu.memref_slice %arg10[%dma_wait3A_180] : memref<10x!tpu.dma_semaphore, #tpu.memory_space<semaphore_mem>> -> memref<1x!tpu.dma_semaphore, #tpu.memory_space<semaphore_mem>>
    %dma_wait3A_188 = tpu.memref_squeeze %dma_wait3A_187 : memref<1x!tpu.dma_semaphore, #tpu.memory_space<semaphore_mem>> -> memref<!tpu.dma_semaphore, #tpu.memory_space<semaphore_mem>>
    %dma_wait3A_189 = arith.constant 0 : i32
    %dma_wait3A_190 = tpu.memref_slice %arg5[%add3A_178, %dma_wait3A_189] : memref<819200x32xf32, #tpu.memory_space<hbm>> -> memref<128x32xf32, #tpu.memory_space<hbm>>
    %dma_wait3A_191 = arith.constant 0 : i32
    %dma_wait3A_192 = arith.constant 0 : i32
    %dma_wait3A_193 = tpu.memref_slice %arg8[%dma_wait3A_179, %dma_wait3A_191, %dma_wait3A_192] : memref<10x128x32xf32, #tpu.memory_space<vmem>> -> memref<1x128x32xf32, #tpu.memory_space<vmem>>
    %dma_wait3A_194 = tpu.memref_squeeze %dma_wait3A_193 : memref<1x128x32xf32, #tpu.memory_space<vmem>> -> memref<128x32xf32, #tpu.memory_space<vmem>>
    tpu.wait_dma2 semaphore(%dma_wait3A_188 : memref<!tpu.dma_semaphore, #tpu.memory_space<semaphore_mem>>) src(%dma_wait3A_194 : memref<128x32xf32, #tpu.memory_space<vmem>>) dst(%dma_wait3A_190 : memref<128x32xf32, #tpu.memory_space<hbm>>)
    %add3A_195 = arith.constant 0 : i32
    %add3A_196 = arith.addi %mul3A_6, %add3A_195 : i32
    %dma_wait3A_197 = arith.constant 2 : i32
    %dma_wait3A_198 = arith.constant 2 : i32
    %dma_wait3A_199 = arith.constant 0 : i32
    %dma_wait3A_200 = arith.constant 0 : i32
    %dma_wait3A_201 = tpu.memref_slice %arg8[%dma_wait3A_197, %dma_wait3A_199, %dma_wait3A_200] : memref<10x128x32xf32, #tpu.memory_space<vmem>> -> memref<1x128x32xf32, #tpu.memory_space<vmem>>
    %dma_wait3A_202 = tpu.memref_squeeze %dma_wait3A_201 : memref<1x128x32xf32, #tpu.memory_space<vmem>> -> memref<128x32xf32, #tpu.memory_space<vmem>>
    %dma_wait3A_203 = arith.constant 0 : i32
    %dma_wait3A_204 = tpu.memref_slice %arg5[%add3A_196, %dma_wait3A_203] : memref<819200x32xf32, #tpu.memory_space<hbm>> -> memref<128x32xf32, #tpu.memory_space<hbm>>
    %dma_wait3A_205 = tpu.memref_slice %arg10[%dma_wait3A_198] : memref<10x!tpu.dma_semaphore, #tpu.memory_space<semaphore_mem>> -> memref<1x!tpu.dma_semaphore, #tpu.memory_space<semaphore_mem>>
    %dma_wait3A_206 = tpu.memref_squeeze %dma_wait3A_205 : memref<1x!tpu.dma_semaphore, #tpu.memory_space<semaphore_mem>> -> memref<!tpu.dma_semaphore, #tpu.memory_space<semaphore_mem>>
    %dma_wait3A_207 = arith.constant 0 : i32
    %dma_wait3A_208 = tpu.memref_slice %arg5[%add3A_196, %dma_wait3A_207] : memref<819200x32xf32, #tpu.memory_space<hbm>> -> memref<128x32xf32, #tpu.memory_space<hbm>>
    %dma_wait3A_209 = arith.constant 0 : i32
    %dma_wait3A_210 = arith.constant 0 : i32
    %dma_wait3A_211 = tpu.memref_slice %arg8[%dma_wait3A_197, %dma_wait3A_209, %dma_wait3A_210] : memref<10x128x32xf32, #tpu.memory_space<vmem>> -> memref<1x128x32xf32, #tpu.memory_space<vmem>>
    %dma_wait3A_212 = tpu.memref_squeeze %dma_wait3A_211 : memref<1x128x32xf32, #tpu.memory_space<vmem>> -> memref<128x32xf32, #tpu.memory_space<vmem>>
    tpu.wait_dma2 semaphore(%dma_wait3A_206 : memref<!tpu.dma_semaphore, #tpu.memory_space<semaphore_mem>>) src(%dma_wait3A_212 : memref<128x32xf32, #tpu.memory_space<vmem>>) dst(%dma_wait3A_208 : memref<128x32xf32, #tpu.memory_space<hbm>>)
    %add3A_213 = arith.constant 0 : i32
    %add3A_214 = arith.addi %mul3A_6, %add3A_213 : i32
    %dma_wait3A_215 = arith.constant 3 : i32
    %dma_wait3A_216 = arith.constant 3 : i32
    %dma_wait3A_217 = arith.constant 0 : i32
    %dma_wait3A_218 = arith.constant 0 : i32
    %dma_wait3A_219 = tpu.memref_slice %arg8[%dma_wait3A_215, %dma_wait3A_217, %dma_wait3A_218] : memref<10x128x32xf32, #tpu.memory_space<vmem>> -> memref<1x128x32xf32, #tpu.memory_space<vmem>>
    %dma_wait3A_220 = tpu.memref_squeeze %dma_wait3A_219 : memref<1x128x32xf32, #tpu.memory_space<vmem>> -> memref<128x32xf32, #tpu.memory_space<vmem>>
    %dma_wait3A_221 = arith.constant 0 : i32
    %dma_wait3A_222 = tpu.memref_slice %arg5[%add3A_214, %dma_wait3A_221] : memref<819200x32xf32, #tpu.memory_space<hbm>> -> memref<128x32xf32, #tpu.memory_space<hbm>>
    %dma_wait3A_223 = tpu.memref_slice %arg10[%dma_wait3A_216] : memref<10x!tpu.dma_semaphore, #tpu.memory_space<semaphore_mem>> -> memref<1x!tpu.dma_semaphore, #tpu.memory_space<semaphore_mem>>
    %dma_wait3A_224 = tpu.memref_squeeze %dma_wait3A_223 : memref<1x!tpu.dma_semaphore, #tpu.memory_space<semaphore_mem>> -> memref<!tpu.dma_semaphore, #tpu.memory_space<semaphore_mem>>
    %dma_wait3A_225 = arith.constant 0 : i32
    %dma_wait3A_226 = tpu.memref_slice %arg5[%add3A_214, %dma_wait3A_225] : memref<819200x32xf32, #tpu.memory_space<hbm>> -> memref<128x32xf32, #tpu.memory_space<hbm>>
    %dma_wait3A_227 = arith.constant 0 : i32
    %dma_wait3A_228 = arith.constant 0 : i32
    %dma_wait3A_229 = tpu.memref_slice %arg8[%dma_wait3A_215, %dma_wait3A_227, %dma_wait3A_228] : memref<10x128x32xf32, #tpu.memory_space<vmem>> -> memref<1x128x32xf32, #tpu.memory_space<vmem>>
    %dma_wait3A_230 = tpu.memref_squeeze %dma_wait3A_229 : memref<1x128x32xf32, #tpu.memory_space<vmem>> -> memref<128x32xf32, #tpu.memory_space<vmem>>
    tpu.wait_dma2 semaphore(%dma_wait3A_224 : memref<!tpu.dma_semaphore, #tpu.memory_space<semaphore_mem>>) src(%dma_wait3A_230 : memref<128x32xf32, #tpu.memory_space<vmem>>) dst(%dma_wait3A_226 : memref<128x32xf32, #tpu.memory_space<hbm>>)
    %add3A_231 = arith.constant 0 : i32
    %add3A_232 = arith.addi %mul3A_6, %add3A_231 : i32
    %dma_wait3A_233 = arith.constant 4 : i32
    %dma_wait3A_234 = arith.constant 4 : i32
    %dma_wait3A_235 = arith.constant 0 : i32
    %dma_wait3A_236 = arith.constant 0 : i32
    %dma_wait3A_237 = tpu.memref_slice %arg8[%dma_wait3A_233, %dma_wait3A_235, %dma_wait3A_236] : memref<10x128x32xf32, #tpu.memory_space<vmem>> -> memref<1x128x32xf32, #tpu.memory_space<vmem>>
    %dma_wait3A_238 = tpu.memref_squeeze %dma_wait3A_237 : memref<1x128x32xf32, #tpu.memory_space<vmem>> -> memref<128x32xf32, #tpu.memory_space<vmem>>
    %dma_wait3A_239 = arith.constant 0 : i32
    %dma_wait3A_240 = tpu.memref_slice %arg5[%add3A_232, %dma_wait3A_239] : memref<819200x32xf32, #tpu.memory_space<hbm>> -> memref<128x32xf32, #tpu.memory_space<hbm>>
    %dma_wait3A_241 = tpu.memref_slice %arg10[%dma_wait3A_234] : memref<10x!tpu.dma_semaphore, #tpu.memory_space<semaphore_mem>> -> memref<1x!tpu.dma_semaphore, #tpu.memory_space<semaphore_mem>>
    %dma_wait3A_242 = tpu.memref_squeeze %dma_wait3A_241 : memref<1x!tpu.dma_semaphore, #tpu.memory_space<semaphore_mem>> -> memref<!tpu.dma_semaphore, #tpu.memory_space<semaphore_mem>>
    %dma_wait3A_243 = arith.constant 0 : i32
    %dma_wait3A_244 = tpu.memref_slice %arg5[%add3A_232, %dma_wait3A_243] : memref<819200x32xf32, #tpu.memory_space<hbm>> -> memref<128x32xf32, #tpu.memory_space<hbm>>
    %dma_wait3A_245 = arith.constant 0 : i32
    %dma_wait3A_246 = arith.constant 0 : i32
    %dma_wait3A_247 = tpu.memref_slice %arg8[%dma_wait3A_233, %dma_wait3A_245, %dma_wait3A_246] : memref<10x128x32xf32, #tpu.memory_space<vmem>> -> memref<1x128x32xf32, #tpu.memory_space<vmem>>
    %dma_wait3A_248 = tpu.memref_squeeze %dma_wait3A_247 : memref<1x128x32xf32, #tpu.memory_space<vmem>> -> memref<128x32xf32, #tpu.memory_space<vmem>>
    tpu.wait_dma2 semaphore(%dma_wait3A_242 : memref<!tpu.dma_semaphore, #tpu.memory_space<semaphore_mem>>) src(%dma_wait3A_248 : memref<128x32xf32, #tpu.memory_space<vmem>>) dst(%dma_wait3A_244 : memref<128x32xf32, #tpu.memory_space<hbm>>)
    %add3A_249 = arith.constant 0 : i32
    %add3A_250 = arith.addi %mul3A_6, %add3A_249 : i32
    %dma_wait3A_251 = arith.constant 5 : i32
    %dma_wait3A_252 = arith.constant 5 : i32
    %dma_wait3A_253 = arith.constant 0 : i32
    %dma_wait3A_254 = arith.constant 0 : i32
    %dma_wait3A_255 = tpu.memref_slice %arg8[%dma_wait3A_251, %dma_wait3A_253, %dma_wait3A_254] : memref<10x128x32xf32, #tpu.memory_space<vmem>> -> memref<1x128x32xf32, #tpu.memory_space<vmem>>
    %dma_wait3A_256 = tpu.memref_squeeze %dma_wait3A_255 : memref<1x128x32xf32, #tpu.memory_space<vmem>> -> memref<128x32xf32, #tpu.memory_space<vmem>>
    %dma_wait3A_257 = arith.constant 0 : i32
    %dma_wait3A_258 = tpu.memref_slice %arg5[%add3A_250, %dma_wait3A_257] : memref<819200x32xf32, #tpu.memory_space<hbm>> -> memref<128x32xf32, #tpu.memory_space<hbm>>
    %dma_wait3A_259 = tpu.memref_slice %arg10[%dma_wait3A_252] : memref<10x!tpu.dma_semaphore, #tpu.memory_space<semaphore_mem>> -> memref<1x!tpu.dma_semaphore, #tpu.memory_space<semaphore_mem>>
    %dma_wait3A_260 = tpu.memref_squeeze %dma_wait3A_259 : memref<1x!tpu.dma_semaphore, #tpu.memory_space<semaphore_mem>> -> memref<!tpu.dma_semaphore, #tpu.memory_space<semaphore_mem>>
    %dma_wait3A_261 = arith.constant 0 : i32
    %dma_wait3A_262 = tpu.memref_slice %arg5[%add3A_250, %dma_wait3A_261] : memref<819200x32xf32, #tpu.memory_space<hbm>> -> memref<128x32xf32, #tpu.memory_space<hbm>>
    %dma_wait3A_263 = arith.constant 0 : i32
    %dma_wait3A_264 = arith.constant 0 : i32
    %dma_wait3A_265 = tpu.memref_slice %arg8[%dma_wait3A_251, %dma_wait3A_263, %dma_wait3A_264] : memref<10x128x32xf32, #tpu.memory_space<vmem>> -> memref<1x128x32xf32, #tpu.memory_space<vmem>>
    %dma_wait3A_266 = tpu.memref_squeeze %dma_wait3A_265 : memref<1x128x32xf32, #tpu.memory_space<vmem>> -> memref<128x32xf32, #tpu.memory_space<vmem>>
    tpu.wait_dma2 semaphore(%dma_wait3A_260 : memref<!tpu.dma_semaphore, #tpu.memory_space<semaphore_mem>>) src(%dma_wait3A_266 : memref<128x32xf32, #tpu.memory_space<vmem>>) dst(%dma_wait3A_262 : memref<128x32xf32, #tpu.memory_space<hbm>>)
    %add3A_267 = arith.constant 0 : i32
    %add3A_268 = arith.addi %mul3A_6, %add3A_267 : i32
    %dma_wait3A_269 = arith.constant 6 : i32
    %dma_wait3A_270 = arith.constant 6 : i32
    %dma_wait3A_271 = arith.constant 0 : i32
    %dma_wait3A_272 = arith.constant 0 : i32
    %dma_wait3A_273 = tpu.memref_slice %arg8[%dma_wait3A_269, %dma_wait3A_271, %dma_wait3A_272] : memref<10x128x32xf32, #tpu.memory_space<vmem>> -> memref<1x128x32xf32, #tpu.memory_space<vmem>>
    %dma_wait3A_274 = tpu.memref_squeeze %dma_wait3A_273 : memref<1x128x32xf32, #tpu.memory_space<vmem>> -> memref<128x32xf32, #tpu.memory_space<vmem>>
    %dma_wait3A_275 = arith.constant 0 : i32
    %dma_wait3A_276 = tpu.memref_slice %arg5[%add3A_268, %dma_wait3A_275] : memref<819200x32xf32, #tpu.memory_space<hbm>> -> memref<128x32xf32, #tpu.memory_space<hbm>>
    %dma_wait3A_277 = tpu.memref_slice %arg10[%dma_wait3A_270] : memref<10x!tpu.dma_semaphore, #tpu.memory_space<semaphore_mem>> -> memref<1x!tpu.dma_semaphore, #tpu.memory_space<semaphore_mem>>
    %dma_wait3A_278 = tpu.memref_squeeze %dma_wait3A_277 : memref<1x!tpu.dma_semaphore, #tpu.memory_space<semaphore_mem>> -> memref<!tpu.dma_semaphore, #tpu.memory_space<semaphore_mem>>
    %dma_wait3A_279 = arith.constant 0 : i32
    %dma_wait3A_280 = tpu.memref_slice %arg5[%add3A_268, %dma_wait3A_279] : memref<819200x32xf32, #tpu.memory_space<hbm>> -> memref<128x32xf32, #tpu.memory_space<hbm>>
    %dma_wait3A_281 = arith.constant 0 : i32
    %dma_wait3A_282 = arith.constant 0 : i32
    %dma_wait3A_283 = tpu.memref_slice %arg8[%dma_wait3A_269, %dma_wait3A_281, %dma_wait3A_282] : memref<10x128x32xf32, #tpu.memory_space<vmem>> -> memref<1x128x32xf32, #tpu.memory_space<vmem>>
    %dma_wait3A_284 = tpu.memref_squeeze %dma_wait3A_283 : memref<1x128x32xf32, #tpu.memory_space<vmem>> -> memref<128x32xf32, #tpu.memory_space<vmem>>
    tpu.wait_dma2 semaphore(%dma_wait3A_278 : memref<!tpu.dma_semaphore, #tpu.memory_space<semaphore_mem>>) src(%dma_wait3A_284 : memref<128x32xf32, #tpu.memory_space<vmem>>) dst(%dma_wait3A_280 : memref<128x32xf32, #tpu.memory_space<hbm>>)
    %add3A_285 = arith.constant 0 : i32
    %add3A_286 = arith.addi %mul3A_6, %add3A_285 : i32
    %dma_wait3A_287 = arith.constant 7 : i32
    %dma_wait3A_288 = arith.constant 7 : i32
    %dma_wait3A_289 = arith.constant 0 : i32
    %dma_wait3A_290 = arith.constant 0 : i32
    %dma_wait3A_291 = tpu.memref_slice %arg8[%dma_wait3A_287, %dma_wait3A_289, %dma_wait3A_290] : memref<10x128x32xf32, #tpu.memory_space<vmem>> -> memref<1x128x32xf32, #tpu.memory_space<vmem>>
    %dma_wait3A_292 = tpu.memref_squeeze %dma_wait3A_291 : memref<1x128x32xf32, #tpu.memory_space<vmem>> -> memref<128x32xf32, #tpu.memory_space<vmem>>
    %dma_wait3A_293 = arith.constant 0 : i32
    %dma_wait3A_294 = tpu.memref_slice %arg5[%add3A_286, %dma_wait3A_293] : memref<819200x32xf32, #tpu.memory_space<hbm>> -> memref<128x32xf32, #tpu.memory_space<hbm>>
    %dma_wait3A_295 = tpu.memref_slice %arg10[%dma_wait3A_288] : memref<10x!tpu.dma_semaphore, #tpu.memory_space<semaphore_mem>> -> memref<1x!tpu.dma_semaphore, #tpu.memory_space<semaphore_mem>>
    %dma_wait3A_296 = tpu.memref_squeeze %dma_wait3A_295 : memref<1x!tpu.dma_semaphore, #tpu.memory_space<semaphore_mem>> -> memref<!tpu.dma_semaphore, #tpu.memory_space<semaphore_mem>>
    %dma_wait3A_297 = arith.constant 0 : i32
    %dma_wait3A_298 = tpu.memref_slice %arg5[%add3A_286, %dma_wait3A_297] : memref<819200x32xf32, #tpu.memory_space<hbm>> -> memref<128x32xf32, #tpu.memory_space<hbm>>
    %dma_wait3A_299 = arith.constant 0 : i32
    %dma_wait3A_300 = arith.constant 0 : i32
    %dma_wait3A_301 = tpu.memref_slice %arg8[%dma_wait3A_287, %dma_wait3A_299, %dma_wait3A_300] : memref<10x128x32xf32, #tpu.memory_space<vmem>> -> memref<1x128x32xf32, #tpu.memory_space<vmem>>
    %dma_wait3A_302 = tpu.memref_squeeze %dma_wait3A_301 : memref<1x128x32xf32, #tpu.memory_space<vmem>> -> memref<128x32xf32, #tpu.memory_space<vmem>>
    tpu.wait_dma2 semaphore(%dma_wait3A_296 : memref<!tpu.dma_semaphore, #tpu.memory_space<semaphore_mem>>) src(%dma_wait3A_302 : memref<128x32xf32, #tpu.memory_space<vmem>>) dst(%dma_wait3A_298 : memref<128x32xf32, #tpu.memory_space<hbm>>)
    %add3A_303 = arith.constant 0 : i32
    %add3A_304 = arith.addi %mul3A_6, %add3A_303 : i32
    %dma_wait3A_305 = arith.constant 8 : i32
    %dma_wait3A_306 = arith.constant 8 : i32
    %dma_wait3A_307 = arith.constant 0 : i32
    %dma_wait3A_308 = arith.constant 0 : i32
    %dma_wait3A_309 = tpu.memref_slice %arg8[%dma_wait3A_305, %dma_wait3A_307, %dma_wait3A_308] : memref<10x128x32xf32, #tpu.memory_space<vmem>> -> memref<1x128x32xf32, #tpu.memory_space<vmem>>
    %dma_wait3A_310 = tpu.memref_squeeze %dma_wait3A_309 : memref<1x128x32xf32, #tpu.memory_space<vmem>> -> memref<128x32xf32, #tpu.memory_space<vmem>>
    %dma_wait3A_311 = arith.constant 0 : i32
    %dma_wait3A_312 = tpu.memref_slice %arg5[%add3A_304, %dma_wait3A_311] : memref<819200x32xf32, #tpu.memory_space<hbm>> -> memref<128x32xf32, #tpu.memory_space<hbm>>
    %dma_wait3A_313 = tpu.memref_slice %arg10[%dma_wait3A_306] : memref<10x!tpu.dma_semaphore, #tpu.memory_space<semaphore_mem>> -> memref<1x!tpu.dma_semaphore, #tpu.memory_space<semaphore_mem>>
    %dma_wait3A_314 = tpu.memref_squeeze %dma_wait3A_313 : memref<1x!tpu.dma_semaphore, #tpu.memory_space<semaphore_mem>> -> memref<!tpu.dma_semaphore, #tpu.memory_space<semaphore_mem>>
    %dma_wait3A_315 = arith.constant 0 : i32
    %dma_wait3A_316 = tpu.memref_slice %arg5[%add3A_304, %dma_wait3A_315] : memref<819200x32xf32, #tpu.memory_space<hbm>> -> memref<128x32xf32, #tpu.memory_space<hbm>>
    %dma_wait3A_317 = arith.constant 0 : i32
    %dma_wait3A_318 = arith.constant 0 : i32
    %dma_wait3A_319 = tpu.memref_slice %arg8[%dma_wait3A_305, %dma_wait3A_317, %dma_wait3A_318] : memref<10x128x32xf32, #tpu.memory_space<vmem>> -> memref<1x128x32xf32, #tpu.memory_space<vmem>>
    %dma_wait3A_320 = tpu.memref_squeeze %dma_wait3A_319 : memref<1x128x32xf32, #tpu.memory_space<vmem>> -> memref<128x32xf32, #tpu.memory_space<vmem>>
    tpu.wait_dma2 semaphore(%dma_wait3A_314 : memref<!tpu.dma_semaphore, #tpu.memory_space<semaphore_mem>>) src(%dma_wait3A_320 : memref<128x32xf32, #tpu.memory_space<vmem>>) dst(%dma_wait3A_316 : memref<128x32xf32, #tpu.memory_space<hbm>>)
    %add3A_321 = arith.constant 0 : i32
    %add3A_322 = arith.addi %mul3A_6, %add3A_321 : i32
    %dma_wait3A_323 = arith.constant 9 : i32
    %dma_wait3A_324 = arith.constant 9 : i32
    %dma_wait3A_325 = arith.constant 0 : i32
    %dma_wait3A_326 = arith.constant 0 : i32
    %dma_wait3A_327 = tpu.memref_slice %arg8[%dma_wait3A_323, %dma_wait3A_325, %dma_wait3A_326] : memref<10x128x32xf32, #tpu.memory_space<vmem>> -> memref<1x128x32xf32, #tpu.memory_space<vmem>>
    %dma_wait3A_328 = tpu.memref_squeeze %dma_wait3A_327 : memref<1x128x32xf32, #tpu.memory_space<vmem>> -> memref<128x32xf32, #tpu.memory_space<vmem>>
    %dma_wait3A_329 = arith.constant 0 : i32
    %dma_wait3A_330 = tpu.memref_slice %arg5[%add3A_322, %dma_wait3A_329] : memref<819200x32xf32, #tpu.memory_space<hbm>> -> memref<128x32xf32, #tpu.memory_space<hbm>>
    %dma_wait3A_331 = tpu.memref_slice %arg10[%dma_wait3A_324] : memref<10x!tpu.dma_semaphore, #tpu.memory_space<semaphore_mem>> -> memref<1x!tpu.dma_semaphore, #tpu.memory_space<semaphore_mem>>
    %dma_wait3A_332 = tpu.memref_squeeze %dma_wait3A_331 : memref<1x!tpu.dma_semaphore, #tpu.memory_space<semaphore_mem>> -> memref<!tpu.dma_semaphore, #tpu.memory_space<semaphore_mem>>
    %dma_wait3A_333 = arith.constant 0 : i32
    %dma_wait3A_334 = tpu.memref_slice %arg5[%add3A_322, %dma_wait3A_333] : memref<819200x32xf32, #tpu.memory_space<hbm>> -> memref<128x32xf32, #tpu.memory_space<hbm>>
    %dma_wait3A_335 = arith.constant 0 : i32
    %dma_wait3A_336 = arith.constant 0 : i32
    %dma_wait3A_337 = tpu.memref_slice %arg8[%dma_wait3A_323, %dma_wait3A_335, %dma_wait3A_336] : memref<10x128x32xf32, #tpu.memory_space<vmem>> -> memref<1x128x32xf32, #tpu.memory_space<vmem>>
    %dma_wait3A_338 = tpu.memref_squeeze %dma_wait3A_337 : memref<1x128x32xf32, #tpu.memory_space<vmem>> -> memref<128x32xf32, #tpu.memory_space<vmem>>
    tpu.wait_dma2 semaphore(%dma_wait3A_332 : memref<!tpu.dma_semaphore, #tpu.memory_space<semaphore_mem>>) src(%dma_wait3A_338 : memref<128x32xf32, #tpu.memory_space<vmem>>) dst(%dma_wait3A_334 : memref<128x32xf32, #tpu.memory_space<hbm>>)
    return
  }
}

</mosaic_0001>

<sc_bundles>
// kernel: kernel.3.cloned.1.call-start
scs
__scs_entry_jumppad:
0x0: {  	(pc) =	sbr.rel $0x88, $3  }
0x1: {  	(tag) =	ssettag $0x0;
	lr =	simm.s32 $0x1  }
0x2: {  	[smem:$0x3F9E] =	sst lr;
	_ =	strace $0xD0000000  }
0x3: {  	_ = 	snop  }
0x4: {  	_ = 	snop  }
0x5: {  	_ = 	snop  }
0x6: {  	_ = 	snop  }
0x7: {  	_ = 	snop  }
__scs_overlays_trampoline_lowered:
0x8: {  	[smem:$0x3FAD] =	sst s0  }
0x9: {  	[smem:$0x3FAE] =	sst s1  }
0xa: {  	[smem:$0x3FAF] =	sst s2  }
0xb: {  	[smem:$0x3FB0] =	sst s3  }
0xc: {  	[smem:$0x3FB1] =	sst s4  }
0xd: {  	[smem:$0x3FB2] =	sst s5  }
0xe: {  	[smem:$0x3FB3] =	sst s6  }
0xf: {  	[smem:$0x3FB4] =	sst s7  }
0x10: {  	[smem:$0x3FB5] =	sst s8  }
0x11: {  	[smem:$0x3FB6] =	sst s9;
	s0 =	simm.s32 @!p0 $0x0  }
0x12: {  	s1 =	sld [smem:$0x3F9C];
	s0 =	simm.s32 @p0 $0x1  }
0x13: {  	[smem:$0x3FB7] =	sst s0;
	s0 =	simm.s32 @!p1 $0x0  }
0x14: {  	s2 =	sld [smem:$0x3F9B];
	s0 =	simm.s32 @p1 $0x1  }
0x15: {  	[smem:$0x3FB8] =	sst s0;
	s0 =	simm.s32 @!p2 $0x0  }
0x16: {  	s3 =	sld [smem:$0x3FDB];
	s0 =	simm.s32 @p2 $0x1  }
0x17: {  	s4 =	simm.s32 $0x1BF5;
	[smem:$0x3FBA] =	sst s0  }
0x18: {  	s0 =	sld [smem:$0x3F9D];
	_ =	swait.ge [sflag:s4], $0x0  }
0x19: {  	s7 =	sld [smem:$0x3F9E]  }
0x1a: {  	s8 =	sadd.s32 $0xFFFFE003, lr  }
0x1b: {  	s9 =	sadd.s32 $0xFFFFFEF7, lr;
	s5 =	simm.s32 $0xFFFFFFFF;
	p2 =	slt.u32 s8, $0xFFFFF086  }
0x1c: {  	p1 =	slt.u32 s9, $0xF7A;
	s5 =	simm.s32 @!p2 $0x0  }
0x1d: {  	s5 =	simm.s32 @p1 $0x1;
	p0 =	seq.s32 s7, s2  }
0x1e: {  	s7 =	smul.u32 @!p0 $0xF7A, s2;
	p2 =	seq.s32 @!p0 s5, $0x0  }
0x1f: {  	s9 =	smul.u32 $0xF7A, s1;
	s8 =	simm.s32 @!p0 $0x1BF5;
	p2 =	por !p2, p0  }
0x20: {  	[sflag:s8] =	ssyncset.s32 @!p0 $0xFFFFF086;
	s6 =	sadd.s32 @!p0 s3, s7;
	s7 =	simm.s32 @!p0 $0x108  }
0x21: {  	s3 =	sadd.s32 s3, s9;
	s6 =	sadd.s32 @!p0 $0x88, s6;
	s7 =	simm.s32 @p2 $0x1082  }
0x22: {  	[simem:s7], [sflag:s8] =	dma.local @!p0 [hbm:s6], $0xF7A  }
0x23: {  	s9 =	sor.u32 $0xD0000000, s2;
	s6 =	simm.s32 $0x108;
	_ =	swait.ge @!p0 [sflag:s8], $0x0  }
0x24: {  	s3 =	sadd.s32 $0x88, s3;
	s6 =	simm.s32 @!p1 $0x1082;
	[sflag:s4] =	ssyncset.s32 $0xFFFFF086  }
0x25: {  	[simem:s6], [sflag:s4] =	dma.local [hbm:s3], $0xF7A  }
0x26: {  	[smem:$0x3F9E] =	sst s1;
	(tag) =	ssettag s2;
	_ =	strace s9  }
0x27: {  	s1 =	sld [smem:$0x3FAE]  }
0x28: {  	s2 =	sld [smem:$0x3FAF]  }
0x29: {  	s4 =	sld [smem:$0x3FB1]  }
0x2a: {  	p0 =	seq.s32 s5, $0x0;
	s5 =	sld [smem:$0x3FB2]  }
0x2b: {  	s6 =	sld [smem:$0x3FB3]  }
0x2c: {  	s7 =	sld [smem:$0x3FB4]  }
0x2d: {  	s3 =	simm.s32 $0x108;
	s8 =	sld [smem:$0x3FB5]  }
0x2e: {  	s3 =	simm.s32 @!p0 $0x1082;
	s9 =	sld [smem:$0x3FB6]  }
0x2f: {  	lr =	sadd.s32 s0, s3;
	s0 =	sld [smem:$0x3FAD]  }
0x30: {  	s3 =	sld [smem:$0x3FB0]  }
0x31: {  	[smem:$0x3FB9] =	sst s10  }
0x32: {  	s10 =	sld [smem:$0x3FB7];
	_ =	sdelay $0x3  }
0x33: {  	p0 =	seq.s32 s10, $0x1;
	s10 =	sld [smem:$0x3FB9];
	_ =	sdelay $0x3  }
0x34: {  	[smem:$0x3FB9] =	sst s10  }
0x35: {  	s10 =	sld [smem:$0x3FB8];
	_ =	sdelay $0x3  }
0x36: {  	p1 =	seq.s32 s10, $0x1;
	s10 =	sld [smem:$0x3FB9];
	_ =	sdelay $0x3  }
0x37: {  	[smem:$0x3FB9] =	sst s10  }
0x38: {  	s10 =	sld [smem:$0x3FBA]  }
0x39: {  	_ = 	snop;
	(pc) =	sbr.ind lr, $3  }
0x3a: {  	_ = 	snop  }
0x3b: {  	_ = 	snop  }
0x3c: {  	p2 =	seq.s32 s10, $0x1;
	s10 =	sld [smem:$0x3FB9]  }
0x3d: {  	_ =	shalt  }
0x3e: {  	_ =	shalt  }
0x3f: {  	_ =	shalt  }
0x40: {  	_ =	shalt  }
0x41: {  	_ =	shalt  }
0x42: {  	_ =	shalt  }
0x43: {  	_ =	shalt  }
0x44: {  	_ =	shalt  }
0x45: {  	_ =	shalt  }
0x46: {  	_ =	shalt  }
0x47: {  	_ =	shalt  }
0x48: {  	_ =	shalt  }
0x49: {  	_ =	shalt  }
0x4a: {  	_ =	shalt  }
0x4b: {  	_ =	shalt  }
0x4c: {  	_ =	shalt  }
0x4d: {  	_ =	shalt  }
0x4e: {  	_ =	shalt  }
0x4f: {  	_ =	shalt  }
0x50: {  	_ =	shalt  }
0x51: {  	_ =	shalt  }
0x52: {  	_ =	shalt  }
0x53: {  	_ =	shalt  }
0x54: {  	_ =	shalt  }
0x55: {  	_ =	shalt  }
0x56: {  	_ =	shalt  }
0x57: {  	_ =	shalt  }
0x58: {  	_ =	shalt  }
0x59: {  	_ =	shalt  }
0x5a: {  	_ =	shalt  }
0x5b: {  	_ =	shalt  }
0x5c: {  	_ =	shalt  }
0x5d: {  	_ =	shalt  }
0x5e: {  	_ =	shalt  }
0x5f: {  	_ =	shalt  }
0x60: {  	_ =	shalt  }
0x61: {  	_ =	shalt  }
0x62: {  	_ =	shalt  }
0x63: {  	_ =	shalt  }
0x64: {  	_ =	shalt  }
0x65: {  	_ =	shalt  }
0x66: {  	_ =	shalt  }
0x67: {  	_ =	shalt  }
0x68: {  	_ =	shalt  }
0x69: {  	_ =	shalt  }
0x6a: {  	_ =	shalt  }
0x6b: {  	_ =	shalt  }
0x6c: {  	_ =	shalt  }
0x6d: {  	_ =	shalt  }
0x6e: {  	_ =	shalt  }
0x6f: {  	_ =	shalt  }
0x70: {  	_ =	shalt  }
0x71: {  	_ =	shalt  }
0x72: {  	_ =	shalt  }
0x73: {  	_ =	shalt  }
0x74: {  	_ =	shalt  }
0x75: {  	_ =	shalt  }
0x76: {  	_ =	shalt  }
0x77: {  	_ =	shalt  }
0x78: {  	_ =	shalt  }
0x79: {  	_ =	shalt  }
0x7a: {  	_ =	shalt  }
0x7b: {  	_ =	shalt  }
0x7c: {  	_ =	shalt  }
0x7d: {  	_ =	shalt  }
0x7e: {  	_ =	shalt  }
0x7f: {  	_ =	shalt  }
0x80: {  	_ =	shalt  }
0x81: {  	_ =	shalt  }
0x82: {  	_ =	shalt  }
0x83: {  	_ =	shalt  }
0x84: {  	_ =	shalt  }
0x85: {  	_ =	shalt  }
0x86: {  	_ =	shalt  }
0x87: {  	_ =	shalt  }
.Lfunc_end0:
.L_simem_size_0:
called_computation.1_lowered:
.L_overlay_start_0:
0x88: {  	s2 =	sld [smem:$0x3FD9]  }
0x89: {  	s3 =	sld [smem:$0x3FFE];
	_ =	sdelay $0x1  }
0x8a: {  	s1 =	srdreg.scid  }
0x8b: {  	s0 =	sand.u32 $0x1, s1  }
0x8c: {  	s17 =	sshll.u32 s0, $0xA;
	s2 =	sadd.s32 s3, s2  }
0x8d: {  	s2 =	sadd.s32 s2, s17  }
0x8e: {  	[smem:$0x3FC5] =	sst s2  }
0x8f: {  	_ = 	snop  }
0x90: {  	s2 =	sld [smem:$0x3FD0];
	(tm) =	ssettm $0x1  }
0x91: {  	s18 =	sld [smem:$0x3FFB];
	_ =	sdelay $0x3  }
0x92: {  	_ =	strace s18  }
0x93: {  	s3 =	sld [smem:$0x3FFC];
	_ =	sdelay $0x3  }
0x94: {  	_ =	strace s3  }
0x95: {  	s3 =	sld [smem:$0x3FFD];
	_ =	sdelay $0x3  }
0x96: {  	_ =	strace s3  }
0x97: {  	_ =	strace $0x8FFFFFFF  }
0x98: {  	s19 =	sld [smem:$0x3FDB];
	_ =	sdelay $0x1  }
0x99: {  	s4 =	simm.s32 $_scs_section_size  }
0x9a: {  	s5 =	simm.s32 $_size__tile_overlayer_lowered;
	s6 =	simm.s32 $_tile_overlayer_lowered  }
0x9b: {  	s22 =	simm.s32 $0x1BFF;
	s21 =	sshll.u32 s6, $0x1;
	s3 =	sadd.s32 s4, s19  }
0x9c: {  	s7 =	simm.s32 $0x0;
	s20 =	sshll.u32 s5, $0x1;
	s5 =	sadd.s32 s21, s3  }
0x9d: {  	[timem:s7], [sflag:s22] =	dma.local [hbm:s5], s20  }
0x9e: {  	_ =	swait.ge [sflag:s22], s20  }
0x9f: {  	s4 =	ssub.s32 $0x0, s20;
	[sflag:s22] =	ssyncset.done $0x0  }
0xa0: {  	[sflag:s22] =	ssyncadd.s32 s4;
	_ =	sdelay $0x1  }
0xa1: {  	s23 =	simm.s32 $0x1B8B  }
0xa2: {  	_ =	swait.ge [sflag:s23], $0x1  }
0xa3: {  	[sflag:s23] =	ssyncset.done $0x0  }
0xa4: {  	s25 =	simm.s32 $0x1B8E;
	s24 =	sld [smem:$0x3FFE];
	[sflag:s23] =	ssyncadd.s32 $0xFFFFFFFF  }
0xa5: {  	s26 =	simm.s32 $execute0_lowered;
	[smem:$0x3FD2] =	sst s25  }
0xa6: {  	s5 =	sshll.u32 s26, $0x1;
	_ =	strace $0x80000046;
	[dreg:$0x1] =	wrdreg $0xFFFFFFFF  }
0xa7: {  	s28 =	simm.s32 $_size_execute0_lowered;
	s3 =	sadd.s32 s3, s5;
	[dreg:$0x0] =	wrdreg $0x0  }
0xa8: {  	s5 =	sshll.u32 s28, $0x1;
	[dreg:$0x2] =	wrdreg s3  }
0xa9: {  	[dreg:$0x3] =	wrdreg s5  }
0xaa: {  	[dreg:$0x4] =	wrdreg $0xC0  }
0xab: {  	_ =	task [dreg:s7], $0x5FFFF  }
0xac: {  	[dreg:$0x1] =	wrdreg $0xFFFFFFFF  }
0xad: {  	[dreg:$0x0] =	wrdreg $0x60  }
0xae: {  	[dreg:$0x2] =	wrdreg s24  }
0xaf: {  	[dreg:$0x3] =	wrdreg s2  }
0xb0: {  	[dreg:$0x4] =	wrdreg $0x64000  }
0xb1: {  	[dreg:$0x5] =	wrdreg $0x9  }
0xb2: {  	_ =	task.clear_ibuf [dreg:s7], $0x6FFFF;
	_ =	strace $0x90000046  }
0xb3: {  	s29 =	simm.s32 $0x9;
	_ =	strace $0x80000048  }
0xb4: {  	_ =	swait.ge [sflag:s29], $0x1  }
0xb5: {  	[sflag:s29] =	ssyncadd.s32 $0xFFFFFFFF  }
0xb6: {  	_ =	strace $0x90000048  }
0xb7: {  	_ =	sfence  }
0xb8: {  	s30 =	sld [smem:$0x0];
	_ =	sdelay $0x2  }
0xb9: {  	s31 =	sshll.u32 s1, $0xD;
	s1 =	sshrl.u32 s1, $0x2  }
0xba: {  	s3 =	sand.u32 $0x4000, s31;
	s1 =	sadd.s32 s1, s30  }
0xbb: {  	s0 =	sor.u32 s3, s0;
	s1 =	sshll.u32 s1, $0x11  }
0xbc: {  	s0 =	sor.u32 s1, s0  }
0xbd: {  	s0 =	sadd.s32 $0x8F2B, s0  }
0xbe: {  	[sflag:s0] =	ssyncadd.remote.s32 $0x1  }
0xbf: {  	_ =	sfence.sel $0xFFFF  }
0xc0: {  	[dreg:$0x0] =	wrdreg $0xFFFFFFFF;
	(pc) =	sbr.abs _section_cstart, $3  }
0xc1: {  	[dreg:$0x1] =	wrdreg $0xFFFFFFFF  }
0xc2: {  	_ =	task.clear_ibuf [dreg:s7], $0x2FFFF;
	_ =	strace $0x9FFFFFFF  }
0xc3: {  	(tm) =	ssettm $0x7FFFFFFF  }
tec
execute0_lowered:
.L_overlay_start_1:
0x0: {  	(tag) =	ssettag $0x1  }
0x1: {  	s0 =	srdreg.scid  }
0x2: {  	s3 =	stileid.u32;
	s4 =	rddreg [dreg:$0x0]  }
0x3: {  	s5 =	rddreg [dreg:$0x1];
	s28 =	simm.s32 $0x5;
	s7 =	smul.u32 $0xC800, s3  }
0x4: {  	s30 =	simm.s32 $0x6;
	s0 =	sand.u32 $0x1, s0;
	s17 =	smul.u32 $0x190000, s3  }
0x5: {  	s1 =	sshll.u32 s3, $0x1;
	s9 =	sadd.s32 $0x19C00, s4;
	s19 =	smul.u32 $0x32000, s3  }
0x6: {  	p0 =	sne.s32 s3, $0x0;
	s3 =	simm.s32 $0x7;
	s2 =	sor.u32 s0, s1  }
0x7: {  	s1 =	rddreg [dreg:$0x2];
	s6 =	smul.u32 $0xC80, s2;
	s2 =	simm.s32 $0x0  }
0x8: {  	s8 =	smul.u32 $0x6400, s0;
	s23 =	ssub.s32 $0x2, s0;
	[smem:$0x7FF] =	sst s2  }
0x9: {  	s26 =	sadd.s32 $0x1000, s1;
	_ =	strace $0x80000047;
	[dreg:$0xe] =	wrdreg s9  }
0xa: {  	s24 =	sshrl.u32 s23, $0x1;
	s29 =	sadd.s32 $0x700, s1;
	[dreg:$0x10] =	wrdreg s26  }
0xb: {  	s10 =	sadd.s32 $0x1700, s1;
	s12 =	sadd.s32 $0xE00, s1;
	[dreg:$0x11] =	wrdreg s29  }
0xc: {  	s14 =	sadd.s32 $0x500, s1;
	s20 =	sadd.s32 s19, s5;
	[dreg:$0x12] =	wrdreg s10  }
0xd: {  	s7 =	sadd.s32 s8, s7;
	s6 =	sadd.s32 s6, s4;
	[dreg:$0x13] =	wrdreg s12  }
0xe: {  	s7 =	sshll.u32 s7, $0x2;
	[dreg:$0x14] =	wrdreg s14;
	s26 =	sadd.s32 $0xC00, s1  }
0xf: {  	s6 =	sadd.s32 $0xC00, s6;
	s25 =	sadd.s32 s7, s5;
	[dreg:$0x16] =	wrdreg s26  }
0x10: {  	s8 =	ssub.s32 s23, s24;
	[dreg:$0xf] =	wrdreg s6;
	s31 =	sadd.s32 $0xE00, s25  }
0x11: {  	s4 =	sadd.s32 $0xF43000, s4;
	s11 =	sadd.s32 $0xC00, s25;
	[dreg:$0x4] =	wrdreg s31  }
0x12: {  	s10 =	smul.u32 $0xC8000, s0;
	s13 =	sadd.s32 $0xA00, s25;
	[dreg:$0x5] =	wrdreg s11  }
0x13: {  	s0 =	smul.u32 $0x19000, s0;
	s15 =	sadd.s32 $0x800, s25;
	[dreg:$0x6] =	wrdreg s13  }
0x14: {  	s14 =	simm.s32 $0x15;
	s16 =	sadd.s32 $0x600, s25;
	[dreg:$0x7] =	wrdreg s15  }
0x15: {  	s7 =	simm.s32 $0xA;
	s18 =	sadd.s32 $0x400, s25;
	[dreg:$0x8] =	wrdreg s16  }
0x16: {  	s6 =	sadd.s32 $0x200, s25;
	s9 =	sadd.s32 s10, s17;
	[dreg:$0x9] =	wrdreg s18  }
0x17: {  	s0 =	sadd.s32 s0, s20;
	s11 =	sadd.s32 $0x1500, s1;
	[dreg:$0xa] =	wrdreg s6  }
0x18: {  	s21 =	sadd.s32 $0x9000, s9;
	s23 =	sadd.s32 $0x8000, s9;
	[dreg:$0xb] =	wrdreg s0  }
0x19: {  	s31 =	smax.u32 s8, $0x1;
	[dreg:$0x15] =	wrdreg s11;
	s22 =	sshrl.u32 s21, $0x3  }
0x1a: {  	s25 =	sshrl.u32 s23, $0x3;
	[dreg:$0x17] =	wrdreg s31;
	s24 =	sadd.s32 s22, s5  }
0x1b: {  	s6 =	simm.s32 $0x9;
	s29 =	sadd.s32 s25, s5;
	[dreg:$0xc] =	wrdreg s24  }
0x1c: {  	s9 =	simm.s32 $0x0;
	s5 =	simm.s32 $0x8;
	[dreg:$0xd] =	wrdreg s29  }
.LBB2_1:
0x1d: {  	[dreg:$0x18] =	wrdreg s9  }
0x1e: {  	s0 =	rddreg [dreg:$0xf]  }
0x1f: {  	[tilespmem:s2], [sflag:$0x15] =	stream.linear.gather [hbm4b:s0+s2], $0x6400, $0x38;
	[tilespmem:$0x10720] =	vst v63  }
0x20: {  	_ =	swait.ge [sflag:s14], $0x6400  }
0x21: {  	s8 =	sshrl.u32 @!p0 s1, $0x3;
	[sflag:s14] =	ssyncset.done $0x0  }
0x22: {  	s9 =	simm.s32 @!p0 $0x1C15;
	s0 =	rddreg [dreg:$0xe];
	[sflag:s14] =	ssyncadd.s32 $0xFFFF9C00  }
0x23: {  	[spmem:s8], [sflag:s9] =	dma.local @!p0 [hbm:s0], $0x640  }
0x24: {  	s8 =	simm.s32 @!p0 $0x15  }
0x25: {  	_ =	swait.ge @!p0 [sflag:s8], $0x640  }
0x26: {  	[sflag:s8] =	ssyncset.done @!p0 $0x0  }
0x27: {  	[sflag:s8] =	ssyncadd.s32 @!p0 $0xFFFFF9C0  }
0x28: {  	s11 =	simm.s32 $0x6720;
	[bflag:$0x0] =	sbarrier.arrive $0xFFFF  }
0x29: {  	[tilespmem:s11], [sflag:$0x15] =	stream.linear.gather [spmem:s1], $0x1000, $0x38;
	[tilespmem:$0x10720] =	vst v63  }
0x2a: {  	_ =	swait.ge [sflag:s14], $0x1000  }
0x2b: {  	[sflag:s14] =	ssyncset.done $0x0  }
0x2c: {  	s12 =	simm.s32 $0x80;
	[sflag:s14] =	ssyncadd.s32 $0xFFFFF000  }
0x2d: {  	[tilespmem:s11], [sflag:$0x1] =	stream.indirect.gather.add.f32 [hbm:s4], $0x20, s2, s12, $0xb8;
	[tilespmem:$0x10720] =	vst v63  }
0x2e: {  	s13 =	simm.s32 $0x7720;
	s21 =	rddreg [dreg:$0x10]  }
0x2f: {  	[tilespmem:s13], [sflag:$0x15] =	stream.linear.gather [spmem:s21], $0x1000, $0x38;
	[tilespmem:$0x10720] =	vst v63  }
0x30: {  	_ =	swait.ge [sflag:s14], $0x1000  }
0x31: {  	[sflag:s14] =	ssyncset.done $0x0  }
0x32: {  	[sflag:s14] =	ssyncadd.s32 $0xFFFFF000  }
0x33: {  	[tilespmem:s13], [sflag:$0x2] =	stream.indirect.gather.add.f32 [hbm:s4], $0x20, s12, s12, $0xb8;
	[tilespmem:$0x10720] =	vst v63  }
0x34: {  	s15 =	simm.s32 $0x8720;
	s22 =	rddreg [dreg:$0x11]  }
0x35: {  	[tilespmem:s15], [sflag:$0x15] =	stream.linear.gather [spmem:s22], $0x1000, $0x38;
	[tilespmem:$0x10720] =	vst v63  }
0x36: {  	_ =	swait.ge [sflag:s14], $0x1000  }
0x37: {  	[sflag:s14] =	ssyncset.done $0x0  }
0x38: {  	s23 =	simm.s32 $0x100;
	[sflag:s14] =	ssyncadd.s32 $0xFFFFF000  }
0x39: {  	[tilespmem:s15], [sflag:$0x3] =	stream.indirect.gather.add.f32 [hbm:s4], $0x20, s23, s12, $0xb8;
	[tilespmem:$0x10720] =	vst v63  }
0x3a: {  	s16 =	simm.s32 $0x9720;
	s24 =	rddreg [dreg:$0x12]  }
0x3b: {  	[tilespmem:s16], [sflag:$0x15] =	stream.linear.gather [spmem:s24], $0x1000, $0x38;
	[tilespmem:$0x10720] =	vst v63  }
0x3c: {  	_ =	swait.ge [sflag:s14], $0x1000  }
0x3d: {  	[sflag:s14] =	ssyncset.done $0x0  }
0x3e: {  	s25 =	simm.s32 $0x180;
	[sflag:s14] =	ssyncadd.s32 $0xFFFFF000  }
0x3f: {  	[tilespmem:s16], [sflag:$0x4] =	stream.indirect.gather.add.f32 [hbm:s4], $0x20, s25, s12, $0xb8;
	[tilespmem:$0x10720] =	vst v63  }
0x40: {  	s17 =	simm.s32 $0xA720;
	s26 =	rddreg [dreg:$0x13]  }
0x41: {  	[tilespmem:s17], [sflag:$0x15] =	stream.linear.gather [spmem:s26], $0x1000, $0x38;
	[tilespmem:$0x10720] =	vst v63  }
0x42: {  	_ =	swait.ge [sflag:s14], $0x1000  }
0x43: {  	[sflag:s14] =	ssyncset.done $0x0  }
0x44: {  	s29 =	simm.s32 $0x200;
	[sflag:s14] =	ssyncadd.s32 $0xFFFFF000  }
0x45: {  	[tilespmem:s17], [sflag:$0x5] =	stream.indirect.gather.add.f32 [hbm:s4], $0x20, s29, s12, $0xb8;
	[tilespmem:$0x10720] =	vst v63  }
0x46: {  	s18 =	simm.s32 $0xB720;
	s31 =	rddreg [dreg:$0x14]  }
0x47: {  	[tilespmem:s18], [sflag:$0x15] =	stream.linear.gather [spmem:s31], $0x1000, $0x38;
	[tilespmem:$0x10720] =	vst v63  }
0x48: {  	_ =	swait.ge [sflag:s14], $0x1000  }
0x49: {  	[sflag:s14] =	ssyncset.done $0x0  }
0x4a: {  	s8 =	simm.s32 $0x280;
	[sflag:s14] =	ssyncadd.s32 $0xFFFFF000  }
0x4b: {  	[tilespmem:s18], [sflag:$0x6] =	stream.indirect.gather.add.f32 [hbm:s4], $0x20, s8, s12, $0xb8;
	[tilespmem:$0x10720] =	vst v63  }
0x4c: {  	s19 =	simm.s32 $0xC720;
	s22 =	simm.s32 $0x400;
	s9 =	rddreg [dreg:$0x15]  }
0x4d: {  	[tilespmem:s19], [sflag:$0x15] =	stream.linear.gather [spmem:s9], $0x1000, $0x38;
	[tilespmem:$0x10720] =	vst v63  }
0x4e: {  	s8 =	sand.u32 $0xFFF8, s22;
	_ =	swait.ge [sflag:s14], $0x1000  }
0x4f: {  	s8 =	sshrl.u32 s8, $0x3;
	[sflag:s14] =	ssyncset.done $0x0  }
0x50: {  	s10 =	simm.s32 $0x300;
	s8 =	smul.u32 $0x147B, s8;
	[sflag:s14] =	ssyncadd.s32 $0xFFFFF000  }
0x51: {  	[tilespmem:s19], [sflag:$0x7] =	stream.indirect.gather.add.f32 [hbm:s4], $0x20, s10, s12, $0xb8;
	[tilespmem:$0x10720] =	vst v63  }
0x52: {  	s21 =	simm.s32 $0xD720;
	s20 =	rddreg [dreg:$0x16];
	s8 =	sshrl.u32 s8, $0x11  }
0x53: {  	[tilespmem:s21], [sflag:$0x15] =	stream.linear.gather [spmem:s20], $0x1000, $0x38;
	[tilespmem:$0x10720] =	vst v63  }
0x54: {  	s8 =	smul.u32 $0xC8, s8;
	_ =	swait.ge [sflag:s14], $0x1000  }
0x55: {  	p2 =	por $0x1, $0x1;
	s23 =	simm.s32 $0x380;
	[sflag:s14] =	ssyncset.done $0x0  }
0x56: {  	s9 =	simm.s32 @!p2 $0x13;
	s8 =	ssub.s32 $0x400, s8;
	[sflag:s14] =	ssyncadd.s32 $0xFFFFF000  }
0x57: {  	[tilespmem:s21], [sflag:$0x8] =	stream.indirect.gather.add.f32 [hbm:s4], $0x20, s23, s12, $0xb8;
	[tilespmem:$0x10720] =	vst v63  }
0x58: {  	s24 =	simm.s32 $0xE720;
	s8 =	sshll.u32 s8, $0x5;
	_ =	swait.ge @!p2 [sflag:s9], $0x1000  }
0x59: {  	s10 =	simm.s32 $0x480;
	s8 =	sand.u32 $0x3FE0, s8;
	[sflag:s9] =	ssyncset.done @!p2 $0x0  }
0x5a: {  	s25 =	sand.u32 $0xFFF8, s10;
	s8 =	sadd.s32 s8, s1;
	[sflag:s9] =	ssyncadd.s32 @!p2 $0xFFFFF000  }
0x5b: {  	[tilespmem:s24], [sflag:$0x15] =	stream.linear.gather [spmem:s8], $0x1000, $0x38;
	[tilespmem:$0x10720] =	vst v63  }
0x5c: {  	s8 =	sshrl.u32 s25, $0x3  }
0x5d: {  	_ =	swait.ge [sflag:s14], $0x1000;
	s8 =	smul.u32 $0x147B, s8  }
0x5e: {  	[sflag:s14] =	ssyncset.done $0x0  }
0x5f: {  	s26 =	simm.s32 $0x400;
	[sflag:s14] =	ssyncadd.s32 $0xFFFFF000;
	s8 =	sshrl.u32 s8, $0x11  }
0x60: {  	[tilespmem:s24], [sflag:$0x9] =	stream.indirect.gather.add.f32 [hbm:s4], $0x20, s26, s12, $0xb8;
	[tilespmem:$0x10720] =	vst v63  }
0x61: {  	s29 =	simm.s32 $0x1;
	s8 =	smul.u32 $0xC8, s8  }
0x62: {  	p1 =	por $0x0, $0x0;
	s10 =	simm.s32 @!p2 $0x14;
	_ =	swait.ge [sflag:s29], $0x1000  }
0x63: {  	s31 =	rddreg [dreg:$0xb];
	s8 =	ssub.s32 $0x480, s8;
	[sflag:s29] =	ssyncset.done $0x0  }
0x64: {  	[sflag:s29] =	ssyncadd.s32 $0xFFFFF000;
	s9 =	sadd.s32 $0x0, s31;
	s8 =	sshll.u32 s8, $0x5  }
0x65: {  	[hbm4b:s9+s2] =	stream.linear.scatter [tilespmem:s11], [sflag:$0xB], $0x1000, $0x38;
	[tilespmem:$0x10720] =	vst v63  }
0x66: {  	s9 =	simm.s32 @!p1 $0x500;
	s8 =	sand.u32 $0x3FE0, s8;
	_ =	swait.ge @!p2 [sflag:s10], $0x1000  }
0x67: {  	s9 =	sand.u32 @!p1 $0xFFF8, s9;
	s8 =	sadd.s32 s8, s1;
	[sflag:s10] =	ssyncset.done @!p2 $0x0  }
0x68: {  	s9 =	sshrl.u32 @!p1 s9, $0x3;
	[sflag:s10] =	ssyncadd.s32 @!p2 $0xFFFFF000;
	s10 =	simm.s32 $0xF720  }
0x69: {  	[tilespmem:s10], [sflag:$0x15] =	stream.linear.gather [spmem:s8], $0x1000, $0x38;
	[tilespmem:$0x10720] =	vst v63  }
0x6a: {  	s8 =	smul.u32 @!p1 $0x147B, s9;
	_ =	swait.ge [sflag:s14], $0x1000  }
0x6b: {  	[sflag:s14] =	ssyncset.done $0x0  }
0x6c: {  	s11 =	simm.s32 $0x480;
	s8 =	sshrl.u32 @!p1 s8, $0x11;
	[sflag:s14] =	ssyncadd.s32 $0xFFFFF000  }
0x6d: {  	[tilespmem:s10], [sflag:$0xA] =	stream.indirect.gather.add.f32 [hbm:s4], $0x20, s11, s12, $0xb8;
	[tilespmem:$0x10720] =	vst v63  }
0x6e: {  	s8 =	smul.u32 @!p1 $0xC8, s8;
	s12 =	simm.s32 $0x2  }
0x6f: {  	s10 =	simm.s32 @!p1 $0xB;
	_ =	swait.ge [sflag:s12], $0x1000  }
0x70: {  	s8 =	ssub.s32 @!p1 $0x500, s8;
	s20 =	rddreg [dreg:$0xa];
	[sflag:s12] =	ssyncset.done $0x0  }
0x71: {  	s8 =	sshll.u32 @!p1 s8, $0x5;
	[sflag:s12] =	ssyncadd.s32 $0xFFFFF000;
	s9 =	sadd.s32 $0x0, s20  }
0x72: {  	[hbm4b:s9+s2] =	stream.linear.scatter [tilespmem:s13], [sflag:$0xC], $0x1000, $0x38;
	[tilespmem:$0x10720] =	vst v63  }
0x73: {  	s8 =	sand.u32 @!p1 $0x3FE0, s8;
	_ =	swait.ge @!p1 [sflag:s10], $0x1000  }
0x74: {  	s9 =	simm.s32 @!p1 $0x580;
	s8 =	sadd.s32 @!p1 s8, s1;
	[sflag:s10] =	ssyncset.done @!p1 $0x0  }
0x75: {  	s11 =	sand.u32 @!p1 $0xFFF8, s9;
	[sflag:s10] =	ssyncadd.s32 @!p1 $0xFFFFF000;
	s10 =	simm.s32 @!p1 $0x6720  }
0x76: {  	[tilespmem:s10], [sflag:$0x15] =	stream.linear.gather @!p1 [spmem:s8], $0x1000, $0x38;
	[tilespmem:$0x10720] =	vst v63  }
0x77: {  	s9 =	simm.s32 @!p1 $0x15;
	s8 =	sshrl.u32 @!p1 s11, $0x3  }
0x78: {  	_ =	swait.ge @!p1 [sflag:s9], $0x1000;
	s8 =	smul.u32 @!p1 $0x147B, s8  }
0x79: {  	s21 =	simm.s32 $0x3;
	s12 =	simm.s32 @!p1 $0x500;
	[sflag:s9] =	ssyncset.done @!p1 $0x0  }
0x7a: {  	s11 =	simm.s32 @!p1 $0x80;
	[sflag:s9] =	ssyncadd.s32 @!p1 $0xFFFFF000;
	s8 =	sshrl.u32 @!p1 s8, $0x11  }
0x7b: {  	[tilespmem:s10], [sflag:$0x1] =	stream.indirect.gather.add.f32 @!p1 [hbm:s4], $0x20, s12, s11, $0xb8;
	[tilespmem:$0x10720] =	vst v63  }
0x7c: {  	s8 =	smul.u32 @!p1 $0xC8, s8;
	_ =	swait.ge [sflag:s21], $0x1000  }
0x7d: {  	s12 =	simm.s32 @!p1 $0xC;
	s22 =	rddreg [dreg:$0x9];
	[sflag:s21] =	ssyncset.done $0x0  }
0x7e: {  	s8 =	ssub.s32 @!p1 $0x580, s8;
	[sflag:s21] =	ssyncadd.s32 $0xFFFFF000;
	s10 =	sadd.s32 $0x0, s22  }
0x7f: {  	[hbm4b:s10+s2] =	stream.linear.scatter [tilespmem:s15], [sflag:$0xD], $0x1000, $0x38;
	[tilespmem:$0x10720] =	vst v63  }
0x80: {  	s8 =	sshll.u32 @!p1 s8, $0x5;
	_ =	swait.ge @!p1 [sflag:s12], $0x1000  }
0x81: {  	s10 =	simm.s32 @!p1 $0x600;
	s8 =	sand.u32 @!p1 $0x3FE0, s8;
	[sflag:s12] =	ssyncset.done @!p1 $0x0  }
0x82: {  	s8 =	sadd.s32 @!p1 s8, s1;
	[sflag:s12] =	ssyncadd.s32 @!p1 $0xFFFFF000;
	s12 =	simm.s32 @!p1 $0x7720  }
0x83: {  	[tilespmem:s12], [sflag:$0x15] =	stream.linear.gather @!p1 [spmem:s8], $0x1000, $0x38;
	[tilespmem:$0x10720] =	vst v63  }
0x84: {  	s8 =	sand.u32 @!p1 $0xFFF8, s10;
	_ =	swait.ge @!p1 [sflag:s9], $0x1000  }
0x85: {  	s8 =	sshrl.u32 @!p1 s8, $0x3;
	[sflag:s9] =	ssyncset.done @!p1 $0x0  }
0x86: {  	s10 =	simm.s32 @!p1 $0x580;
	s8 =	smul.u32 @!p1 $0x147B, s8;
	[sflag:s9] =	ssyncadd.s32 @!p1 $0xFFFFF000  }
0x87: {  	[tilespmem:s12], [sflag:$0x2] =	stream.indirect.gather.add.f32 @!p1 [hbm:s4], $0x20, s10, s11, $0xb8;
	[tilespmem:$0x10720] =	vst v63  }
0x88: {  	s23 =	simm.s32 $0x4;
	s8 =	sshrl.u32 @!p1 s8, $0x11  }
0x89: {  	_ =	swait.ge [sflag:s23], $0x1000;
	s8 =	smul.u32 @!p1 $0xC8, s8  }
0x8a: {  	s12 =	simm.s32 @!p1 $0xD;
	s24 =	rddreg [dreg:$0x8];
	[sflag:s23] =	ssyncset.done $0x0  }
0x8b: {  	s8 =	ssub.s32 @!p1 $0x600, s8;
	[sflag:s23] =	ssyncadd.s32 $0xFFFFF000;
	s10 =	sadd.s32 $0x0, s24  }
0x8c: {  	[hbm4b:s10+s2] =	stream.linear.scatter [tilespmem:s16], [sflag:$0xE], $0x1000, $0x38;
	[tilespmem:$0x10720] =	vst v63  }
0x8d: {  	s8 =	sshll.u32 @!p1 s8, $0x5;
	_ =	swait.ge @!p1 [sflag:s12], $0x1000  }
0x8e: {  	s10 =	simm.s32 @!p1 $0x680;
	s8 =	sand.u32 @!p1 $0x3FE0, s8;
	[sflag:s12] =	ssyncset.done @!p1 $0x0  }
0x8f: {  	s8 =	sadd.s32 @!p1 s8, s1;
	[sflag:s12] =	ssyncadd.s32 @!p1 $0xFFFFF000;
	s12 =	simm.s32 @!p1 $0x8720  }
0x90: {  	[tilespmem:s12], [sflag:$0x15] =	stream.linear.gather @!p1 [spmem:s8], $0x1000, $0x38;
	[tilespmem:$0x10720] =	vst v63  }
0x91: {  	s8 =	sand.u32 @!p1 $0xFFF8, s10;
	_ =	swait.ge @!p1 [sflag:s9], $0x1000  }
0x92: {  	s8 =	sshrl.u32 @!p1 s8, $0x3;
	[sflag:s9] =	ssyncset.done @!p1 $0x0  }
0x93: {  	s10 =	simm.s32 @!p1 $0x600;
	s8 =	smul.u32 @!p1 $0x147B, s8;
	[sflag:s9] =	ssyncadd.s32 @!p1 $0xFFFFF000  }
0x94: {  	[tilespmem:s12], [sflag:$0x3] =	stream.indirect.gather.add.f32 @!p1 [hbm:s4], $0x20, s10, s11, $0xb8;
	[tilespmem:$0x10720] =	vst v63  }
0x95: {  	s20 =	simm.s32 @!p1 $0x10;
	s13 =	simm.s32 @!p1 $0x780;
	s8 =	sshrl.u32 @!p1 s8, $0x11  }
0x96: {  	s13 =	sand.u32 @!p1 $0xFFF8, s13;
	_ =	swait.ge [sflag:s28], $0x1000;
	s8 =	smul.u32 @!p1 $0xC8, s8  }
0x97: {  	s12 =	simm.s32 @!p1 $0xE;
	s25 =	rddreg [dreg:$0x7];
	[sflag:s28] =	ssyncset.done $0x0  }
0x98: {  	s8 =	ssub.s32 @!p1 $0x680, s8;
	[sflag:s28] =	ssyncadd.s32 $0xFFFFF000;
	s10 =	sadd.s32 $0x0, s25  }
0x99: {  	[hbm4b:s10+s2] =	stream.linear.scatter [tilespmem:s17], [sflag:$0xF], $0x1000, $0x38;
	[tilespmem:$0x10720] =	vst v63  }
0x9a: {  	s22 =	simm.s32 $0x900;
	s8 =	sshll.u32 @!p1 s8, $0x5;
	_ =	swait.ge @!p1 [sflag:s12], $0x1000  }
0x9b: {  	s10 =	simm.s32 @!p1 $0x700;
	s8 =	sand.u32 @!p1 $0x3FE0, s8;
	[sflag:s12] =	ssyncset.done @!p1 $0x0  }
0x9c: {  	s8 =	sadd.s32 @!p1 s8, s1;
	[sflag:s12] =	ssyncadd.s32 @!p1 $0xFFFFF000;
	s12 =	simm.s32 @!p1 $0x9720  }
0x9d: {  	[tilespmem:s12], [sflag:$0x15] =	stream.linear.gather @!p1 [spmem:s8], $0x1000, $0x38;
	[tilespmem:$0x10720] =	vst v63  }
0x9e: {  	s15 =	simm.s32 @!p1 $0xF;
	s8 =	sand.u32 @!p1 $0xFFF8, s10;
	_ =	swait.ge @!p1 [sflag:s9], $0x1000  }
0x9f: {  	s31 =	sand.u32 $0xFFF8, s22;
	s8 =	sshrl.u32 @!p1 s8, $0x3;
	[sflag:s9] =	ssyncset.done @!p1 $0x0  }
0xa0: {  	s10 =	simm.s32 @!p1 $0x680;
	s8 =	smul.u32 @!p1 $0x147B, s8;
	[sflag:s9] =	ssyncadd.s32 @!p1 $0xFFFFF000  }
0xa1: {  	[tilespmem:s12], [sflag:$0x4] =	stream.indirect.gather.add.f32 @!p1 [hbm:s4], $0x20, s10, s11, $0xb8;
	[tilespmem:$0x10720] =	vst v63  }
0xa2: {  	s17 =	simm.s32 @!p1 $0x800;
	s8 =	sshrl.u32 @!p1 s8, $0x11;
	s12 =	simm.s32 $0x880  }
0xa3: {  	_ =	swait.ge [sflag:s30], $0x1000;
	s8 =	smul.u32 @!p1 $0xC8, s8;
	s12 =	sand.u32 @!p1 $0xFFF8, s12  }
0xa4: {  	s26 =	rddreg [dreg:$0x6];
	[sflag:s30] =	ssyncset.done $0x0;
	s12 =	sshrl.u32 @!p1 s12, $0x3  }
0xa5: {  	s8 =	ssub.s32 @!p1 $0x700, s8;
	[sflag:s30] =	ssyncadd.s32 $0xFFFFF000;
	s10 =	sadd.s32 $0x0, s26  }
0xa6: {  	[hbm4b:s10+s2] =	stream.linear.scatter [tilespmem:s18], [sflag:$0x10], $0x1000, $0x38;
	[tilespmem:$0x10720] =	vst v63  }
0xa7: {  	s12 =	smul.u32 @!p1 $0x147B, s12;
	s10 =	sshrl.u32 @!p1 s13, $0x3;
	s8 =	sshll.u32 @!p1 s8, $0x5  }
0xa8: {  	s13 =	simm.s32 $0x1400;
	_ =	swait.ge @!p1 [sflag:s15], $0x1000;
	s10 =	smul.u32 @!p1 $0x147B, s10  }
0xa9: {  	s8 =	sand.u32 @!p1 $0x3FE0, s8;
	s12 =	sshrl.u32 @!p1 s12, $0x11;
	[sflag:s15] =	ssyncset.done @!p1 $0x0  }
0xaa: {  	s8 =	sadd.s32 @!p1 s8, s1;
	[sflag:s15] =	ssyncadd.s32 @!p1 $0xFFFFF000;
	s15 =	simm.s32 @!p1 $0xA720  }
0xab: {  	[tilespmem:s15], [sflag:$0x15] =	stream.linear.gather @!p1 [spmem:s8], $0x1000, $0x38;
	[tilespmem:$0x10720] =	vst v63  }
0xac: {  	s12 =	smul.u32 @!p1 $0xC8, s12;
	s10 =	sshrl.u32 @!p1 s10, $0x11;
	s8 =	simm.s32 @!p1 $0x800  }
0xad: {  	s16 =	smul.u32 @!p1 $0xC8, s10;
	s10 =	simm.s32 @!p1 $0x700;
	_ =	swait.ge @!p1 [sflag:s9], $0x1000  }
0xae: {  	s12 =	ssub.s32 @!p1 $0x880, s12;
	s8 =	sand.u32 @!p1 $0xFFF8, s8;
	[sflag:s9] =	ssyncset.done @!p1 $0x0  }
0xaf: {  	s12 =	sshll.u32 @!p1 s12, $0x5;
	s8 =	sshrl.u32 @!p1 s8, $0x3;
	[sflag:s9] =	ssyncadd.s32 @!p1 $0xFFFFF000  }
0xb0: {  	[tilespmem:s15], [sflag:$0x5] =	stream.indirect.gather.add.f32 @!p1 [hbm:s4], $0x20, s10, s11, $0xb8;
	[tilespmem:$0x10720] =	vst v63  }
0xb1: {  	s16 =	ssub.s32 @!p1 $0x780, s16;
	s8 =	smul.u32 @!p1 $0x147B, s8;
	_ =	swait.ge [sflag:s3], $0x1000  }
0xb2: {  	s16 =	sshll.u32 @!p1 s16, $0x5;
	s29 =	rddreg [dreg:$0x5];
	[sflag:s3] =	ssyncset.done $0x0  }
0xb3: {  	s8 =	sshrl.u32 @!p1 s8, $0x11;
	[sflag:s3] =	ssyncadd.s32 $0xFFFFF000;
	s18 =	sadd.s32 $0x0, s29  }
0xb4: {  	[hbm4b:s18+s2] =	stream.linear.scatter [tilespmem:s19], [sflag:$0x11], $0x1000, $0x38;
	[tilespmem:$0x10720] =	vst v63  }
0xb5: {  	s16 =	sand.u32 @!p1 $0x3FE0, s16;
	s8 =	smul.u32 @!p1 $0xC8, s8;
	_ =	swait.ge @!p1 [sflag:s20], $0x1000  }
0xb6: {  	s12 =	sand.u32 @!p1 $0x3FE0, s12;
	s16 =	sadd.s32 @!p1 s16, s1;
	[sflag:s20] =	ssyncset.done @!p1 $0x0  }
0xb7: {  	s18 =	simm.s32 @!p1 $0xB720;
	s8 =	ssub.s32 @!p1 $0x800, s8;
	[sflag:s20] =	ssyncadd.s32 @!p1 $0xFFFFF000  }
0xb8: {  	[tilespmem:s18], [sflag:$0x15] =	stream.linear.gather @!p1 [spmem:s16], $0x1000, $0x38;
	[tilespmem:$0x10720] =	vst v63  }
0xb9: {  	s10 =	simm.s32 $0x2800;
	s8 =	sshll.u32 @!p1 s8, $0x5;
	_ =	swait.ge @!p1 [sflag:s9], $0x1000  }
0xba: {  	s15 =	simm.s32 @!p1 $0x0;
	s8 =	sand.u32 @!p1 $0x3FE0, s8;
	[sflag:s9] =	ssyncset.done @!p1 $0x0  }
0xbb: {  	s20 =	simm.s32 @!p1 $0x11;
	s16 =	simm.s32 @!p1 $0x780;
	[sflag:s9] =	ssyncadd.s32 @!p1 $0xFFFFF000  }
0xbc: {  	[tilespmem:s18], [sflag:$0x6] =	stream.indirect.gather.add.f32 @!p1 [hbm:s4], $0x20, s16, s11, $0xb8;
	[tilespmem:$0x10720] =	vst v63  }
0xbd: {  	s24 =	sadd.s32 @!p1 s8, s1;
	s8 =	simm.s32 $0xD80;
	s16 =	sshrl.u32 s31, $0x3  }
0xbe: {  	s18 =	sadd.s32 @!p1 s12, s1;
	_ =	swait.ge [sflag:s5], $0x1000;
	s16 =	smul.u32 $0x147B, s16  }
0xbf: {  	s12 =	simm.s32 $0x0;
	s29 =	rddreg [dreg:$0x4];
	[sflag:s5] =	ssyncset.done $0x0  }
0xc0: {  	s26 =	sshrl.u32 s16, $0x11;
	[sflag:s5] =	ssyncadd.s32 $0xFFFFF000;
	s16 =	sadd.s32 $0x0, s29  }
.LBB2_2:
0xc1: {  	s0 =	simm.s32 $0xD720  }
0xc2: {  	[hbm4b:s16+s2] =	stream.linear.scatter [tilespmem:s0], [sflag:$0x12], $0x1000, $0x38;
	[tilespmem:$0x10720] =	vst v63  }
0xc3: {  	_ =	swait.ge @!p1 [sflag:s20], $0x1000  }
0xc4: {  	[sflag:s20] =	ssyncset.done @!p1 $0x0  }
0xc5: {  	[sflag:s20] =	ssyncadd.s32 @!p1 $0xFFFFF000;
	s20 =	simm.s32 @!p1 $0xC720  }
0xc6: {  	[tilespmem:s20], [sflag:$0x15] =	stream.linear.gather @!p1 [spmem:s24], $0x1000, $0x38;
	[tilespmem:$0x10720] =	vst v63  }
0xc7: {  	_ =	swait.ge @!p1 [sflag:s9], $0x1000  }
0xc8: {  	s21 =	sadd.s32 $0xFFFFFC00, s8;
	[sflag:s9] =	ssyncset.done @!p1 $0x0  }
0xc9: {  	s15 =	sadd.s32 @!p1 $0x880, s15;
	s29 =	simm.s32 @!p1 $0x12;
	[sflag:s9] =	ssyncadd.s32 @!p1 $0xFFFFF000  }
0xca: {  	[tilespmem:s20], [sflag:$0x7] =	stream.indirect.gather.add.f32 @!p1 [hbm:s4], $0x20, s17, s11, $0xb8;
	[tilespmem:$0x10720] =	vst v63  }
0xcb: {  	s25 =	simm.s32 $0xE720;
	s19 =	smul.u32 $0xC8, s26;
	_ =	swait.ge [sflag:s6], $0x1000  }
0xcc: {  	s23 =	sand.u32 $0xFFF8, s21;
	s20 =	rddreg [dreg:$0xd];
	[sflag:s6] =	ssyncset.done $0x0  }
0xcd: {  	s24 =	sshrl.u32 s23, $0x3;
	[sflag:s6] =	ssyncadd.s32 $0xFFFFF000;
	s17 =	sadd.s32 s12, s20  }
0xce: {  	[hbm4b:s17+s2] =	stream.linear.scatter [tilespmem:s25], [sflag:$0x13], $0x1000, $0x38;
	[tilespmem:$0x10720] =	vst v63  }
0xcf: {  	p3 =	seq.s32 s13, $0x0;
	s31 =	smul.u32 $0x147B, s24;
	_ =	swait.ge @!p1 [sflag:s29], $0x1000  }
0xd0: {  	s0 =	smov.u32 s10;
	s26 =	simm.s32 @!p3 $0x14;
	[sflag:s29] =	ssyncset.done @!p1 $0x0  }
0xd1: {  	s24 =	simm.s32 @!p1 $0xD720;
	s17 =	sshrl.u32 s31, $0x11;
	[sflag:s29] =	ssyncadd.s32 @!p1 $0xFFFFF000  }
0xd2: {  	[tilespmem:s24], [sflag:$0x15] =	stream.linear.gather @!p1 [spmem:s18], $0x1000, $0x38;
	[tilespmem:$0x10720] =	vst v63  }
0xd3: {  	s20 =	ssub.s32 s22, s19;
	s17 =	smul.u32 $0xC8, s17;
	_ =	swait.ge @!p1 [sflag:s9], $0x1000  }
0xd4: {  	s19 =	simm.s32 $0x80;
	s31 =	simm.s32 $0x6720;
	[sflag:s9] =	ssyncset.done @!p1 $0x0  }
0xd5: {  	s17 =	ssub.s32 s21, s17;
	s21 =	simm.s32 $0xF720;
	[sflag:s9] =	ssyncadd.s32 @!p1 $0xFFFFF000  }
0xd6: {  	[tilespmem:s24], [sflag:$0x8] =	stream.indirect.gather.add.f32 @!p1 [hbm:s4], $0x20, s15, s11, $0xb8;
	[tilespmem:$0x10720] =	vst v63  }
0xd7: {  	s18 =	simm.s32 @!p3 $0x13;
	s15 =	sshll.u32 s17, $0x5;
	_ =	swait.ge [sflag:s7], $0x1000  }
0xd8: {  	s9 =	sand.u32 $0x3FE0, s15;
	[sflag:s7] =	ssyncset.done $0x0;
	s17 =	rddreg [dreg:$0xc]  }
0xd9: {  	[sflag:s7] =	ssyncadd.s32 $0xFFFFF000;
	s11 =	sadd.s32 s12, s17;
	s12 =	smov.u32 s13  }
0xda: {  	[hbm4b:s11+s2] =	stream.linear.scatter [tilespmem:s21], [sflag:$0x14], $0x1000, $0x38;
	[tilespmem:$0x10720] =	vst v63  }
0xdb: {  	s9 =	sadd.s32 s9, s1;
	s13 =	smov.u32 s0;
	s22 =	sshra.s32 s12, $0x2  }
0xdc: {  	s11 =	sshll.u32 s20, $0x5;
	p1 =	seq.s32 s12, $0x17C00;
	_ =	swait.ge @!p3 [sflag:s18], $0x1000  }
0xdd: {  	s11 =	sand.u32 $0x3FE0, s11;
	s16 =	sadd.s32 @!p1 $0xFFFFFE00, s8;
	s15 =	sadd.s32 @!p1 $0xFFFFFC80, s8  }
0xde: {  	[sflag:s18] =	ssyncset.done @!p3 $0x0;
	s11 =	sadd.s32 s11, s1;
	s20 =	sand.u32 @!p1 $0xFFF8, s16  }
0xdf: {  	[sflag:s18] =	ssyncadd.s32 @!p3 $0xFFFFF000;
	s18 =	sand.u32 @!p1 $0xFFF8, s15;
	s20 =	sshrl.u32 @!p1 s20, $0x3  }
0xe0: {  	[tilespmem:s25], [sflag:$0x15] =	stream.linear.gather [spmem:s11], $0x1000, $0x38;
	[tilespmem:$0x10720] =	vst v63  }
0xe1: {  	s23 =	sadd.s32 $0x480, s22;
	s18 =	sshrl.u32 @!p1 s18, $0x3;
	s20 =	smul.u32 @!p1 $0x147B, s20  }
0xe2: {  	s24 =	sadd.s32 $0x400, s22;
	_ =	swait.ge [sflag:s14], $0x1000;
	s18 =	smul.u32 @!p1 $0x147B, s18  }
0xe3: {  	s11 =	sadd.s32 @!p1 $0xFFFFFD00, s8;
	[sflag:s14] =	ssyncset.done $0x0;
	s20 =	sshrl.u32 @!p1 s20, $0x11  }
0xe4: {  	[sflag:s14] =	ssyncadd.s32 $0xFFFFF000;
	s18 =	sshrl.u32 @!p1 s18, $0x11;
	s20 =	smul.u32 @!p1 $0xC8, s20  }
0xe5: {  	[tilespmem:s25], [sflag:$0x9] =	stream.indirect.gather.add.f32 [hbm:s4], $0x20, s24, s19, $0xb8;
	[tilespmem:$0x10720] =	vst v63  }
0xe6: {  	s25 =	simm.s32 $0x1;
	s24 =	sand.u32 @!p1 $0xFFF8, s11;
	s18 =	smul.u32 @!p1 $0xC8, s18  }
0xe7: {  	_ =	swait.ge [sflag:s25], $0x1000;
	s24 =	sshrl.u32 @!p1 s24, $0x3;
	s16 =	ssub.s32 @!p1 s16, s20  }
0xe8: {  	s29 =	rddreg [dreg:$0xb];
	[sflag:s25] =	ssyncset.done $0x0;
	s15 =	ssub.s32 @!p1 s15, s18  }
0xe9: {  	s20 =	smul.u32 @!p1 $0x147B, s24;
	[sflag:s25] =	ssyncadd.s32 $0xFFFFF000;
	s22 =	sadd.s32 s12, s29  }
0xea: {  	[hbm4b:s22+s2] =	stream.linear.scatter [tilespmem:s31], [sflag:$0xB], $0x1000, $0x38;
	[tilespmem:$0x10720] =	vst v63  }
0xeb: {  	s16 =	sshll.u32 @!p1 s16, $0x5;
	s15 =	sshll.u32 @!p1 s15, $0x5;
	_ =	swait.ge @!p3 [sflag:s26], $0x1000  }
0xec: {  	s25 =	simm.s32 $0x7720;
	s15 =	sand.u32 @!p1 $0x3FE0, s15;
	[sflag:s26] =	ssyncset.done @!p3 $0x0  }
0xed: {  	s20 =	sshrl.u32 @!p1 s20, $0x11;
	[sflag:s26] =	ssyncadd.s32 @!p3 $0xFFFFF000;
	s26 =	sadd.s32 @!p1 $0xFFFFFD80, s8  }
0xee: {  	[tilespmem:s21], [sflag:$0x15] =	stream.linear.gather [spmem:s9], $0x1000, $0x38;
	[tilespmem:$0x10720] =	vst v63  }
0xef: {  	s29 =	sadd.s32 @!p1 s15, s1;
	s9 =	sand.u32 @!p1 $0xFFF8, s26;
	_ =	swait.ge [sflag:s14], $0x1000  }
0xf0: {  	s31 =	smul.u32 @!p1 $0xC8, s20;
	s9 =	sshrl.u32 @!p1 s9, $0x3;
	[sflag:s14] =	ssyncset.done $0x0  }
0xf1: {  	s15 =	sshra.s32 @!p1 s12, $0x2;
	s9 =	smul.u32 @!p1 $0x147B, s9;
	[sflag:s14] =	ssyncadd.s32 $0xFFFFF000  }
0xf2: {  	[tilespmem:s21], [sflag:$0xA] =	stream.indirect.gather.add.f32 [hbm:s4], $0x20, s23, s19, $0xb8;
	[tilespmem:$0x10720] =	vst v63  }
0xf3: {  	s20 =	sadd.s32 @!p1 $0xFFFFFE80, s8;
	s17 =	sadd.s32 @!p1 $0x500, s15;
	s21 =	simm.s32 $0x2  }
0xf4: {  	s0 =	sand.u32 @!p1 $0xFFF8, s20;
	s9 =	sshrl.u32 @!p1 s9, $0x11;
	_ =	swait.ge [sflag:s21], $0x1000  }
0xf5: {  	s19 =	simm.s32 @!p1 $0xB;
	s23 =	rddreg [dreg:$0xa];
	[sflag:s21] =	ssyncset.done $0x0  }
0xf6: {  	s9 =	smul.u32 @!p1 $0xC8, s9;
	[sflag:s21] =	ssyncadd.s32 $0xFFFFF000;
	s24 =	sadd.s32 s12, s23  }
0xf7: {  	[hbm4b:s24+s2] =	stream.linear.scatter [tilespmem:s25], [sflag:$0xC], $0x1000, $0x38;
	[tilespmem:$0x10720] =	vst v63  }
0xf8: {  	s11 =	ssub.s32 @!p1 s11, s31;
	s9 =	ssub.s32 @!p1 s26, s9;
	_ =	swait.ge @!p1 [sflag:s19], $0x1000  }
0xf9: {  	s31 =	sadd.s32 @!p1 $0xFFFFFF00, s8;
	s24 =	sshll.u32 @!p1 s9, $0x5;
	[sflag:s19] =	ssyncset.done @!p1 $0x0  }
0xfa: {  	s9 =	simm.s32 @!p1 $0x15;
	[sflag:s19] =	ssyncadd.s32 @!p1 $0xFFFFF000;
	s19 =	simm.s32 @!p1 $0x6720  }
0xfb: {  	[tilespmem:s19], [sflag:$0x15] =	stream.linear.gather @!p1 [spmem:s29], $0x1000, $0x38;
	[tilespmem:$0x10720] =	vst v63  }
0xfc: {  	s0 =	sshrl.u32 @!p1 s0, $0x3;
	s11 =	sshll.u32 @!p1 s11, $0x5;
	_ =	swait.ge @!p1 [sflag:s9], $0x1000  }
0xfd: {  	s0 =	smul.u32 @!p1 $0x147B, s0;
	s11 =	sand.u32 @!p1 $0x3FE0, s11;
	[sflag:s9] =	ssyncset.done @!p1 $0x0  }
0xfe: {  	s26 =	sadd.s32 @!p1 s11, s1;
	s11 =	simm.s32 @!p1 $0x80;
	[sflag:s9] =	ssyncadd.s32 @!p1 $0xFFFFF000  }
0xff: {  	[tilespmem:s19], [sflag:$0x1] =	stream.indirect.gather.add.f32 @!p1 [hbm:s4], $0x20, s17, s11, $0xb8;
	[tilespmem:$0x10720] =	vst v63  }
0x100: {  	s0 =	sshrl.u32 @!p1 s0, $0x11;
	s25 =	simm.s32 $0x3;
	s17 =	sand.u32 @!p1 $0xFFF8, s31  }
0x101: {  	s29 =	sand.u32 @!p1 $0x3FE0, s16;
	_ =	swait.ge [sflag:s25], $0x1000;
	s16 =	sshrl.u32 @!p1 s17, $0x3  }
0x102: {  	s19 =	rddreg [dreg:$0x9];
	[sflag:s25] =	ssyncset.done $0x0;
	s16 =	smul.u32 @!p1 $0x147B, s16  }
0x103: {  	[sflag:s25] =	ssyncadd.s32 $0xFFFFF000;
	s19 =	sadd.s32 s12, s19;
	s25 =	simm.s32 $0x8720  }
0x104: {  	[hbm4b:s19+s2] =	stream.linear.scatter [tilespmem:s25], [sflag:$0xD], $0x1000, $0x38;
	[tilespmem:$0x10720] =	vst v63  }
0x105: {  	s0 =	smul.u32 @!p1 $0xC8, s0;
	s23 =	simm.s32 @!p1 $0xC;
	s16 =	sshrl.u32 @!p1 s16, $0x11  }
0x106: {  	s21 =	sadd.s32 @!p1 $0xFFFFFF80, s8;
	_ =	swait.ge @!p1 [sflag:s23], $0x1000;
	s16 =	smul.u32 @!p1 $0xC8, s16  }
0x107: {  	s0 =	ssub.s32 @!p1 s20, s0;
	s19 =	sand.u32 @!p1 $0xFFF8, s21;
	[sflag:s23] =	ssyncset.done @!p1 $0x0  }
0x108: {  	[sflag:s23] =	ssyncadd.s32 @!p1 $0xFFFFF000;
	s23 =	simm.s32 @!p1 $0x7720;
	s20 =	ssub.s32 @!p1 s31, s16  }
0x109: {  	[tilespmem:s23], [sflag:$0x15] =	stream.linear.gather @!p1 [spmem:s26], $0x1000, $0x38;
	[tilespmem:$0x10720] =	vst v63  }
0x10a: {  	s16 =	sshll.u32 @!p1 s0, $0x5;
	s0 =	sshll.u32 @!p1 s20, $0x5;
	_ =	swait.ge @!p1 [sflag:s9], $0x1000  }
0x10b: {  	s26 =	sand.u32 @!p1 $0x3FE0, s0;
	s0 =	sshrl.u32 @!p1 s19, $0x3;
	[sflag:s9] =	ssyncset.done @!p1 $0x0  }
0x10c: {  	s18 =	sadd.s32 @!p1 $0x580, s15;
	s0 =	smul.u32 @!p1 $0x147B, s0;
	[sflag:s9] =	ssyncadd.s32 @!p1 $0xFFFFF000  }
0x10d: {  	[tilespmem:s23], [sflag:$0x2] =	stream.indirect.gather.add.f32 @!p1 [hbm:s4], $0x20, s18, s11, $0xb8;
	[tilespmem:$0x10720] =	vst v63  }
0x10e: {  	s24 =	sand.u32 @!p1 $0x3FE0, s24;
	s25 =	simm.s32 $0x9720;
	s18 =	simm.s32 $0x4  }
0x10f: {  	s19 =	sand.u32 @!p1 $0xFFF8, s8;
	s0 =	sshrl.u32 @!p1 s0, $0x11;
	_ =	swait.ge [sflag:s18], $0x1000  }
0x110: {  	s0 =	smul.u32 @!p1 $0xC8, s0;
	s31 =	rddreg [dreg:$0x8];
	[sflag:s18] =	ssyncset.done $0x0  }
0x111: {  	[sflag:s18] =	ssyncadd.s32 $0xFFFFF000;
	s18 =	sadd.s32 s12, s31;
	s31 =	simm.s32 @!p1 $0xD  }
0x112: {  	[hbm4b:s18+s2] =	stream.linear.scatter [tilespmem:s25], [sflag:$0xE], $0x1000, $0x38;
	[tilespmem:$0x10720] =	vst v63  }
0x113: {  	s24 =	sadd.s32 @!p1 s24, s1;
	s19 =	sshrl.u32 @!p1 s19, $0x3;
	_ =	swait.ge @!p1 [sflag:s31], $0x1000  }
0x114: {  	s0 =	ssub.s32 @!p1 s21, s0;
	s18 =	smul.u32 @!p1 $0x147B, s19;
	[sflag:s31] =	ssyncset.done @!p1 $0x0  }
0x115: {  	s0 =	sshll.u32 @!p1 s0, $0x5;
	s19 =	simm.s32 @!p1 $0x8720;
	[sflag:s31] =	ssyncadd.s32 @!p1 $0xFFFFF000  }
0x116: {  	[tilespmem:s19], [sflag:$0x15] =	stream.linear.gather @!p1 [spmem:s24], $0x1000, $0x38;
	[tilespmem:$0x10720] =	vst v63  }
0x117: {  	s0 =	sand.u32 @!p1 $0x3FE0, s0;
	_ =	swait.ge @!p1 [sflag:s9], $0x1000  }
0x118: {  	s24 =	sadd.s32 @!p1 s0, s1;
	s0 =	sshrl.u32 @!p1 s18, $0x11;
	[sflag:s9] =	ssyncset.done @!p1 $0x0  }
0x119: {  	s23 =	sadd.s32 @!p1 $0x600, s15;
	s0 =	smul.u32 @!p1 $0xC8, s0;
	[sflag:s9] =	ssyncadd.s32 @!p1 $0xFFFFF000  }
0x11a: {  	[tilespmem:s19], [sflag:$0x3] =	stream.indirect.gather.add.f32 @!p1 [hbm:s4], $0x20, s23, s11, $0xb8;
	[tilespmem:$0x10720] =	vst v63  }
0x11b: {  	s25 =	simm.s32 $0xA720;
	s0 =	ssub.s32 @!p1 s8, s0;
	_ =	swait.ge [sflag:s28], $0x1000  }
0x11c: {  	s0 =	sshll.u32 @!p1 s0, $0x5;
	s21 =	rddreg [dreg:$0x7];
	[sflag:s28] =	ssyncset.done $0x0  }
0x11d: {  	s19 =	simm.s32 @!p1 $0xE;
	[sflag:s28] =	ssyncadd.s32 $0xFFFFF000;
	s23 =	sadd.s32 s12, s21  }
0x11e: {  	[hbm4b:s23+s2] =	stream.linear.scatter [tilespmem:s25], [sflag:$0xF], $0x1000, $0x38;
	[tilespmem:$0x10720] =	vst v63  }
0x11f: {  	s0 =	sand.u32 @!p1 $0x3FE0, s0;
	_ =	swait.ge @!p1 [sflag:s19], $0x1000  }
0x120: {  	s18 =	sadd.s32 @!p1 s0, s1;
	[sflag:s19] =	ssyncset.done @!p1 $0x0  }
0x121: {  	s0 =	sadd.s32 @!p1 s29, s1;
	[sflag:s19] =	ssyncadd.s32 @!p1 $0xFFFFF000;
	s19 =	simm.s32 @!p1 $0x9720  }
0x122: {  	[tilespmem:s19], [sflag:$0x15] =	stream.linear.gather @!p1 [spmem:s0], $0x1000, $0x38;
	[tilespmem:$0x10720] =	vst v63  }
0x123: {  	_ =	swait.ge @!p1 [sflag:s9], $0x1000  }
0x124: {  	[sflag:s9] =	ssyncset.done @!p1 $0x0  }
0x125: {  	s22 =	sadd.s32 @!p1 $0x680, s15;
	[sflag:s9] =	ssyncadd.s32 @!p1 $0xFFFFF000  }
0x126: {  	[tilespmem:s19], [sflag:$0x4] =	stream.indirect.gather.add.f32 @!p1 [hbm:s4], $0x20, s22, s11, $0xb8;
	[tilespmem:$0x10720] =	vst v63  }
0x127: {  	s31 =	simm.s32 $0xB720;
	_ =	swait.ge [sflag:s30], $0x1000  }
0x128: {  	s21 =	simm.s32 @!p1 $0xF;
	s29 =	rddreg [dreg:$0x6];
	[sflag:s30] =	ssyncset.done $0x0  }
0x129: {  	s0 =	sand.u32 @!p1 $0x3FE0, s16;
	[sflag:s30] =	ssyncadd.s32 $0xFFFFF000;
	s16 =	sadd.s32 s12, s29  }
0x12a: {  	[hbm4b:s16+s2] =	stream.linear.scatter [tilespmem:s31], [sflag:$0x10], $0x1000, $0x38;
	[tilespmem:$0x10720] =	vst v63  }
0x12b: {  	_ =	swait.ge @!p1 [sflag:s21], $0x1000  }
0x12c: {  	[sflag:s21] =	ssyncset.done @!p1 $0x0  }
0x12d: {  	s0 =	sadd.s32 @!p1 s0, s1;
	s16 =	simm.s32 @!p1 $0xA720;
	[sflag:s21] =	ssyncadd.s32 @!p1 $0xFFFFF000  }
0x12e: {  	[tilespmem:s16], [sflag:$0x15] =	stream.linear.gather @!p1 [spmem:s0], $0x1000, $0x38;
	[tilespmem:$0x10720] =	vst v63  }
0x12f: {  	_ =	swait.ge @!p1 [sflag:s9], $0x1000  }
0x130: {  	[sflag:s9] =	ssyncset.done @!p1 $0x0  }
0x131: {  	s19 =	sadd.s32 @!p1 $0x700, s15;
	[sflag:s9] =	ssyncadd.s32 @!p1 $0xFFFFF000  }
0x132: {  	[tilespmem:s16], [sflag:$0x5] =	stream.indirect.gather.add.f32 @!p1 [hbm:s4], $0x20, s19, s11, $0xb8;
	[tilespmem:$0x10720] =	vst v63  }
0x133: {  	_ =	swait.ge [sflag:s3], $0x1000  }
0x134: {  	s25 =	simm.s32 $0xC720;
	s23 =	rddreg [dreg:$0x5];
	[sflag:s3] =	ssyncset.done $0x0  }
0x135: {  	s19 =	simm.s32 @!p1 $0x10;
	[sflag:s3] =	ssyncadd.s32 $0xFFFFF000;
	s0 =	sadd.s32 s12, s23  }
0x136: {  	[hbm4b:s0+s2] =	stream.linear.scatter [tilespmem:s25], [sflag:$0x11], $0x1000, $0x38;
	[tilespmem:$0x10720] =	vst v63  }
0x137: {  	_ =	swait.ge @!p1 [sflag:s19], $0x1000  }
0x138: {  	s10 =	sadd.s32 $0x1400, s10;
	s8 =	sadd.s32 $0x500, s8;
	[sflag:s19] =	ssyncset.done @!p1 $0x0  }
0x139: {  	s0 =	sadd.s32 @!p1 s26, s1;
	[sflag:s19] =	ssyncadd.s32 @!p1 $0xFFFFF000;
	s19 =	simm.s32 @!p1 $0xB720  }
0x13a: {  	[tilespmem:s19], [sflag:$0x15] =	stream.linear.gather @!p1 [spmem:s0], $0x1000, $0x38;
	[tilespmem:$0x10720] =	vst v63  }
0x13b: {  	p2 =	sne.s32 s10, $0x19000;
	s22 =	sadd.s32 $0xFFFFFB80, s8;
	_ =	swait.ge @!p1 [sflag:s9], $0x1000  }
0x13c: {  	s29 =	sand.u32 $0xFFF8, s22;
	s16 =	sadd.s32 @!p1 $0x780, s15;
	[sflag:s9] =	ssyncset.done @!p1 $0x0  }
.Ltmp0:
0x13d: {  	s0 =	sshrl.u32 s29, $0x3;
	[sflag:s9] =	ssyncadd.s32 @!p1 $0xFFFFF000;
	(pc) =	sbr.rel @p2 .LBB2_2-.Ltmp0, $4  }
0x13e: {  	[tilespmem:s19], [sflag:$0x6] =	stream.indirect.gather.add.f32 @!p1 [hbm:s4], $0x20, s16, s11, $0xb8;
	[tilespmem:$0x10720] =	vst v63  }
0x13f: {  	s17 =	sadd.s32 @!p1 $0x800, s15;
	s0 =	smul.u32 $0x147B, s0;
	_ =	swait.ge [sflag:s5], $0x1000  }
0x140: {  	s20 =	simm.s32 @!p1 $0x11;
	s31 =	rddreg [dreg:$0x4];
	[sflag:s5] =	ssyncset.done $0x0  }
0x141: {  	s26 =	sshrl.u32 s0, $0x11;
	[sflag:s5] =	ssyncadd.s32 $0xFFFFF000;
	s16 =	sadd.s32 s12, s31  }
0x142: {  	s19 =	simm.s32 $0xD720  }
0x143: {  	[hbm4b:s16+s2] =	stream.linear.scatter [tilespmem:s19], [sflag:$0x12], $0x1000, $0x38;
	[tilespmem:$0x10720] =	vst v63  }
0x144: {  	_ =	swait.ge @!p1 [sflag:s20], $0x1000  }
0x145: {  	[sflag:s20] =	ssyncset.done @!p1 $0x0  }
0x146: {  	s0 =	simm.s32 @!p1 $0xC720;
	[sflag:s20] =	ssyncadd.s32 @!p1 $0xFFFFF000  }
0x147: {  	[tilespmem:s0], [sflag:$0x15] =	stream.linear.gather @!p1 [spmem:s24], $0x1000, $0x38;
	[tilespmem:$0x10720] =	vst v63  }
0x148: {  	_ =	swait.ge @!p1 [sflag:s9], $0x1000  }
0x149: {  	[sflag:s9] =	ssyncset.done @!p1 $0x0  }
0x14a: {  	[sflag:s9] =	ssyncadd.s32 @!p1 $0xFFFFF000  }
0x14b: {  	[tilespmem:s0], [sflag:$0x7] =	stream.indirect.gather.add.f32 @!p1 [hbm:s4], $0x20, s17, s11, $0xb8;
	[tilespmem:$0x10720] =	vst v63  }
0x14c: {  	_ =	swait.ge [sflag:s6], $0x1000  }
0x14d: {  	s17 =	rddreg [dreg:$0xd];
	[sflag:s6] =	ssyncset.done $0x0  }
0x14e: {  	[sflag:s6] =	ssyncadd.s32 $0xFFFFF000;
	s0 =	sadd.s32 s12, s17;
	s17 =	simm.s32 $0xE720  }
0x14f: {  	[hbm4b:s0+s2] =	stream.linear.scatter [tilespmem:s17], [sflag:$0x13], $0x1000, $0x38;
	[tilespmem:$0x10720] =	vst v63  }
0x150: {  	s0 =	simm.s32 @!p1 $0x12  }
0x151: {  	_ =	swait.ge @!p1 [sflag:s0], $0x1000  }
0x152: {  	[sflag:s0] =	ssyncset.done @!p1 $0x0  }
0x153: {  	[sflag:s0] =	ssyncadd.s32 @!p1 $0xFFFFF000;
	s0 =	simm.s32 @!p1 $0xD720  }
0x154: {  	[tilespmem:s0], [sflag:$0x15] =	stream.linear.gather @!p1 [spmem:s18], $0x1000, $0x38;
	[tilespmem:$0x10720] =	vst v63  }
0x155: {  	_ =	swait.ge @!p1 [sflag:s9], $0x1000  }
0x156: {  	[sflag:s9] =	ssyncset.done @!p1 $0x0  }
0x157: {  	s10 =	sadd.s32 @!p1 $0x880, s15;
	[sflag:s9] =	ssyncadd.s32 @!p1 $0xFFFFF000  }
0x158: {  	[tilespmem:s0], [sflag:$0x8] =	stream.indirect.gather.add.f32 @!p1 [hbm:s4], $0x20, s10, s11, $0xb8;
	[tilespmem:$0x10720] =	vst v63  }
0x159: {  	p2 =	seq.s32 s13, $0x0;
	_ =	swait.ge [sflag:s7], $0x1000  }
0x15a: {  	s20 =	smul.u32 $0xC8, s26;
	s18 =	rddreg [dreg:$0xc];
	[sflag:s7] =	ssyncset.done $0x0  }
0x15b: {  	[sflag:s7] =	ssyncadd.s32 $0xFFFFF000;
	s0 =	sadd.s32 s12, s18;
	s18 =	simm.s32 $0xF720  }
0x15c: {  	[hbm4b:s0+s2] =	stream.linear.scatter [tilespmem:s18], [sflag:$0x14], $0x1000, $0x38;
	[tilespmem:$0x10720] =	vst v63  }
0x15d: {  	s21 =	sadd.s32 $0xFFFFFC00, s8;
	s9 =	ssub.s32 s22, s20;
	s0 =	simm.s32 @!p2 $0x13  }
0x15e: {  	s29 =	simm.s32 $0x1;
	s9 =	sshll.u32 s9, $0x5;
	_ =	swait.ge @!p2 [sflag:s0], $0x1000  }
0x15f: {  	s23 =	sand.u32 $0xFFF8, s21;
	s9 =	sand.u32 $0x3FE0, s9;
	[sflag:s0] =	ssyncset.done @!p2 $0x0  }
0x160: {  	s22 =	sadd.s32 s9, s1;
	[sflag:s0] =	ssyncadd.s32 @!p2 $0xFFFFF000;
	s0 =	sshrl.u32 s23, $0x3  }
0x161: {  	[tilespmem:s17], [sflag:$0x15] =	stream.linear.gather [spmem:s22], $0x1000, $0x38;
	[tilespmem:$0x10720] =	vst v63  }
0x162: {  	s16 =	simm.s32 $0x6720;
	s0 =	smul.u32 $0x147B, s0;
	_ =	swait.ge [sflag:s14], $0x1000  }
0x163: {  	s26 =	simm.s32 $0x80;
	s24 =	sshra.s32 s13, $0x2;
	[sflag:s14] =	ssyncset.done $0x0  }
0x164: {  	s25 =	sadd.s32 $0x400, s24;
	s0 =	sshrl.u32 s0, $0x11;
	[sflag:s14] =	ssyncadd.s32 $0xFFFFF000  }
0x165: {  	[tilespmem:s17], [sflag:$0x9] =	stream.indirect.gather.add.f32 [hbm:s4], $0x20, s25, s26, $0xb8;
	[tilespmem:$0x10720] =	vst v63  }
0x166: {  	p1 =	seq.s32 s13, $0x17C00;
	s0 =	smul.u32 $0xC8, s0;
	_ =	swait.ge [sflag:s29], $0x1000  }
0x167: {  	s10 =	simm.s32 @!p2 $0x14;
	s31 =	rddreg [dreg:$0xb];
	[sflag:s29] =	ssyncset.done $0x0  }
0x168: {  	s0 =	ssub.s32 s21, s0;
	[sflag:s29] =	ssyncadd.s32 $0xFFFFF000;
	s11 =	sadd.s32 s13, s31  }
0x169: {  	[hbm4b:s11+s2] =	stream.linear.scatter [tilespmem:s16], [sflag:$0xB], $0x1000, $0x38;
	[tilespmem:$0x10720] =	vst v63  }
0x16a: {  	s0 =	sshll.u32 s0, $0x5;
	s11 =	sadd.s32 @!p1 $0xFFFFFC80, s8;
	_ =	swait.ge @!p2 [sflag:s10], $0x1000  }
0x16b: {  	s0 =	sand.u32 $0x3FE0, s0;
	s12 =	sand.u32 @!p1 $0xFFF8, s11;
	[sflag:s10] =	ssyncset.done @!p2 $0x0  }
0x16c: {  	s0 =	sadd.s32 s0, s1;
	s12 =	sshrl.u32 @!p1 s12, $0x3;
	[sflag:s10] =	ssyncadd.s32 @!p2 $0xFFFFF000  }
0x16d: {  	[tilespmem:s18], [sflag:$0x15] =	stream.linear.gather [spmem:s0], $0x1000, $0x38;
	[tilespmem:$0x10720] =	vst v63  }
0x16e: {  	s0 =	smul.u32 @!p1 $0x147B, s12;
	_ =	swait.ge [sflag:s14], $0x1000  }
0x16f: {  	s20 =	simm.s32 $0x2;
	[sflag:s14] =	ssyncset.done $0x0  }
0x170: {  	s9 =	sadd.s32 $0x480, s24;
	s0 =	sshrl.u32 @!p1 s0, $0x11;
	[sflag:s14] =	ssyncadd.s32 $0xFFFFF000  }
0x171: {  	[tilespmem:s18], [sflag:$0xA] =	stream.indirect.gather.add.f32 [hbm:s4], $0x20, s9, s26, $0xb8;
	[tilespmem:$0x10720] =	vst v63  }
0x172: {  	s22 =	simm.s32 $0x7720;
	s0 =	smul.u32 @!p1 $0xC8, s0;
	_ =	swait.ge [sflag:s20], $0x1000  }
0x173: {  	s10 =	simm.s32 @!p1 $0xB;
	s21 =	rddreg [dreg:$0xa];
	[sflag:s20] =	ssyncset.done $0x0  }
0x174: {  	s0 =	ssub.s32 @!p1 s11, s0;
	[sflag:s20] =	ssyncadd.s32 $0xFFFFF000;
	s9 =	sadd.s32 s13, s21  }
0x175: {  	[hbm4b:s9+s2] =	stream.linear.scatter [tilespmem:s22], [sflag:$0xC], $0x1000, $0x38;
	[tilespmem:$0x10720] =	vst v63  }
0x176: {  	s15 =	simm.s32 @!p1 $0x6720;
	s0 =	sshll.u32 @!p1 s0, $0x5;
	_ =	swait.ge @!p1 [sflag:s10], $0x1000  }
0x177: {  	s12 =	sadd.s32 @!p1 $0xFFFFFD00, s8;
	s0 =	sand.u32 @!p1 $0x3FE0, s0;
	[sflag:s10] =	ssyncset.done @!p1 $0x0  }
0x178: {  	s11 =	sand.u32 @!p1 $0xFFF8, s12;
	s0 =	sadd.s32 @!p1 s0, s1;
	[sflag:s10] =	ssyncadd.s32 @!p1 $0xFFFFF000  }
0x179: {  	[tilespmem:s15], [sflag:$0x15] =	stream.linear.gather @!p1 [spmem:s0], $0x1000, $0x38;
	[tilespmem:$0x10720] =	vst v63  }
0x17a: {  	s9 =	simm.s32 @!p1 $0x15;
	s0 =	sshrl.u32 @!p1 s11, $0x3  }
0x17b: {  	s10 =	sshra.s32 @!p1 s13, $0x2;
	_ =	swait.ge @!p1 [sflag:s9], $0x1000;
	s0 =	smul.u32 @!p1 $0x147B, s0  }
0x17c: {  	s16 =	sadd.s32 @!p1 $0x500, s10;
	[sflag:s9] =	ssyncset.done @!p1 $0x0  }
0x17d: {  	s11 =	simm.s32 @!p1 $0x80;
	[sflag:s9] =	ssyncadd.s32 @!p1 $0xFFFFF000;
	s0 =	sshrl.u32 @!p1 s0, $0x11  }
0x17e: {  	[tilespmem:s15], [sflag:$0x1] =	stream.indirect.gather.add.f32 @!p1 [hbm:s4], $0x20, s16, s11, $0xb8;
	[tilespmem:$0x10720] =	vst v63  }
0x17f: {  	s23 =	simm.s32 $0x3;
	s0 =	smul.u32 @!p1 $0xC8, s0  }
0x180: {  	s25 =	simm.s32 $0x8720;
	_ =	swait.ge [sflag:s23], $0x1000  }
0x181: {  	s24 =	rddreg [dreg:$0x9];
	s0 =	ssub.s32 @!p1 s12, s0;
	[sflag:s23] =	ssyncset.done $0x0  }
0x182: {  	s12 =	simm.s32 @!p1 $0xC;
	[sflag:s23] =	ssyncadd.s32 $0xFFFFF000;
	s15 =	sadd.s32 s13, s24  }
0x183: {  	[hbm4b:s15+s2] =	stream.linear.scatter [tilespmem:s25], [sflag:$0xD], $0x1000, $0x38;
	[tilespmem:$0x10720] =	vst v63  }
0x184: {  	s0 =	sshll.u32 @!p1 s0, $0x5;
	_ =	swait.ge @!p1 [sflag:s12], $0x1000  }
0x185: {  	s15 =	sadd.s32 @!p1 $0xFFFFFD80, s8;
	s0 =	sand.u32 @!p1 $0x3FE0, s0;
	[sflag:s12] =	ssyncset.done @!p1 $0x0  }
0x186: {  	s0 =	sadd.s32 @!p1 s0, s1;
	[sflag:s12] =	ssyncadd.s32 @!p1 $0xFFFFF000;
	s12 =	simm.s32 @!p1 $0x7720  }
0x187: {  	[tilespmem:s12], [sflag:$0x15] =	stream.linear.gather @!p1 [spmem:s0], $0x1000, $0x38;
	[tilespmem:$0x10720] =	vst v63  }
0x188: {  	s0 =	sand.u32 @!p1 $0xFFF8, s15;
	_ =	swait.ge @!p1 [sflag:s9], $0x1000  }
0x189: {  	s0 =	sshrl.u32 @!p1 s0, $0x3;
	[sflag:s9] =	ssyncset.done @!p1 $0x0  }
0x18a: {  	s16 =	sadd.s32 @!p1 $0x580, s10;
	s0 =	smul.u32 @!p1 $0x147B, s0;
	[sflag:s9] =	ssyncadd.s32 @!p1 $0xFFFFF000  }
0x18b: {  	[tilespmem:s12], [sflag:$0x2] =	stream.indirect.gather.add.f32 @!p1 [hbm:s4], $0x20, s16, s11, $0xb8;
	[tilespmem:$0x10720] =	vst v63  }
0x18c: {  	s0 =	sshrl.u32 @!p1 s0, $0x11  }
0x18d: {  	s26 =	simm.s32 $0x4;
	s0 =	smul.u32 @!p1 $0xC8, s0  }
0x18e: {  	s31 =	simm.s32 $0x9720;
	_ =	swait.ge [sflag:s26], $0x1000  }
0x18f: {  	s29 =	rddreg [dreg:$0x8];
	[sflag:s26] =	ssyncset.done $0x0;
	s0 =	ssub.s32 @!p1 s15, s0  }
0x190: {  	[sflag:s26] =	ssyncadd.s32 $0xFFFFF000;
	s12 =	sadd.s32 s13, s29;
	s15 =	simm.s32 @!p1 $0xD  }
0x191: {  	[hbm4b:s12+s2] =	stream.linear.scatter [tilespmem:s31], [sflag:$0xE], $0x1000, $0x38;
	[tilespmem:$0x10720] =	vst v63  }
0x192: {  	s0 =	sshll.u32 @!p1 s0, $0x5;
	_ =	swait.ge @!p1 [sflag:s15], $0x1000  }
0x193: {  	s12 =	sadd.s32 @!p1 $0xFFFFFE00, s8;
	s0 =	sand.u32 @!p1 $0x3FE0, s0;
	[sflag:s15] =	ssyncset.done @!p1 $0x0  }
0x194: {  	s0 =	sadd.s32 @!p1 s0, s1;
	[sflag:s15] =	ssyncadd.s32 @!p1 $0xFFFFF000;
	s15 =	simm.s32 @!p1 $0x8720  }
0x195: {  	[tilespmem:s15], [sflag:$0x15] =	stream.linear.gather @!p1 [spmem:s0], $0x1000, $0x38;
	[tilespmem:$0x10720] =	vst v63  }
0x196: {  	s0 =	sand.u32 @!p1 $0xFFF8, s12;
	_ =	swait.ge @!p1 [sflag:s9], $0x1000  }
0x197: {  	s0 =	sshrl.u32 @!p1 s0, $0x3;
	[sflag:s9] =	ssyncset.done @!p1 $0x0  }
0x198: {  	s16 =	sadd.s32 @!p1 $0x600, s10;
	s0 =	smul.u32 @!p1 $0x147B, s0;
	[sflag:s9] =	ssyncadd.s32 @!p1 $0xFFFFF000  }
0x199: {  	[tilespmem:s15], [sflag:$0x3] =	stream.indirect.gather.add.f32 @!p1 [hbm:s4], $0x20, s16, s11, $0xb8;
	[tilespmem:$0x10720] =	vst v63  }
0x19a: {  	s0 =	sshrl.u32 @!p1 s0, $0x11  }
0x19b: {  	s21 =	simm.s32 $0xA720;
	_ =	swait.ge [sflag:s28], $0x1000;
	s0 =	smul.u32 @!p1 $0xC8, s0  }
0x19c: {  	s15 =	simm.s32 @!p1 $0xE;
	s16 =	rddreg [dreg:$0x7];
	[sflag:s28] =	ssyncset.done $0x0  }
0x19d: {  	s0 =	ssub.s32 @!p1 s12, s0;
	[sflag:s28] =	ssyncadd.s32 $0xFFFFF000;
	s20 =	sadd.s32 s13, s16  }
0x19e: {  	[hbm4b:s20+s2] =	stream.linear.scatter [tilespmem:s21], [sflag:$0xF], $0x1000, $0x38;
	[tilespmem:$0x10720] =	vst v63  }
0x19f: {  	s0 =	sshll.u32 @!p1 s0, $0x5;
	_ =	swait.ge @!p1 [sflag:s15], $0x1000  }
0x1a0: {  	s12 =	sadd.s32 @!p1 $0xFFFFFE80, s8;
	s0 =	sand.u32 @!p1 $0x3FE0, s0;
	[sflag:s15] =	ssyncset.done @!p1 $0x0  }
0x1a1: {  	s0 =	sadd.s32 @!p1 s0, s1;
	[sflag:s15] =	ssyncadd.s32 @!p1 $0xFFFFF000;
	s15 =	simm.s32 @!p1 $0x9720  }
0x1a2: {  	[tilespmem:s15], [sflag:$0x15] =	stream.linear.gather @!p1 [spmem:s0], $0x1000, $0x38;
	[tilespmem:$0x10720] =	vst v63  }
0x1a3: {  	s0 =	sand.u32 @!p1 $0xFFF8, s12;
	_ =	swait.ge @!p1 [sflag:s9], $0x1000  }
0x1a4: {  	s0 =	sshrl.u32 @!p1 s0, $0x3;
	[sflag:s9] =	ssyncset.done @!p1 $0x0  }
0x1a5: {  	s16 =	sadd.s32 @!p1 $0x680, s10;
	s0 =	smul.u32 @!p1 $0x147B, s0;
	[sflag:s9] =	ssyncadd.s32 @!p1 $0xFFFFF000  }
0x1a6: {  	[tilespmem:s15], [sflag:$0x4] =	stream.indirect.gather.add.f32 @!p1 [hbm:s4], $0x20, s16, s11, $0xb8;
	[tilespmem:$0x10720] =	vst v63  }
0x1a7: {  	s0 =	sshrl.u32 @!p1 s0, $0x11  }
0x1a8: {  	s24 =	simm.s32 $0xB720;
	_ =	swait.ge [sflag:s30], $0x1000;
	s0 =	smul.u32 @!p1 $0xC8, s0  }
0x1a9: {  	s15 =	simm.s32 @!p1 $0xF;
	s22 =	rddreg [dreg:$0x6];
	[sflag:s30] =	ssyncset.done $0x0  }
0x1aa: {  	s0 =	ssub.s32 @!p1 s12, s0;
	[sflag:s30] =	ssyncadd.s32 $0xFFFFF000;
	s23 =	sadd.s32 s13, s22  }
0x1ab: {  	[hbm4b:s23+s2] =	stream.linear.scatter [tilespmem:s24], [sflag:$0x10], $0x1000, $0x38;
	[tilespmem:$0x10720] =	vst v63  }
0x1ac: {  	s0 =	sshll.u32 @!p1 s0, $0x5;
	_ =	swait.ge @!p1 [sflag:s15], $0x1000  }
0x1ad: {  	s12 =	sadd.s32 @!p1 $0xFFFFFF00, s8;
	s0 =	sand.u32 @!p1 $0x3FE0, s0;
	[sflag:s15] =	ssyncset.done @!p1 $0x0  }
0x1ae: {  	s0 =	sadd.s32 @!p1 s0, s1;
	[sflag:s15] =	ssyncadd.s32 @!p1 $0xFFFFF000;
	s15 =	simm.s32 @!p1 $0xA720  }
0x1af: {  	[tilespmem:s15], [sflag:$0x15] =	stream.linear.gather @!p1 [spmem:s0], $0x1000, $0x38;
	[tilespmem:$0x10720] =	vst v63  }
0x1b0: {  	s0 =	sand.u32 @!p1 $0xFFF8, s12;
	_ =	swait.ge @!p1 [sflag:s9], $0x1000  }
0x1b1: {  	s0 =	sshrl.u32 @!p1 s0, $0x3;
	[sflag:s9] =	ssyncset.done @!p1 $0x0  }
0x1b2: {  	s16 =	sadd.s32 @!p1 $0x700, s10;
	s0 =	smul.u32 @!p1 $0x147B, s0;
	[sflag:s9] =	ssyncadd.s32 @!p1 $0xFFFFF000  }
0x1b3: {  	[tilespmem:s15], [sflag:$0x5] =	stream.indirect.gather.add.f32 @!p1 [hbm:s4], $0x20, s16, s11, $0xb8;
	[tilespmem:$0x10720] =	vst v63  }
0x1b4: {  	s0 =	sshrl.u32 @!p1 s0, $0x11  }
0x1b5: {  	s29 =	simm.s32 $0xC720;
	_ =	swait.ge [sflag:s3], $0x1000;
	s0 =	smul.u32 @!p1 $0xC8, s0  }
0x1b6: {  	s15 =	simm.s32 @!p1 $0x10;
	s25 =	rddreg [dreg:$0x5];
	[sflag:s3] =	ssyncset.done $0x0  }
0x1b7: {  	s0 =	ssub.s32 @!p1 s12, s0;
	[sflag:s3] =	ssyncadd.s32 $0xFFFFF000;
	s26 =	sadd.s32 s13, s25  }
0x1b8: {  	[hbm4b:s26+s2] =	stream.linear.scatter [tilespmem:s29], [sflag:$0x11], $0x1000, $0x38;
	[tilespmem:$0x10720] =	vst v63  }
0x1b9: {  	s0 =	sshll.u32 @!p1 s0, $0x5;
	_ =	swait.ge @!p1 [sflag:s15], $0x1000  }
0x1ba: {  	s0 =	sand.u32 @!p1 $0x3FE0, s0;
	[sflag:s15] =	ssyncset.done @!p1 $0x0  }
0x1bb: {  	s12 =	simm.s32 @!p1 $0xB720;
	s0 =	sadd.s32 @!p1 s0, s1;
	[sflag:s15] =	ssyncadd.s32 @!p1 $0xFFFFF000  }
0x1bc: {  	[tilespmem:s12], [sflag:$0x15] =	stream.linear.gather @!p1 [spmem:s0], $0x1000, $0x38;
	[tilespmem:$0x10720] =	vst v63  }
0x1bd: {  	_ =	swait.ge @!p1 [sflag:s9], $0x1000  }
0x1be: {  	[sflag:s9] =	ssyncset.done @!p1 $0x0  }
0x1bf: {  	s15 =	sadd.s32 @!p1 $0x780, s10;
	s0 =	sadd.s32 @!p1 $0xFFFFFF80, s8;
	[sflag:s9] =	ssyncadd.s32 @!p1 $0xFFFFF000  }
0x1c0: {  	[tilespmem:s12], [sflag:$0x6] =	stream.indirect.gather.add.f32 @!p1 [hbm:s4], $0x20, s15, s11, $0xb8;
	[tilespmem:$0x10720] =	vst v63  }
0x1c1: {  	s12 =	sand.u32 @!p1 $0xFFF8, s0  }
0x1c2: {  	s12 =	sshrl.u32 @!p1 s12, $0x3  }
0x1c3: {  	s12 =	smul.u32 @!p1 $0x147B, s12  }
0x1c4: {  	_ =	swait.ge [sflag:s5], $0x1000  }
0x1c5: {  	s31 =	rddreg [dreg:$0x4];
	[sflag:s5] =	ssyncset.done $0x0;
	s12 =	sshrl.u32 @!p1 s12, $0x11  }
0x1c6: {  	[sflag:s5] =	ssyncadd.s32 $0xFFFFF000;
	s15 =	sadd.s32 s13, s31;
	s12 =	smul.u32 @!p1 $0xC8, s12  }
0x1c7: {  	[hbm4b:s15+s2] =	stream.linear.scatter [tilespmem:s19], [sflag:$0x12], $0x1000, $0x38;
	[tilespmem:$0x10720] =	vst v63  }
0x1c8: {  	s0 =	ssub.s32 @!p1 s0, s12;
	s12 =	simm.s32 @!p1 $0x11  }
0x1c9: {  	s0 =	sshll.u32 @!p1 s0, $0x5;
	_ =	swait.ge @!p1 [sflag:s12], $0x1000  }
0x1ca: {  	s0 =	sand.u32 @!p1 $0x3FE0, s0;
	[sflag:s12] =	ssyncset.done @!p1 $0x0  }
0x1cb: {  	s0 =	sadd.s32 @!p1 s0, s1;
	[sflag:s12] =	ssyncadd.s32 @!p1 $0xFFFFF000;
	s12 =	simm.s32 @!p1 $0xC720  }
0x1cc: {  	[tilespmem:s12], [sflag:$0x15] =	stream.linear.gather @!p1 [spmem:s0], $0x1000, $0x38;
	[tilespmem:$0x10720] =	vst v63  }
0x1cd: {  	_ =	swait.ge @!p1 [sflag:s9], $0x1000  }
0x1ce: {  	[sflag:s9] =	ssyncset.done @!p1 $0x0  }
0x1cf: {  	s0 =	sadd.s32 @!p1 $0x800, s10;
	[sflag:s9] =	ssyncadd.s32 @!p1 $0xFFFFF000  }
0x1d0: {  	[tilespmem:s12], [sflag:$0x7] =	stream.indirect.gather.add.f32 @!p1 [hbm:s4], $0x20, s0, s11, $0xb8;
	[tilespmem:$0x10720] =	vst v63  }
0x1d1: {  	s0 =	sand.u32 @!p1 $0xFFF8, s8  }
0x1d2: {  	s0 =	sshrl.u32 @!p1 s0, $0x3  }
0x1d3: {  	s0 =	smul.u32 @!p1 $0x147B, s0  }
0x1d4: {  	_ =	swait.ge [sflag:s6], $0x1000  }
0x1d5: {  	s15 =	rddreg [dreg:$0xd];
	[sflag:s6] =	ssyncset.done $0x0;
	s0 =	sshrl.u32 @!p1 s0, $0x11  }
0x1d6: {  	[sflag:s6] =	ssyncadd.s32 $0xFFFFF000;
	s12 =	sadd.s32 s13, s15;
	s0 =	smul.u32 @!p1 $0xC8, s0  }
0x1d7: {  	[hbm4b:s12+s2] =	stream.linear.scatter [tilespmem:s17], [sflag:$0x13], $0x1000, $0x38;
	[tilespmem:$0x10720] =	vst v63  }
0x1d8: {  	s0 =	ssub.s32 @!p1 s8, s0;
	s8 =	simm.s32 @!p1 $0x12  }
0x1d9: {  	s0 =	sshll.u32 @!p1 s0, $0x5;
	_ =	swait.ge @!p1 [sflag:s8], $0x1000  }
0x1da: {  	s0 =	sand.u32 @!p1 $0x3FE0, s0;
	[sflag:s8] =	ssyncset.done @!p1 $0x0  }
0x1db: {  	s0 =	sadd.s32 @!p1 s0, s1;
	[sflag:s8] =	ssyncadd.s32 @!p1 $0xFFFFF000;
	s8 =	simm.s32 @!p1 $0xD720  }
0x1dc: {  	[tilespmem:s8], [sflag:$0x15] =	stream.linear.gather @!p1 [spmem:s0], $0x1000, $0x38;
	[tilespmem:$0x10720] =	vst v63  }
0x1dd: {  	_ =	swait.ge @!p1 [sflag:s9], $0x1000  }
0x1de: {  	[sflag:s9] =	ssyncset.done @!p1 $0x0  }
0x1df: {  	s0 =	sadd.s32 @!p1 $0x880, s10;
	[sflag:s9] =	ssyncadd.s32 @!p1 $0xFFFFF000  }
0x1e0: {  	[tilespmem:s8], [sflag:$0x8] =	stream.indirect.gather.add.f32 @!p1 [hbm:s4], $0x20, s0, s11, $0xb8;
	[tilespmem:$0x10720] =	vst v63  }
0x1e1: {  	_ =	swait.ge [sflag:s7], $0x1000  }
0x1e2: {  	s16 =	rddreg [dreg:$0xc];
	[sflag:s7] =	ssyncset.done $0x0  }
0x1e3: {  	s17 =	simm.s32 $0xB;
	s0 =	sadd.s32 s13, s16;
	[sflag:s7] =	ssyncadd.s32 $0xFFFFF000  }
0x1e4: {  	[hbm4b:s0+s2] =	stream.linear.scatter [tilespmem:s18], [sflag:$0x14], $0x1000, $0x38;
	[tilespmem:$0x10720] =	vst v63  }
0x1e5: {  	_ =	swait.ge [sflag:s17], $0x1000  }
0x1e6: {  	[sflag:s17] =	ssyncset.done $0x0  }
0x1e7: {  	s18 =	simm.s32 $0xC;
	[sflag:s17] =	ssyncadd.s32 $0xFFFFF000  }
0x1e8: {  	_ =	swait.ge [sflag:s18], $0x1000  }
0x1e9: {  	[sflag:s18] =	ssyncset.done $0x0  }
0x1ea: {  	s19 =	simm.s32 $0xD;
	[sflag:s18] =	ssyncadd.s32 $0xFFFFF000  }
0x1eb: {  	_ =	swait.ge [sflag:s19], $0x1000  }
0x1ec: {  	[sflag:s19] =	ssyncset.done $0x0  }
0x1ed: {  	s20 =	simm.s32 $0xE;
	[sflag:s19] =	ssyncadd.s32 $0xFFFFF000  }
0x1ee: {  	_ =	swait.ge [sflag:s20], $0x1000  }
0x1ef: {  	[sflag:s20] =	ssyncset.done $0x0  }
0x1f0: {  	s21 =	simm.s32 $0xF;
	[sflag:s20] =	ssyncadd.s32 $0xFFFFF000  }
0x1f1: {  	_ =	swait.ge [sflag:s21], $0x1000  }
0x1f2: {  	[sflag:s21] =	ssyncset.done $0x0  }
0x1f3: {  	s22 =	simm.s32 $0x10;
	[sflag:s21] =	ssyncadd.s32 $0xFFFFF000  }
0x1f4: {  	_ =	swait.ge [sflag:s22], $0x1000  }
0x1f5: {  	[sflag:s22] =	ssyncset.done $0x0  }
0x1f6: {  	s23 =	simm.s32 $0x11;
	[sflag:s22] =	ssyncadd.s32 $0xFFFFF000  }
0x1f7: {  	_ =	swait.ge [sflag:s23], $0x1000  }
0x1f8: {  	[sflag:s23] =	ssyncset.done $0x0  }
0x1f9: {  	s24 =	simm.s32 $0x12;
	[sflag:s23] =	ssyncadd.s32 $0xFFFFF000  }
0x1fa: {  	_ =	swait.ge [sflag:s24], $0x1000  }
0x1fb: {  	[sflag:s24] =	ssyncset.done $0x0  }
0x1fc: {  	s25 =	simm.s32 $0x13;
	[sflag:s24] =	ssyncadd.s32 $0xFFFFF000  }
0x1fd: {  	_ =	swait.ge [sflag:s25], $0x1000  }
0x1fe: {  	[sflag:s25] =	ssyncset.done $0x0  }
0x1ff: {  	s26 =	simm.s32 $0x14;
	[sflag:s25] =	ssyncadd.s32 $0xFFFFF000  }
0x200: {  	_ =	swait.ge [sflag:s26], $0x1000  }
0x201: {  	s29 =	rddreg [dreg:$0x18]  }
0x202: {  	s31 =	rddreg [dreg:$0x17];
	s9 =	sadd.s32 $0x1, s29  }
0x203: {  	p1 =	sne.s32 s9, s31  }
.Ltmp1:
0x204: {  	_ = 	snop;
	(pc) =	sbr.rel @p1 .LBB2_1-.Ltmp1, $3  }
0x205: {  	_ =	sdelay $0x1  }
0x206: {  	[sflag:s26] =	ssyncset.done $0x0  }
0x207: {  	[sflag:s26] =	ssyncadd.s32 $0xFFFFF000  }
0x208: {  	_ =	sfence.sel $0x180000  }
0x209: {  	[bflag:$0x0] =	sbarrier.arrive $0xFFFF  }
0x20a: {  	_ =	strace $0x90000047  }
0x20b: {  	[bflag:$0x2] =	sbarrier.arrive $0xFFFF  }
0x20c: {  	s0 =	rddreg [dreg:$0x3]  }
0x20d: {  	s0 =	sadd.s32 @!p0 $0x100000, s0  }
0x20e: {  	[sflag:s0] =	ssyncadd.tile.s32 @!p0 $0x1;
	_ =	shalt  }
.Lfunc_end2:
_tile_overlayer_lowered:
.L_overlay_start_2:
0x20f: {  	(tag) =	ssettag $0x2  }
0x210: {  	s0 =	rddreg [dreg:$0x0];
	s2 =	stileid.u32  }
0x211: {  	s1 =	rddreg [dreg:$0x1];
	p0 =	sne.s32 s2, $0x0  }
0x212: {  	s3 =	rddreg [dreg:$0x2];
	[bflag:$0x3] =	sbarrier.arrive $0xFFFF;
	s2 =	simm.s32 @!p0 $0x1C15  }
0x213: {  	[timem:s3], [sflag:s2] =	dma.local @!p0 [hbm:s0], s1  }
0x214: {  	s0 =	simm.s32 @!p0 $0x15  }
0x215: {  	_ =	swait.ge @!p0 [sflag:s0], s1  }
0x216: {  	s1 =	ssub.s32 @!p0 $0x0, s1;
	[sflag:s0] =	ssyncset.done @!p0 $0x0  }
0x217: {  	[sflag:s0] =	ssyncadd.s32 @!p0 s1  }
0x218: {  	[bflag:$0x3] =	sbarrier.arrive $0xFFFF  }
0x219: {  	_ =	shalt  }

// kernel: sparse-core-data-format-call.cloned.1.call-start
scs
called_computation_lowered:
.L_overlay_start_0:
0x0: {  	s2 =	sld [smem:$0x3FD9]  }
0x1: {  	s3 =	sld [smem:$0x3FFE];
	_ =	sdelay $0x1  }
0x2: {  	s1 =	srdreg.scid  }
0x3: {  	s0 =	sand.u32 $0x1, s1  }
0x4: {  	s18 =	sshll.u32 s0, $0xA;
	s2 =	sadd.s32 s3, s2  }
0x5: {  	s2 =	sadd.s32 s2, s18  }
0x6: {  	[smem:$0x3FC5] =	sst s2  }
0x7: {  	_ = 	snop  }
0x8: {  	s2 =	sld [smem:$0x3FD0];
	(tm) =	ssettm $0x1  }
0x9: {  	s19 =	sld [smem:$0x3FFB];
	_ =	sdelay $0x3  }
0xa: {  	_ =	strace s19  }
0xb: {  	s3 =	sld [smem:$0x3FFC];
	_ =	sdelay $0x3  }
0xc: {  	_ =	strace s3  }
0xd: {  	s3 =	sld [smem:$0x3FFD];
	_ =	sdelay $0x3  }
0xe: {  	_ =	strace s3  }
0xf: {  	_ =	strace $0x8FFFFFFF  }
0x10: {  	s20 =	sld [smem:$0x3FDB];
	_ =	sdelay $0x1  }
0x11: {  	s4 =	simm.s32 $_scs_section_size  }
0x12: {  	s5 =	simm.s32 $_size__tile_overlayer_lowered;
	s6 =	simm.s32 $_tile_overlayer_lowered  }
0x13: {  	s23 =	simm.s32 $0x1BFF;
	s22 =	sshll.u32 s6, $0x1;
	s3 =	sadd.s32 s4, s20  }
0x14: {  	s7 =	simm.s32 $0x0;
	s21 =	sshll.u32 s5, $0x1;
	s5 =	sadd.s32 s22, s3  }
0x15: {  	[timem:s7], [sflag:s23] =	dma.local [hbm:s5], s21  }
0x16: {  	_ =	swait.ge [sflag:s23], s21  }
0x17: {  	s4 =	ssub.s32 $0x0, s21;
	[sflag:s23] =	ssyncset.done $0x0  }
0x18: {  	[sflag:s23] =	ssyncadd.s32 s4;
	_ =	sdelay $0x1  }
0x19: {  	s24 =	simm.s32 $0x1B8B  }
0x1a: {  	_ =	swait.ge [sflag:s24], $0x1  }
0x1b: {  	[sflag:s24] =	ssyncset.done $0x0  }
0x1c: {  	s26 =	simm.s32 $0x1B8E;
	s25 =	sld [smem:$0x3FFE];
	[sflag:s24] =	ssyncadd.s32 $0xFFFFFFFF  }
0x1d: {  	s27 =	simm.s32 $execute0_lowered;
	[smem:$0x3FD2] =	sst s26  }
0x1e: {  	s5 =	sshll.u32 s27, $0x1;
	_ =	strace $0x80000049;
	[dreg:$0x1] =	wrdreg $0xFFFFFFFF  }
0x1f: {  	s28 =	simm.s32 $_size_execute0_lowered;
	s3 =	sadd.s32 s3, s5;
	[dreg:$0x0] =	wrdreg $0x0  }
0x20: {  	s5 =	sshll.u32 s28, $0x1;
	[dreg:$0x2] =	wrdreg s3  }
0x21: {  	[dreg:$0x3] =	wrdreg s5  }
0x22: {  	[dreg:$0x4] =	wrdreg $0xC0  }
0x23: {  	_ =	task [dreg:s7], $0x5FFFF  }
0x24: {  	[dreg:$0x1] =	wrdreg $0xFFFFFFFF  }
0x25: {  	[dreg:$0x0] =	wrdreg $0x60  }
0x26: {  	[dreg:$0x2] =	wrdreg s25  }
0x27: {  	[dreg:$0x3] =	wrdreg s2  }
0x28: {  	[dreg:$0x4] =	wrdreg $0x9  }
0x29: {  	_ =	task.clear_ibuf [dreg:s7], $0x5FFFF;
	_ =	strace $0x90000049  }
0x2a: {  	s29 =	simm.s32 $0x9;
	_ =	strace $0x8000004B  }
0x2b: {  	_ =	swait.ge [sflag:s29], $0x1  }
0x2c: {  	[sflag:s29] =	ssyncadd.s32 $0xFFFFFFFF  }
0x2d: {  	_ =	strace $0x9000004B  }
0x2e: {  	_ =	sfence  }
0x2f: {  	s30 =	sld [smem:$0x0];
	_ =	sdelay $0x2  }
0x30: {  	s31 =	sshll.u32 s1, $0xD;
	s1 =	sshrl.u32 s1, $0x2  }
0x31: {  	s3 =	sand.u32 $0x4000, s31;
	s1 =	sadd.s32 s1, s30  }
0x32: {  	s0 =	sor.u32 s3, s0;
	s1 =	sshll.u32 s1, $0x11  }
0x33: {  	s0 =	sor.u32 s1, s0  }
0x34: {  	s0 =	sadd.s32 $0x8F2B, s0  }
0x35: {  	[sflag:s0] =	ssyncadd.remote.s32 $0x1  }
0x36: {  	_ =	sfence.sel $0xFFFF  }
0x37: {  	[dreg:$0x0] =	wrdreg $0xFFFFFFFF;
	(pc) =	sbr.abs _section_cstart, $3  }
0x38: {  	[dreg:$0x1] =	wrdreg $0xFFFFFFFF  }
0x39: {  	_ =	task.clear_ibuf [dreg:s7], $0x2FFFF;
	_ =	strace $0x9FFFFFFF  }
0x3a: {  	(tm) =	ssettm $0x7FFFFFFF  }
0x3b: {  	_ =	shalt  }
tec
execute0_lowered:
.L_overlay_start_1:
0x0: {  	(tag) =	ssettag $0x1  }
0x1: {  	s0 =	srdreg.scid  }
0x2: {  	s1 =	sshll.u32 s0, $0x4  }
0x3: {  	s0 =	stileid.u32;
	s1 =	sand.u32 $0x10, s1  }
0x4: {  	s1 =	sor.u32 s0, s1  }
0x5: {  	s6 =	rddreg [dreg:$0x0];
	s4 =	simm.s32 $0x1;
	s2 =	sshll.u32 s1, $0x7  }
0x6: {  	s7 =	simm.s32 $0x2;
	s12 =	simm.s32 $0x0;
	s1 =	ssub.s32 $0x1000, s2  }
0x7: {  	s8 =	simm.s32 $0x8000;
	s13 =	simm.s32 $0x0;
	s3 =	sand.u32 $0xF80, s1  }
0x8: {  	s9 =	simm.s32 $0x0;
	s5 =	sshrl.u32 s1, $0xC;
	p0 =	sne.s32 s3, $0x0  }
.Ltmp0:
0x9: {  	s1 =	rddreg [dreg:$0x2];
	s4 =	simm.s32 @!p0 $0x0;
	(pc) =	sbr.rel .LBB1_1-.Ltmp0, $4  }
0xa: {  	s11 =	simm.s32 $0x0;
	s3 =	rddreg [dreg:$0x1];
	s5 =	sadd.s32 s4, s5  }
0xb: {  	_ =	strace $0x8000004A;
	s4 =	simm.s32 $0x1;
	s5 =	smul.u32 $0xC8, s5  }
0xc: {  	s6 =	sadd.s32 $0xC00, s6;
	s10 =	smov.u32 s2;
	[sflag:s4] =	ssyncpa.u1 $0x0  }
0xd: {  	p0 =	por $0x0, $0x0;
	[sflag:s7] =	ssyncpa.u1 $0x0;
	s7 =	sor.u32 $0x1, s5  }
.LBB1_4:
0xe: {  	s16 =	sshll.u32 s13, $0x3;
	s17 =	sand.u32 $0x78, s13  }
0xf: {  	s30 =	sand.u32 $0x3E00, s13;
	s12 =	sshll.u32 s12, $0xE;
	s16 =	sand.u32 $0xC00, s16  }
0x10: {  	s31 =	sand.u32 $0x7, s13;
	s16 =	sor.u32 s17, s16;
	s17 =	sadd.s32 s3, s30  }
0x11: {  	s13 =	sshll.u32 s31, $0x12;
	s16 =	sshrl.u32 s16, $0x3;
	s12 =	sadd.s32 s12, s17  }
0x12: {  	[tilespmem:s15+$0x0 ss:$0x81] =	vst.msk $0xffff, v0;
	s13 =	sor.u32 $0x400, s13;
	s12 =	sadd.s32 s16, s12  }
0x13: {  	[hbm4b:s12+s13] =	stream.strided.scatter [tilespmem:s14], [sflag:$0x2], $0x1000, s8, s13, $0x20;
	[tilespmem:$0x4040] =	vst v63  }
.LBB1_5:
0x14: {  	s14 =	sadd.s32 $0x1, s9  }
0x15: {  	s12 =	sadd.s32 $0x1000, s10;
	s16 =	smov.u32 s10;
	p2 =	sgt.s32 s14, $0xC7  }
0x16: {  	s16 =	smov.u32 @p2 s12  }
0x17: {  	s14 =	simm.s32 @p2 $0x0;
	p2 =	sgt.s32 s16, $0xFFF  }
0x18: {  	s16 =	smov.u32 @p2 s2;
	p2 =	sne.s32 s11, s7  }
.Ltmp1:
0x19: {  	p1 =	slt.u32 s11, $0x2;
	(pc) =	sbr.rel @!p2 .LBB1_6-.Ltmp1, $4  }
0x1a: {  	s15 =	simm.s32 @!p1 $0x2  }
0x1b: {  	s13 =	smov.u32 s10;
	p0 =	por !p0, !p0;
	_ =	swait.ge @!p1 [sflag:s15], $0x1000  }
0x1c: {  	s12 =	smov.u32 s9;
	[sflag:s15] =	ssyncset.done @!p1 $0x0;
	s9 =	smov.u32 s14  }
0x1d: {  	s11 =	sadd.s32 $0x1, s11;
	[sflag:s15] =	ssyncadd.s32 @!p1 $0xFFFFF000;
	s10 =	smov.u32 s16  }
.LBB1_1:
0x1e: {  	p1 =	sge.u32 s11, s5  }
0x1f: {  	s14 =	sand.u32 @!p1 $0x1FFFFFF, s9  }
0x20: {  	s15 =	smulhi.u32 @!p1 $0x147AE15, s14;
	_ =	sdelay $0x1  }
0x21: {  	s15 =	smul.u32 @!p1 $0xC8, s15  }
0x22: {  	s16 =	sxor.u32 @!p1 $0xFFFFFFFF, s11;
	s17 =	smul.u32 @!p1 $0xC80, s10  }
0x23: {  	s31 =	sadd.s32 $0xFFFFFFFF, s11;
	s16 =	sshll.u32 @!p1 s16, $0xC;
	s14 =	ssub.s32 @!p1 s14, s15  }
0x24: {  	s15 =	sand.u32 @!p1 $0x1000, s16;
	s16 =	sadd.s32 @!p1 s6, s17;
	s14 =	sshll.u32 @!p1 s14, $0x4  }
0x25: {  	s17 =	simm.s32 @!p1 $0x6400;
	s14 =	sadd.s32 @!p1 s14, s16;
	s16 =	simm.s32 @!p1 $0x20  }
0x26: {  	[tilespmem:s15], [sflag:$0x1] =	stream.strided.gather @!p1 [hbm4b:s14+s16], $0x1000, s17, s16, $0x38;
	[tilespmem:$0x4040] =	vst v63  }
0x27: {  	p1 =	sge.u32 s31, s5  }
.Ltmp2:
0x28: {  	_ = 	snop;
	(pc) =	sbr.rel @p1 .LBB1_5-.Ltmp2, $1  }
0x29: {  	_ =	sdelay $0x3  }
0x2a: {  	s14 =	simm.s32 $0x1  }
0x2b: {  	_ =	swait.ge [sflag:s4], $0x1000;
	s14 =	simm.s32 @!p0 $0x0  }
0x2c: {  	[sflag:s4] =	ssyncset.done $0x0;
	s15 =	sshll.u32 s14, $0xC  }
0x2d: {  	[sflag:s4] =	ssyncadd.s32 $0xFFFFF000;
	s18 =	sor.u32 $0x10, s15  }
0x2e: {  	s14 =	smul.u32 $0x4080, s14;
	v1 =	vld [tilespmem:s18+$0x0]  }
0x2f: {  	s30 =	sand.u32 $0x1, s11;
	v0 =	vld [tilespmem:s18+$0xFFFFFFF0]  }
0x30: {  	s15 =	smul.u32 $0x4080, s30;
	s14 =	sshrl.u32 s14, $0x2  }
0x31: {  	s16 =	sor.u32 $0x2000, s14  }
0x32: {  	s31 =	sshrl.u32 s15, $0x2;
	s15 =	sadd.s32 $0x0, s16  }
0x33: {  	s17 =	simm.s32 $0x4;
	s18 =	sadd.s32 $0x20, s18;
	s14 =	sor.u32 $0x2000, s31;
	[tilespmem:s15+$0x810 ss:$0x81] =	vst.msk $0xffff, v1  }
.LBB1_3:
0x34: {  	v1 =	vld [tilespmem:s18+$0x0];
	p1 =	sne.s32 s17, $0x1FC;
	[tilespmem:s15+$0x0 ss:$0x81] =	vst.msk $0xffff, v0;
	s15 =	smov.u32 s17;
	s17 =	sadd.s32 $0x4, s17  }
.Ltmp3:
0x35: {  	v0 =	vld [tilespmem:s18+$0xFFFFFFF0];
	(pc) =	sbr.rel @p1 .LBB1_3-.Ltmp3, $4  }
0x36: {  	_ = 	snop  }
0x37: {  	s15 =	sshra.s32 s15, $0x2  }
0x38: {  	s15 =	sadd.s32 s15, s16  }
0x39: {  	s18 =	sadd.s32 $0x20, s18;
	[tilespmem:s15+$0x810 ss:$0x81] =	vst.msk $0xffff, v1  }
.Ltmp4:
0x3a: {  	_ = 	snop;
	(pc) =	sbr.rel .LBB1_4-.Ltmp4, $1  }
0x3b: {  	_ =	sdelay $0x3  }
.LBB1_6:
0x3c: {  	_ =	sfence.sel $0x180000  }
0x3d: {  	s2 =	simm.s32 $0x1;
	[bflag:$0x0] =	sbarrier.arrive $0xFFFF  }
0x3e: {  	s31 =	simm.s32 $0x2;
	[sflag:s2] =	ssyncpa.u1 $0x1  }
0x3f: {  	[sflag:s31] =	ssyncpa.u1 $0x1  }
0x40: {  	p0 =	sne.s32 s0, $0x0;
	_ =	strace $0x9000004A  }
0x41: {  	s0 =	sadd.s32 @!p0 $0x100000, s1;
	[bflag:$0x2] =	sbarrier.arrive $0xFFFF  }
0x42: {  	[sflag:s0] =	ssyncadd.tile.s32 @!p0 $0x1;
	_ =	shalt  }
.Lfunc_end1:
_tile_overlayer_lowered:
.L_overlay_start_2:
0x43: {  	(tag) =	ssettag $0x2  }
0x44: {  	s0 =	rddreg [dreg:$0x0];
	s2 =	stileid.u32  }
0x45: {  	s1 =	rddreg [dreg:$0x1];
	p0 =	sne.s32 s2, $0x0  }
0x46: {  	s3 =	rddreg [dreg:$0x2];
	[bflag:$0x3] =	sbarrier.arrive $0xFFFF;
	s2 =	simm.s32 @!p0 $0x1C01  }
0x47: {  	[timem:s3], [sflag:s2] =	dma.local @!p0 [hbm:s0], s1  }
0x48: {  	s0 =	simm.s32 @!p0 $0x1  }
0x49: {  	_ =	swait.ge @!p0 [sflag:s0], s1  }
0x4a: {  	s1 =	ssub.s32 @!p0 $0x0, s1;
	[sflag:s0] =	ssyncset.done @!p0 $0x0  }
0x4b: {  	[sflag:s0] =	ssyncadd.s32 @!p0 s1  }
0x4c: {  	[bflag:$0x3] =	sbarrier.arrive $0xFFFF  }
0x4d: {  	_ =	shalt  }

</sc_bundles>
